<compile_context>
chip_gen: v7x
topology: tpu7x:2x2x1
jax: 0.10.2.dev20260603
libtpu: 0.0.44.dev20260713+nightly
codegen_flags: <defaults>
</compile_context>

<pallas_src>
import functools

import jax
import jax.numpy as jnp
from jax import lax
from jax.experimental import pallas as pl
from jax.experimental.pallas import tpu as pltpu
from jax.experimental.pallas import tpu_sc as plsc

N_TASKS = 8
N_EXP = 64
TOPK = 2
WMI = 0.01

NC = 2
NS = 16
NW = NC * NS
LANES = 16
TOKENS = 32768
ROWS_PER_W = TOKENS // NW
CHUNK = 256
KV = N_EXP // LANES

_mesh = plsc.VectorSubcoreMesh(core_axis_name="c", subcore_axis_name="s")


@functools.partial(
    pl.kernel,
    mesh=_mesh,
    out_type=jax.ShapeDtypeStruct((NW, N_TASKS, N_EXP), jnp.float32),
    scratch_types=[
        pltpu.VMEM((2, CHUNK, N_EXP), jnp.float32),
        pltpu.VMEM((ROWS_PER_W + LANES,), jnp.int32),
        pltpu.VMEM((N_TASKS, N_EXP), jnp.float32),
        pltpu.SemaphoreType.DMA((2,)),
        pltpu.SemaphoreType.DMA,
    ],
)
def _sc_partial(logits_hbm, labels_hbm, out_hbm, lbuf, labbuf, acc,
                lsem, labsem):
    wid = lax.axis_index("s") * NC + lax.axis_index("c")
    base = wid * ROWS_PER_W
    n_chunks = ROWS_PER_W // CHUNK

    lab_cp = pltpu.async_copy(labels_hbm.at[pl.ds(base, ROWS_PER_W)],
                              labbuf.at[pl.ds(0, ROWS_PER_W)], labsem)

    def start_chunk(g):
        return pltpu.async_copy(
            logits_hbm.at[pl.ds(base + g * CHUNK, CHUNK)], lbuf.at[g % 2],
            lsem.at[g % 2])

    copies = [start_chunk(0)]

    zeros = jnp.zeros((LANES,), jnp.float32)
    for t in range(N_TASKS):
        for k in range(KV):
            acc[t, pl.ds(k * LANES, LANES)] = zeros

    perms = [lax.iota(jnp.int32, LANES) ^ s for s in (8, 4, 2, 1)]

    lab_cp.wait()
    for g in range(n_chunks):
        copies[g].wait()
        if g + 1 < n_chunks:
            copies.append(start_chunk(g + 1))
        buf = lbuf.at[g % 2]

        @plsc.parallel_loop(0, CHUNK, unroll=2)
        def sm_row(r):
            vs = [buf[r, pl.ds(k * LANES, LANES)] for k in range(KV)]
            m = jnp.maximum(jnp.maximum(vs[0], vs[1]),
                            jnp.maximum(vs[2], vs[3]))
            for p in perms:
                m = jnp.maximum(m, m[p])
            es = [jnp.exp(v - m) for v in vs]
            s = (es[0] + es[1]) + (es[2] + es[3])
            for p in perms:
                s = s + s[p]
            inv = 1.0 / s
            lab = labbuf[pl.ds(g * CHUNK + r, LANES)][0]
            for k in range(KV):
                plsc.addupdate(acc.at[lab, pl.ds(k * LANES, LANES)],
                               es[k] * inv)

    pltpu.sync_copy(acc, out_hbm.at[wid])


def _fin_body(p_ref, o_ref):
    S = jnp.sum(p_ref[...], axis=0)
    counts = jnp.sum(S, axis=1, keepdims=True)
    MI = counts * S
    tot = jnp.sum(MI) / TOPK
    MI = MI / (tot + 0.0001)
    P_TI = jnp.sum(MI, axis=1, keepdims=True) + 0.0001
    P_EI = jnp.sum(MI, axis=0, keepdims=True) + 0.0001
    loss = -jnp.sum(MI * jnp.log(MI / P_TI / P_EI + 0.0001))
    o_ref[...] = jnp.reshape(WMI * loss, (1, 1))


_finalize = pl.pallas_call(
    _fin_body,
    out_shape=jax.ShapeDtypeStruct((1, 1), jnp.float32),
)


def kernel(router_logits, router_labels):
    labels = router_labels.reshape(-1).astype(jnp.int32)
    partials = _sc_partial(router_logits, labels)
    return _finalize(partials)[0, 0]

# --- scband reference (transcript-rebuilt; emitter-appended) ---
"""Pipeline reference for scband-miloss-10814727652063 (READ-ONLY COPY).

The authoritative reference and input builder live on the scoring server;
editing this copy changes nothing except your own understanding.
"""

import jax, jax.numpy as jnp
import numpy as np

NUM_TASKS = 8
NUM_EXPERTS = 64
TOPK = 2
WMI = 0.01


def setup_inputs(seed: int = 0) -> dict:
    key = jax.random.key(seed)
    k1, k2 = jax.random.split(key)
    router_logits = jax.random.normal(k1, (32768, NUM_EXPERTS), dtype=jnp.float32)
    router_labels = jax.random.randint(k2, (32768,), 0, NUM_TASKS, dtype=jnp.int64)
    return {"router_logits": router_logits, "router_labels": router_labels}


def reference(router_logits, router_labels):
    # call_update: detach (stop_gradient), softmax, flatten, accumulate MI_task_gate.
    # token_moe=False, so labels are used as-is.
    logits = jax.lax.stop_gradient(router_logits)
    probs = jax.nn.softmax(logits, axis=-1).reshape(-1, NUM_EXPERTS)
    labels = router_labels.reshape(-1)
    # Torch loop: for task in router_labels: MI_task_gate[task] += probs[labels==task].sum(0)
    # For each occurrence of task t (count c_t), the same per-task sum S_t is added,
    # so MI_task_gate[t] = c_t * S_t (starting from zeros).
    counts = jnp.bincount(labels.astype(jnp.int32), length=NUM_TASKS).astype(probs.dtype)
    per_task_sum = jax.ops.segment_sum(probs, labels, num_segments=NUM_TASKS)
    MI_task_gate = counts[:, None] * per_task_sum
    # calculate_mutual_information_loss
    MI_gate = MI_task_gate
    tot = MI_gate.sum() / TOPK
    MI_gate = MI_gate / (tot + 0.0001)
    P_TI = jnp.sum(MI_gate, axis=1, keepdims=True) + 0.0001
    P_EI = jnp.sum(MI_gate, axis=0, keepdims=True) + 0.0001
    MI_loss = -(MI_gate * jnp.log(MI_gate / P_TI / P_EI + 0.0001)).sum()
    return WMI * MI_loss

if __name__ == "__main__":
    import jax
    _d = setup_inputs()
    print(jax.jit(kernel)(*tuple(_d.values())))

</pallas_src>

<mosaic_0001>
#map = affine_map<(d0, d1) -> (0, 0)>
#map1 = affine_map<(d0, d1) -> (0)>
#map2 = affine_map<(d0, d1) -> (0, 0, 0)>
module attributes {stable_mosaic.version = 14 : i64} {
  func.func @_sc_partial(%arg0: i32, %arg1: i32, %arg2: memref<32768x64xf32, #tpu.memory_space<hbm>>, %arg3: memref<32768xi32, #tpu.memory_space<hbm>>, %arg4: memref<32x8x64xf32, #tpu.memory_space<hbm>>, %arg5: memref<2x256x64xf32, #tpu.memory_space<vmem>>, %arg6: memref<1040xi32, #tpu.memory_space<vmem>>, %arg7: memref<8x64xf32, #tpu.memory_space<vmem>>, %arg8: memref<2x!tpu.dma_semaphore, #tpu.memory_space<semaphore_mem>>, %arg9: memref<!tpu.dma_semaphore, #tpu.memory_space<semaphore_mem>>) attributes {dimension_semantics = [#tpu.dimension_semantics<core_parallel>, #tpu.dimension_semantics<subcore_parallel>], iteration_bounds = array<i64: 2, 16>, scalar_prefetch = 0 : i64, scratch_operands = 5 : i64, tpu.core_type = #tpu.core_type<sc_vector_subcore>, window_params = [{transform_indices = #map}, {transform_indices = #map1}, {transform_indices = #map2}]} {
    %mul3A = arith.constant 2 : i32
    %mul3A_0 = arith.muli %arg1, %mul3A : i32
    %add3A = arith.addi %mul3A_0, %arg0 : i32
    %mul3A_1 = arith.constant 1024 : i32
    %mul3A_2 = arith.muli %add3A, %mul3A_1 : i32
    %dma_start3A = arith.constant 0 : i32
    %dma_start3A_3 = tpu.memref_slice %arg6[%dma_start3A] : memref<1040xi32, #tpu.memory_space<vmem>> -> memref<1024xi32, #tpu.memory_space<vmem>>
    %dma_start3A_4 = tpu.memref_slice %arg3[%mul3A_2] : memref<32768xi32, #tpu.memory_space<hbm>> -> memref<1024xi32, #tpu.memory_space<hbm>>
    %dma_start3A_5 = arith.constant 0 : i32
    %dma_start3A_6 = tpu.memref_slice %arg6[%dma_start3A_5] : memref<1040xi32, #tpu.memory_space<vmem>> -> memref<1024xi32, #tpu.memory_space<vmem>>
    %dma_start3A_7 = tpu.memref_slice %arg3[%mul3A_2] : memref<32768xi32, #tpu.memory_space<hbm>> -> memref<1024xi32, #tpu.memory_space<hbm>>
    tpu.enqueue_dma source(%dma_start3A_7 : memref<1024xi32, #tpu.memory_space<hbm>>) target(%dma_start3A_6 : memref<1024xi32, #tpu.memory_space<vmem>>) target_semaphore(%arg9 : memref<!tpu.dma_semaphore, #tpu.memory_space<semaphore_mem>>)
    %add3A_8 = arith.constant 0 : i32
    %add3A_9 = arith.addi %mul3A_2, %add3A_8 : i32
    %dma_start3A_10 = arith.constant 0 : i32
    %dma_start3A_11 = arith.constant 0 : i32
    %dma_start3A_12 = arith.constant 0 : i32
    %dma_start3A_13 = arith.constant 0 : i32
    %dma_start3A_14 = tpu.memref_slice %arg5[%dma_start3A_10, %dma_start3A_12, %dma_start3A_13] : memref<2x256x64xf32, #tpu.memory_space<vmem>> -> memref<1x256x64xf32, #tpu.memory_space<vmem>>
    %dma_start3A_15 = tpu.memref_squeeze %dma_start3A_14 : memref<1x256x64xf32, #tpu.memory_space<vmem>> -> memref<256x64xf32, #tpu.memory_space<vmem>>
    %dma_start3A_16 = arith.constant 0 : i32
    %dma_start3A_17 = tpu.memref_slice %arg2[%add3A_9, %dma_start3A_16] : memref<32768x64xf32, #tpu.memory_space<hbm>> -> memref<256x64xf32, #tpu.memory_space<hbm>>
    %dma_start3A_18 = tpu.memref_slice %arg8[%dma_start3A_11] : memref<2x!tpu.dma_semaphore, #tpu.memory_space<semaphore_mem>> -> memref<1x!tpu.dma_semaphore, #tpu.memory_space<semaphore_mem>>
    %dma_start3A_19 = tpu.memref_squeeze %dma_start3A_18 : memref<1x!tpu.dma_semaphore, #tpu.memory_space<semaphore_mem>> -> memref<!tpu.dma_semaphore, #tpu.memory_space<semaphore_mem>>
    %dma_start3A_20 = arith.constant 0 : i32
    %dma_start3A_21 = arith.constant 0 : i32
    %dma_start3A_22 = tpu.memref_slice %arg5[%dma_start3A_10, %dma_start3A_20, %dma_start3A_21] : memref<2x256x64xf32, #tpu.memory_space<vmem>> -> memref<1x256x64xf32, #tpu.memory_space<vmem>>
    %dma_start3A_23 = tpu.memref_squeeze %dma_start3A_22 : memref<1x256x64xf32, #tpu.memory_space<vmem>> -> memref<256x64xf32, #tpu.memory_space<vmem>>
    %dma_start3A_24 = arith.constant 0 : i32
    %dma_start3A_25 = tpu.memref_slice %arg2[%add3A_9, %dma_start3A_24] : memref<32768x64xf32, #tpu.memory_space<hbm>> -> memref<256x64xf32, #tpu.memory_space<hbm>>
    tpu.enqueue_dma source(%dma_start3A_25 : memref<256x64xf32, #tpu.memory_space<hbm>>) target(%dma_start3A_23 : memref<256x64xf32, #tpu.memory_space<vmem>>) target_semaphore(%dma_start3A_19 : memref<!tpu.dma_semaphore, #tpu.memory_space<semaphore_mem>>)
    %broadcast_in_dim3A = arith.constant 0.000000e+00 : f32
    %broadcast_in_dim3A_26 = vector.broadcast %broadcast_in_dim3A : f32 to vector<16xf32>
    %swap3A = arith.constant 0 : i32
    %swap3A_27 = arith.index_cast %swap3A : i32 to index
    %swap3A_28 = arith.constant 0 : index
    %swap3A_29 = tpu.vector_load %arg7[%swap3A_27, %swap3A_28] {strides = array<i32>} : memref<8x64xf32, #tpu.memory_space<vmem>>, vector<1x16xf32>,
    %swap3A_30 = vector.shape_cast %swap3A_29 : vector<1x16xf32> to vector<16xf32>
    %swap3A_31 = vector.shape_cast %broadcast_in_dim3A_26 : vector<16xf32> to vector<1x16xf32>
    tpu.vector_store %arg7[%swap3A_27, %swap3A_28], %swap3A_31 {strides = array<i32>} : memref<8x64xf32, #tpu.memory_space<vmem>>, vector<1x16xf32>,
    %swap3A_32 = arith.constant 0 : i32
    %swap3A_33 = arith.index_cast %swap3A_32 : i32 to index
    %swap3A_34 = arith.constant 16 : index
    %swap3A_35 = tpu.vector_load %arg7[%swap3A_33, %swap3A_34] {strides = array<i32>} : memref<8x64xf32, #tpu.memory_space<vmem>>, vector<1x16xf32>,
    %swap3A_36 = vector.shape_cast %swap3A_35 : vector<1x16xf32> to vector<16xf32>
    %swap3A_37 = vector.shape_cast %broadcast_in_dim3A_26 : vector<16xf32> to vector<1x16xf32>
    tpu.vector_store %arg7[%swap3A_33, %swap3A_34], %swap3A_37 {strides = array<i32>} : memref<8x64xf32, #tpu.memory_space<vmem>>, vector<1x16xf32>,
    %swap3A_38 = arith.constant 0 : i32
    %swap3A_39 = arith.index_cast %swap3A_38 : i32 to index
    %swap3A_40 = arith.constant 32 : index
    %swap3A_41 = tpu.vector_load %arg7[%swap3A_39, %swap3A_40] {strides = array<i32>} : memref<8x64xf32, #tpu.memory_space<vmem>>, vector<1x16xf32>,
    %swap3A_42 = vector.shape_cast %swap3A_41 : vector<1x16xf32> to vector<16xf32>
    %swap3A_43 = vector.shape_cast %broadcast_in_dim3A_26 : vector<16xf32> to vector<1x16xf32>
    tpu.vector_store %arg7[%swap3A_39, %swap3A_40], %swap3A_43 {strides = array<i32>} : memref<8x64xf32, #tpu.memory_space<vmem>>, vector<1x16xf32>,
    %swap3A_44 = arith.constant 0 : i32
    %swap3A_45 = arith.index_cast %swap3A_44 : i32 to index
    %swap3A_46 = arith.constant 48 : index
    %swap3A_47 = tpu.vector_load %arg7[%swap3A_45, %swap3A_46] {strides = array<i32>} : memref<8x64xf32, #tpu.memory_space<vmem>>, vector<1x16xf32>,
    %swap3A_48 = vector.shape_cast %swap3A_47 : vector<1x16xf32> to vector<16xf32>
    %swap3A_49 = vector.shape_cast %broadcast_in_dim3A_26 : vector<16xf32> to vector<1x16xf32>
    tpu.vector_store %arg7[%swap3A_45, %swap3A_46], %swap3A_49 {strides = array<i32>} : memref<8x64xf32, #tpu.memory_space<vmem>>, vector<1x16xf32>,
    %swap3A_50 = arith.constant 1 : i32
    %swap3A_51 = arith.index_cast %swap3A_50 : i32 to index
    %swap3A_52 = arith.constant 0 : index
    %swap3A_53 = tpu.vector_load %arg7[%swap3A_51, %swap3A_52] {strides = array<i32>} : memref<8x64xf32, #tpu.memory_space<vmem>>, vector<1x16xf32>,
    %swap3A_54 = vector.shape_cast %swap3A_53 : vector<1x16xf32> to vector<16xf32>
    %swap3A_55 = vector.shape_cast %broadcast_in_dim3A_26 : vector<16xf32> to vector<1x16xf32>
    tpu.vector_store %arg7[%swap3A_51, %swap3A_52], %swap3A_55 {strides = array<i32>} : memref<8x64xf32, #tpu.memory_space<vmem>>, vector<1x16xf32>,
    %swap3A_56 = arith.constant 1 : i32
    %swap3A_57 = arith.index_cast %swap3A_56 : i32 to index
    %swap3A_58 = arith.constant 16 : index
    %swap3A_59 = tpu.vector_load %arg7[%swap3A_57, %swap3A_58] {strides = array<i32>} : memref<8x64xf32, #tpu.memory_space<vmem>>, vector<1x16xf32>,
    %swap3A_60 = vector.shape_cast %swap3A_59 : vector<1x16xf32> to vector<16xf32>
    %swap3A_61 = vector.shape_cast %broadcast_in_dim3A_26 : vector<16xf32> to vector<1x16xf32>
    tpu.vector_store %arg7[%swap3A_57, %swap3A_58], %swap3A_61 {strides = array<i32>} : memref<8x64xf32, #tpu.memory_space<vmem>>, vector<1x16xf32>,
    %swap3A_62 = arith.constant 1 : i32
    %swap3A_63 = arith.index_cast %swap3A_62 : i32 to index
    %swap3A_64 = arith.constant 32 : index
    %swap3A_65 = tpu.vector_load %arg7[%swap3A_63, %swap3A_64] {strides = array<i32>} : memref<8x64xf32, #tpu.memory_space<vmem>>, vector<1x16xf32>,
    %swap3A_66 = vector.shape_cast %swap3A_65 : vector<1x16xf32> to vector<16xf32>
    %swap3A_67 = vector.shape_cast %broadcast_in_dim3A_26 : vector<16xf32> to vector<1x16xf32>
    tpu.vector_store %arg7[%swap3A_63, %swap3A_64], %swap3A_67 {strides = array<i32>} : memref<8x64xf32, #tpu.memory_space<vmem>>, vector<1x16xf32>,
    %swap3A_68 = arith.constant 1 : i32
    %swap3A_69 = arith.index_cast %swap3A_68 : i32 to index
    %swap3A_70 = arith.constant 48 : index
    %swap3A_71 = tpu.vector_load %arg7[%swap3A_69, %swap3A_70] {strides = array<i32>} : memref<8x64xf32, #tpu.memory_space<vmem>>, vector<1x16xf32>,
    %swap3A_72 = vector.shape_cast %swap3A_71 : vector<1x16xf32> to vector<16xf32>
    %swap3A_73 = vector.shape_cast %broadcast_in_dim3A_26 : vector<16xf32> to vector<1x16xf32>
    tpu.vector_store %arg7[%swap3A_69, %swap3A_70], %swap3A_73 {strides = array<i32>} : memref<8x64xf32, #tpu.memory_space<vmem>>, vector<1x16xf32>,
    %swap3A_74 = arith.constant 2 : i32
    %swap3A_75 = arith.index_cast %swap3A_74 : i32 to index
    %swap3A_76 = arith.constant 0 : index
    %swap3A_77 = tpu.vector_load %arg7[%swap3A_75, %swap3A_76] {strides = array<i32>} : memref<8x64xf32, #tpu.memory_space<vmem>>, vector<1x16xf32>,
    %swap3A_78 = vector.shape_cast %swap3A_77 : vector<1x16xf32> to vector<16xf32>
    %swap3A_79 = vector.shape_cast %broadcast_in_dim3A_26 : vector<16xf32> to vector<1x16xf32>
    tpu.vector_store %arg7[%swap3A_75, %swap3A_76], %swap3A_79 {strides = array<i32>} : memref<8x64xf32, #tpu.memory_space<vmem>>, vector<1x16xf32>,
    %swap3A_80 = arith.constant 2 : i32
    %swap3A_81 = arith.index_cast %swap3A_80 : i32 to index
    %swap3A_82 = arith.constant 16 : index
    %swap3A_83 = tpu.vector_load %arg7[%swap3A_81, %swap3A_82] {strides = array<i32>} : memref<8x64xf32, #tpu.memory_space<vmem>>, vector<1x16xf32>,
    %swap3A_84 = vector.shape_cast %swap3A_83 : vector<1x16xf32> to vector<16xf32>
    %swap3A_85 = vector.shape_cast %broadcast_in_dim3A_26 : vector<16xf32> to vector<1x16xf32>
    tpu.vector_store %arg7[%swap3A_81, %swap3A_82], %swap3A_85 {strides = array<i32>} : memref<8x64xf32, #tpu.memory_space<vmem>>, vector<1x16xf32>,
    %swap3A_86 = arith.constant 2 : i32
    %swap3A_87 = arith.index_cast %swap3A_86 : i32 to index
    %swap3A_88 = arith.constant 32 : index
    %swap3A_89 = tpu.vector_load %arg7[%swap3A_87, %swap3A_88] {strides = array<i32>} : memref<8x64xf32, #tpu.memory_space<vmem>>, vector<1x16xf32>,
    %swap3A_90 = vector.shape_cast %swap3A_89 : vector<1x16xf32> to vector<16xf32>
    %swap3A_91 = vector.shape_cast %broadcast_in_dim3A_26 : vector<16xf32> to vector<1x16xf32>
    tpu.vector_store %arg7[%swap3A_87, %swap3A_88], %swap3A_91 {strides = array<i32>} : memref<8x64xf32, #tpu.memory_space<vmem>>, vector<1x16xf32>,
    %swap3A_92 = arith.constant 2 : i32
    %swap3A_93 = arith.index_cast %swap3A_92 : i32 to index
    %swap3A_94 = arith.constant 48 : index
    %swap3A_95 = tpu.vector_load %arg7[%swap3A_93, %swap3A_94] {strides = array<i32>} : memref<8x64xf32, #tpu.memory_space<vmem>>, vector<1x16xf32>,
    %swap3A_96 = vector.shape_cast %swap3A_95 : vector<1x16xf32> to vector<16xf32>
    %swap3A_97 = vector.shape_cast %broadcast_in_dim3A_26 : vector<16xf32> to vector<1x16xf32>
    tpu.vector_store %arg7[%swap3A_93, %swap3A_94], %swap3A_97 {strides = array<i32>} : memref<8x64xf32, #tpu.memory_space<vmem>>, vector<1x16xf32>,
    %swap3A_98 = arith.constant 3 : i32
    %swap3A_99 = arith.index_cast %swap3A_98 : i32 to index
    %swap3A_100 = arith.constant 0 : index
    %swap3A_101 = tpu.vector_load %arg7[%swap3A_99, %swap3A_100] {strides = array<i32>} : memref<8x64xf32, #tpu.memory_space<vmem>>, vector<1x16xf32>,
    %swap3A_102 = vector.shape_cast %swap3A_101 : vector<1x16xf32> to vector<16xf32>
    %swap3A_103 = vector.shape_cast %broadcast_in_dim3A_26 : vector<16xf32> to vector<1x16xf32>
    tpu.vector_store %arg7[%swap3A_99, %swap3A_100], %swap3A_103 {strides = array<i32>} : memref<8x64xf32, #tpu.memory_space<vmem>>, vector<1x16xf32>,
    %swap3A_104 = arith.constant 3 : i32
    %swap3A_105 = arith.index_cast %swap3A_104 : i32 to index
    %swap3A_106 = arith.constant 16 : index
    %swap3A_107 = tpu.vector_load %arg7[%swap3A_105, %swap3A_106] {strides = array<i32>} : memref<8x64xf32, #tpu.memory_space<vmem>>, vector<1x16xf32>,
    %swap3A_108 = vector.shape_cast %swap3A_107 : vector<1x16xf32> to vector<16xf32>
    %swap3A_109 = vector.shape_cast %broadcast_in_dim3A_26 : vector<16xf32> to vector<1x16xf32>
    tpu.vector_store %arg7[%swap3A_105, %swap3A_106], %swap3A_109 {strides = array<i32>} : memref<8x64xf32, #tpu.memory_space<vmem>>, vector<1x16xf32>,
    %swap3A_110 = arith.constant 3 : i32
    %swap3A_111 = arith.index_cast %swap3A_110 : i32 to index
    %swap3A_112 = arith.constant 32 : index
    %swap3A_113 = tpu.vector_load %arg7[%swap3A_111, %swap3A_112] {strides = array<i32>} : memref<8x64xf32, #tpu.memory_space<vmem>>, vector<1x16xf32>,
    %swap3A_114 = vector.shape_cast %swap3A_113 : vector<1x16xf32> to vector<16xf32>
    %swap3A_115 = vector.shape_cast %broadcast_in_dim3A_26 : vector<16xf32> to vector<1x16xf32>
    tpu.vector_store %arg7[%swap3A_111, %swap3A_112], %swap3A_115 {strides = array<i32>} : memref<8x64xf32, #tpu.memory_space<vmem>>, vector<1x16xf32>,
    %swap3A_116 = arith.constant 3 : i32
    %swap3A_117 = arith.index_cast %swap3A_116 : i32 to index
    %swap3A_118 = arith.constant 48 : index
    %swap3A_119 = tpu.vector_load %arg7[%swap3A_117, %swap3A_118] {strides = array<i32>} : memref<8x64xf32, #tpu.memory_space<vmem>>, vector<1x16xf32>,
    %swap3A_120 = vector.shape_cast %swap3A_119 : vector<1x16xf32> to vector<16xf32>
    %swap3A_121 = vector.shape_cast %broadcast_in_dim3A_26 : vector<16xf32> to vector<1x16xf32>
    tpu.vector_store %arg7[%swap3A_117, %swap3A_118], %swap3A_121 {strides = array<i32>} : memref<8x64xf32, #tpu.memory_space<vmem>>, vector<1x16xf32>,
    %swap3A_122 = arith.constant 4 : i32
    %swap3A_123 = arith.index_cast %swap3A_122 : i32 to index
    %swap3A_124 = arith.constant 0 : index
    %swap3A_125 = tpu.vector_load %arg7[%swap3A_123, %swap3A_124] {strides = array<i32>} : memref<8x64xf32, #tpu.memory_space<vmem>>, vector<1x16xf32>,
    %swap3A_126 = vector.shape_cast %swap3A_125 : vector<1x16xf32> to vector<16xf32>
    %swap3A_127 = vector.shape_cast %broadcast_in_dim3A_26 : vector<16xf32> to vector<1x16xf32>
    tpu.vector_store %arg7[%swap3A_123, %swap3A_124], %swap3A_127 {strides = array<i32>} : memref<8x64xf32, #tpu.memory_space<vmem>>, vector<1x16xf32>,
    %swap3A_128 = arith.constant 4 : i32
    %swap3A_129 = arith.index_cast %swap3A_128 : i32 to index
    %swap3A_130 = arith.constant 16 : index
    %swap3A_131 = tpu.vector_load %arg7[%swap3A_129, %swap3A_130] {strides = array<i32>} : memref<8x64xf32, #tpu.memory_space<vmem>>, vector<1x16xf32>,
    %swap3A_132 = vector.shape_cast %swap3A_131 : vector<1x16xf32> to vector<16xf32>
    %swap3A_133 = vector.shape_cast %broadcast_in_dim3A_26 : vector<16xf32> to vector<1x16xf32>
    tpu.vector_store %arg7[%swap3A_129, %swap3A_130], %swap3A_133 {strides = array<i32>} : memref<8x64xf32, #tpu.memory_space<vmem>>, vector<1x16xf32>,
    %swap3A_134 = arith.constant 4 : i32
    %swap3A_135 = arith.index_cast %swap3A_134 : i32 to index
    %swap3A_136 = arith.constant 32 : index
    %swap3A_137 = tpu.vector_load %arg7[%swap3A_135, %swap3A_136] {strides = array<i32>} : memref<8x64xf32, #tpu.memory_space<vmem>>, vector<1x16xf32>,
    %swap3A_138 = vector.shape_cast %swap3A_137 : vector<1x16xf32> to vector<16xf32>
    %swap3A_139 = vector.shape_cast %broadcast_in_dim3A_26 : vector<16xf32> to vector<1x16xf32>
    tpu.vector_store %arg7[%swap3A_135, %swap3A_136], %swap3A_139 {strides = array<i32>} : memref<8x64xf32, #tpu.memory_space<vmem>>, vector<1x16xf32>,
    %swap3A_140 = arith.constant 4 : i32
    %swap3A_141 = arith.index_cast %swap3A_140 : i32 to index
    %swap3A_142 = arith.constant 48 : index
    %swap3A_143 = tpu.vector_load %arg7[%swap3A_141, %swap3A_142] {strides = array<i32>} : memref<8x64xf32, #tpu.memory_space<vmem>>, vector<1x16xf32>,
    %swap3A_144 = vector.shape_cast %swap3A_143 : vector<1x16xf32> to vector<16xf32>
    %swap3A_145 = vector.shape_cast %broadcast_in_dim3A_26 : vector<16xf32> to vector<1x16xf32>
    tpu.vector_store %arg7[%swap3A_141, %swap3A_142], %swap3A_145 {strides = array<i32>} : memref<8x64xf32, #tpu.memory_space<vmem>>, vector<1x16xf32>,
    %swap3A_146 = arith.constant 5 : i32
    %swap3A_147 = arith.index_cast %swap3A_146 : i32 to index
    %swap3A_148 = arith.constant 0 : index
    %swap3A_149 = tpu.vector_load %arg7[%swap3A_147, %swap3A_148] {strides = array<i32>} : memref<8x64xf32, #tpu.memory_space<vmem>>, vector<1x16xf32>,
    %swap3A_150 = vector.shape_cast %swap3A_149 : vector<1x16xf32> to vector<16xf32>
    %swap3A_151 = vector.shape_cast %broadcast_in_dim3A_26 : vector<16xf32> to vector<1x16xf32>
    tpu.vector_store %arg7[%swap3A_147, %swap3A_148], %swap3A_151 {strides = array<i32>} : memref<8x64xf32, #tpu.memory_space<vmem>>, vector<1x16xf32>,
    %swap3A_152 = arith.constant 5 : i32
    %swap3A_153 = arith.index_cast %swap3A_152 : i32 to index
    %swap3A_154 = arith.constant 16 : index
    %swap3A_155 = tpu.vector_load %arg7[%swap3A_153, %swap3A_154] {strides = array<i32>} : memref<8x64xf32, #tpu.memory_space<vmem>>, vector<1x16xf32>,
    %swap3A_156 = vector.shape_cast %swap3A_155 : vector<1x16xf32> to vector<16xf32>
    %swap3A_157 = vector.shape_cast %broadcast_in_dim3A_26 : vector<16xf32> to vector<1x16xf32>
    tpu.vector_store %arg7[%swap3A_153, %swap3A_154], %swap3A_157 {strides = array<i32>} : memref<8x64xf32, #tpu.memory_space<vmem>>, vector<1x16xf32>,
    %swap3A_158 = arith.constant 5 : i32
    %swap3A_159 = arith.index_cast %swap3A_158 : i32 to index
    %swap3A_160 = arith.constant 32 : index
    %swap3A_161 = tpu.vector_load %arg7[%swap3A_159, %swap3A_160] {strides = array<i32>} : memref<8x64xf32, #tpu.memory_space<vmem>>, vector<1x16xf32>,
    %swap3A_162 = vector.shape_cast %swap3A_161 : vector<1x16xf32> to vector<16xf32>
    %swap3A_163 = vector.shape_cast %broadcast_in_dim3A_26 : vector<16xf32> to vector<1x16xf32>
    tpu.vector_store %arg7[%swap3A_159, %swap3A_160], %swap3A_163 {strides = array<i32>} : memref<8x64xf32, #tpu.memory_space<vmem>>, vector<1x16xf32>,
    %swap3A_164 = arith.constant 5 : i32
    %swap3A_165 = arith.index_cast %swap3A_164 : i32 to index
    %swap3A_166 = arith.constant 48 : index
    %swap3A_167 = tpu.vector_load %arg7[%swap3A_165, %swap3A_166] {strides = array<i32>} : memref<8x64xf32, #tpu.memory_space<vmem>>, vector<1x16xf32>,
    %swap3A_168 = vector.shape_cast %swap3A_167 : vector<1x16xf32> to vector<16xf32>
    %swap3A_169 = vector.shape_cast %broadcast_in_dim3A_26 : vector<16xf32> to vector<1x16xf32>
    tpu.vector_store %arg7[%swap3A_165, %swap3A_166], %swap3A_169 {strides = array<i32>} : memref<8x64xf32, #tpu.memory_space<vmem>>, vector<1x16xf32>,
    %swap3A_170 = arith.constant 6 : i32
    %swap3A_171 = arith.index_cast %swap3A_170 : i32 to index
    %swap3A_172 = arith.constant 0 : index
    %swap3A_173 = tpu.vector_load %arg7[%swap3A_171, %swap3A_172] {strides = array<i32>} : memref<8x64xf32, #tpu.memory_space<vmem>>, vector<1x16xf32>,
    %swap3A_174 = vector.shape_cast %swap3A_173 : vector<1x16xf32> to vector<16xf32>
    %swap3A_175 = vector.shape_cast %broadcast_in_dim3A_26 : vector<16xf32> to vector<1x16xf32>
    tpu.vector_store %arg7[%swap3A_171, %swap3A_172], %swap3A_175 {strides = array<i32>} : memref<8x64xf32, #tpu.memory_space<vmem>>, vector<1x16xf32>,
    %swap3A_176 = arith.constant 6 : i32
    %swap3A_177 = arith.index_cast %swap3A_176 : i32 to index
    %swap3A_178 = arith.constant 16 : index
    %swap3A_179 = tpu.vector_load %arg7[%swap3A_177, %swap3A_178] {strides = array<i32>} : memref<8x64xf32, #tpu.memory_space<vmem>>, vector<1x16xf32>,
    %swap3A_180 = vector.shape_cast %swap3A_179 : vector<1x16xf32> to vector<16xf32>
    %swap3A_181 = vector.shape_cast %broadcast_in_dim3A_26 : vector<16xf32> to vector<1x16xf32>
    tpu.vector_store %arg7[%swap3A_177, %swap3A_178], %swap3A_181 {strides = array<i32>} : memref<8x64xf32, #tpu.memory_space<vmem>>, vector<1x16xf32>,
    %swap3A_182 = arith.constant 6 : i32
    %swap3A_183 = arith.index_cast %swap3A_182 : i32 to index
    %swap3A_184 = arith.constant 32 : index
    %swap3A_185 = tpu.vector_load %arg7[%swap3A_183, %swap3A_184] {strides = array<i32>} : memref<8x64xf32, #tpu.memory_space<vmem>>, vector<1x16xf32>,
    %swap3A_186 = vector.shape_cast %swap3A_185 : vector<1x16xf32> to vector<16xf32>
    %swap3A_187 = vector.shape_cast %broadcast_in_dim3A_26 : vector<16xf32> to vector<1x16xf32>
    tpu.vector_store %arg7[%swap3A_183, %swap3A_184], %swap3A_187 {strides = array<i32>} : memref<8x64xf32, #tpu.memory_space<vmem>>, vector<1x16xf32>,
    %swap3A_188 = arith.constant 6 : i32
    %swap3A_189 = arith.index_cast %swap3A_188 : i32 to index
    %swap3A_190 = arith.constant 48 : index
    %swap3A_191 = tpu.vector_load %arg7[%swap3A_189, %swap3A_190] {strides = array<i32>} : memref<8x64xf32, #tpu.memory_space<vmem>>, vector<1x16xf32>,
    %swap3A_192 = vector.shape_cast %swap3A_191 : vector<1x16xf32> to vector<16xf32>
    %swap3A_193 = vector.shape_cast %broadcast_in_dim3A_26 : vector<16xf32> to vector<1x16xf32>
    tpu.vector_store %arg7[%swap3A_189, %swap3A_190], %swap3A_193 {strides = array<i32>} : memref<8x64xf32, #tpu.memory_space<vmem>>, vector<1x16xf32>,
    %swap3A_194 = arith.constant 7 : i32
    %swap3A_195 = arith.index_cast %swap3A_194 : i32 to index
    %swap3A_196 = arith.constant 0 : index
    %swap3A_197 = tpu.vector_load %arg7[%swap3A_195, %swap3A_196] {strides = array<i32>} : memref<8x64xf32, #tpu.memory_space<vmem>>, vector<1x16xf32>,
    %swap3A_198 = vector.shape_cast %swap3A_197 : vector<1x16xf32> to vector<16xf32>
    %swap3A_199 = vector.shape_cast %broadcast_in_dim3A_26 : vector<16xf32> to vector<1x16xf32>
    tpu.vector_store %arg7[%swap3A_195, %swap3A_196], %swap3A_199 {strides = array<i32>} : memref<8x64xf32, #tpu.memory_space<vmem>>, vector<1x16xf32>,
    %swap3A_200 = arith.constant 7 : i32
    %swap3A_201 = arith.index_cast %swap3A_200 : i32 to index
    %swap3A_202 = arith.constant 16 : index
    %swap3A_203 = tpu.vector_load %arg7[%swap3A_201, %swap3A_202] {strides = array<i32>} : memref<8x64xf32, #tpu.memory_space<vmem>>, vector<1x16xf32>,
    %swap3A_204 = vector.shape_cast %swap3A_203 : vector<1x16xf32> to vector<16xf32>
    %swap3A_205 = vector.shape_cast %broadcast_in_dim3A_26 : vector<16xf32> to vector<1x16xf32>
    tpu.vector_store %arg7[%swap3A_201, %swap3A_202], %swap3A_205 {strides = array<i32>} : memref<8x64xf32, #tpu.memory_space<vmem>>, vector<1x16xf32>,
    %swap3A_206 = arith.constant 7 : i32
    %swap3A_207 = arith.index_cast %swap3A_206 : i32 to index
    %swap3A_208 = arith.constant 32 : index
    %swap3A_209 = tpu.vector_load %arg7[%swap3A_207, %swap3A_208] {strides = array<i32>} : memref<8x64xf32, #tpu.memory_space<vmem>>, vector<1x16xf32>,
    %swap3A_210 = vector.shape_cast %swap3A_209 : vector<1x16xf32> to vector<16xf32>
    %swap3A_211 = vector.shape_cast %broadcast_in_dim3A_26 : vector<16xf32> to vector<1x16xf32>
    tpu.vector_store %arg7[%swap3A_207, %swap3A_208], %swap3A_211 {strides = array<i32>} : memref<8x64xf32, #tpu.memory_space<vmem>>, vector<1x16xf32>,
    %swap3A_212 = arith.constant 7 : i32
    %swap3A_213 = arith.index_cast %swap3A_212 : i32 to index
    %swap3A_214 = arith.constant 48 : index
    %swap3A_215 = tpu.vector_load %arg7[%swap3A_213, %swap3A_214] {strides = array<i32>} : memref<8x64xf32, #tpu.memory_space<vmem>>, vector<1x16xf32>,
    %swap3A_216 = vector.shape_cast %swap3A_215 : vector<1x16xf32> to vector<16xf32>
    %swap3A_217 = vector.shape_cast %broadcast_in_dim3A_26 : vector<16xf32> to vector<1x16xf32>
    tpu.vector_store %arg7[%swap3A_213, %swap3A_214], %swap3A_217 {strides = array<i32>} : memref<8x64xf32, #tpu.memory_space<vmem>>, vector<1x16xf32>,
    %iota3A = tpu.iota {dimensions = array<i32: 0>} : vector<16xi32>
    %xor3A = arith.constant 8 : i32
    %xor3A_218 = vector.broadcast %xor3A : i32 to vector<16xi32>
    %xor3A_219 = arith.xori %iota3A, %xor3A_218 : vector<16xi32>
    %iota3A_220 = tpu.iota {dimensions = array<i32: 0>} : vector<16xi32>
    %xor3A_221 = arith.constant 4 : i32
    %xor3A_222 = vector.broadcast %xor3A_221 : i32 to vector<16xi32>
    %xor3A_223 = arith.xori %iota3A_220, %xor3A_222 : vector<16xi32>
    %iota3A_224 = tpu.iota {dimensions = array<i32: 0>} : vector<16xi32>
    %xor3A_225 = arith.constant 2 : i32
    %xor3A_226 = vector.broadcast %xor3A_225 : i32 to vector<16xi32>
    %xor3A_227 = arith.xori %iota3A_224, %xor3A_226 : vector<16xi32>
    %iota3A_228 = tpu.iota {dimensions = array<i32: 0>} : vector<16xi32>
    %xor3A_229 = arith.constant 1 : i32
    %xor3A_230 = vector.broadcast %xor3A_229 : i32 to vector<16xi32>
    %xor3A_231 = arith.xori %iota3A_228, %xor3A_230 : vector<16xi32>
    %dma_wait3A = arith.constant 0 : i32
    %dma_wait3A_232 = tpu.memref_slice %arg6[%dma_wait3A] : memref<1040xi32, #tpu.memory_space<vmem>> -> memref<1024xi32, #tpu.memory_space<vmem>>
    %dma_wait3A_233 = tpu.memref_slice %arg3[%mul3A_2] : memref<32768xi32, #tpu.memory_space<hbm>> -> memref<1024xi32, #tpu.memory_space<hbm>>
    %dma_wait3A_234 = arith.constant 0 : i32
    %dma_wait3A_235 = tpu.memref_slice %arg6[%dma_wait3A_234] : memref<1040xi32, #tpu.memory_space<vmem>> -> memref<1024xi32, #tpu.memory_space<vmem>>
    %dma_wait3A_236 = tpu.memref_slice %arg3[%mul3A_2] : memref<32768xi32, #tpu.memory_space<hbm>> -> memref<1024xi32, #tpu.memory_space<hbm>>
    tpu.wait_dma2 semaphore(%arg9 : memref<!tpu.dma_semaphore, #tpu.memory_space<semaphore_mem>>) src(%dma_wait3A_236 : memref<1024xi32, #tpu.memory_space<hbm>>) dst(%dma_wait3A_235 : memref<1024xi32, #tpu.memory_space<vmem>>)
    %dma_wait3A_237 = arith.constant 0 : i32
    %dma_wait3A_238 = arith.constant 0 : i32
    %dma_wait3A_239 = arith.constant 0 : i32
    %dma_wait3A_240 = arith.constant 0 : i32
    %dma_wait3A_241 = tpu.memref_slice %arg5[%dma_wait3A_237, %dma_wait3A_239, %dma_wait3A_240] : memref<2x256x64xf32, #tpu.memory_space<vmem>> -> memref<1x256x64xf32, #tpu.memory_space<vmem>>
    %dma_wait3A_242 = tpu.memref_squeeze %dma_wait3A_241 : memref<1x256x64xf32, #tpu.memory_space<vmem>> -> memref<256x64xf32, #tpu.memory_space<vmem>>
    %dma_wait3A_243 = arith.constant 0 : i32
    %dma_wait3A_244 = tpu.memref_slice %arg2[%add3A_9, %dma_wait3A_243] : memref<32768x64xf32, #tpu.memory_space<hbm>> -> memref<256x64xf32, #tpu.memory_space<hbm>>
    %dma_wait3A_245 = tpu.memref_slice %arg8[%dma_wait3A_238] : memref<2x!tpu.dma_semaphore, #tpu.memory_space<semaphore_mem>> -> memref<1x!tpu.dma_semaphore, #tpu.memory_space<semaphore_mem>>
    %dma_wait3A_246 = tpu.memref_squeeze %dma_wait3A_245 : memref<1x!tpu.dma_semaphore, #tpu.memory_space<semaphore_mem>> -> memref<!tpu.dma_semaphore, #tpu.memory_space<semaphore_mem>>
    %dma_wait3A_247 = arith.constant 0 : i32
    %dma_wait3A_248 = arith.constant 0 : i32
    %dma_wait3A_249 = tpu.memref_slice %arg5[%dma_wait3A_237, %dma_wait3A_247, %dma_wait3A_248] : memref<2x256x64xf32, #tpu.memory_space<vmem>> -> memref<1x256x64xf32, #tpu.memory_space<vmem>>
    %dma_wait3A_250 = tpu.memref_squeeze %dma_wait3A_249 : memref<1x256x64xf32, #tpu.memory_space<vmem>> -> memref<256x64xf32, #tpu.memory_space<vmem>>
    %dma_wait3A_251 = arith.constant 0 : i32
    %dma_wait3A_252 = tpu.memref_slice %arg2[%add3A_9, %dma_wait3A_251] : memref<32768x64xf32, #tpu.memory_space<hbm>> -> memref<256x64xf32, #tpu.memory_space<hbm>>
    tpu.wait_dma2 semaphore(%dma_wait3A_246 : memref<!tpu.dma_semaphore, #tpu.memory_space<semaphore_mem>>) src(%dma_wait3A_252 : memref<256x64xf32, #tpu.memory_space<hbm>>) dst(%dma_wait3A_250 : memref<256x64xf32, #tpu.memory_space<vmem>>)
    %add3A_253 = arith.constant 256 : i32
    %add3A_254 = arith.addi %mul3A_2, %add3A_253 : i32
    %dma_start3A_255 = arith.constant 1 : i32
    %dma_start3A_256 = arith.constant 1 : i32
    %dma_start3A_257 = arith.constant 0 : i32
    %dma_start3A_258 = arith.constant 0 : i32
    %dma_start3A_259 = tpu.memref_slice %arg5[%dma_start3A_255, %dma_start3A_257, %dma_start3A_258] : memref<2x256x64xf32, #tpu.memory_space<vmem>> -> memref<1x256x64xf32, #tpu.memory_space<vmem>>
    %dma_start3A_260 = tpu.memref_squeeze %dma_start3A_259 : memref<1x256x64xf32, #tpu.memory_space<vmem>> -> memref<256x64xf32, #tpu.memory_space<vmem>>
    %dma_start3A_261 = arith.constant 0 : i32
    %dma_start3A_262 = tpu.memref_slice %arg2[%add3A_254, %dma_start3A_261] : memref<32768x64xf32, #tpu.memory_space<hbm>> -> memref<256x64xf32, #tpu.memory_space<hbm>>
    %dma_start3A_263 = tpu.memref_slice %arg8[%dma_start3A_256] : memref<2x!tpu.dma_semaphore, #tpu.memory_space<semaphore_mem>> -> memref<1x!tpu.dma_semaphore, #tpu.memory_space<semaphore_mem>>
    %dma_start3A_264 = tpu.memref_squeeze %dma_start3A_263 : memref<1x!tpu.dma_semaphore, #tpu.memory_space<semaphore_mem>> -> memref<!tpu.dma_semaphore, #tpu.memory_space<semaphore_mem>>
    %dma_start3A_265 = arith.constant 0 : i32
    %dma_start3A_266 = arith.constant 0 : i32
    %dma_start3A_267 = tpu.memref_slice %arg5[%dma_start3A_255, %dma_start3A_265, %dma_start3A_266] : memref<2x256x64xf32, #tpu.memory_space<vmem>> -> memref<1x256x64xf32, #tpu.memory_space<vmem>>
    %dma_start3A_268 = tpu.memref_squeeze %dma_start3A_267 : memref<1x256x64xf32, #tpu.memory_space<vmem>> -> memref<256x64xf32, #tpu.memory_space<vmem>>
    %dma_start3A_269 = arith.constant 0 : i32
    %dma_start3A_270 = tpu.memref_slice %arg2[%add3A_254, %dma_start3A_269] : memref<32768x64xf32, #tpu.memory_space<hbm>> -> memref<256x64xf32, #tpu.memory_space<hbm>>
    tpu.enqueue_dma source(%dma_start3A_270 : memref<256x64xf32, #tpu.memory_space<hbm>>) target(%dma_start3A_268 : memref<256x64xf32, #tpu.memory_space<vmem>>) target_semaphore(%dma_start3A_264 : memref<!tpu.dma_semaphore, #tpu.memory_space<semaphore_mem>>)
    %parallel_loop3A = arith.constant 0 : i32
    %parallel_loop3A_271 = arith.constant 256 : i32
    %parallel_loop3A_272 = arith.constant 1 : i32
    %parallel_loop3A_273 = arith.constant 0 : i32
    scf.for %parallel_loop3A_370 = %parallel_loop3A to %parallel_loop3A_271 step %parallel_loop3A_272  : i32 {
      %parallel_loop3A_371 = arith.constant 0 : i32
      %parallel_loop3A_372 = arith.constant 0 : i32
      %parallel_loop3A_373 = tpu.memref_slice %arg5[%parallel_loop3A_273, %parallel_loop3A_371, %parallel_loop3A_372] : memref<2x256x64xf32, #tpu.memory_space<vmem>> -> memref<1x256x64xf32, #tpu.memory_space<vmem>>
      %parallel_loop3A_374 = tpu.memref_squeeze %parallel_loop3A_373 : memref<1x256x64xf32, #tpu.memory_space<vmem>> -> memref<256x64xf32, #tpu.memory_space<vmem>>
      %parallel_loop3A_375 = arith.index_cast %parallel_loop3A_370 : i32 to index
      %parallel_loop3A_376 = arith.constant 0 : index
      %parallel_loop3A_377 = tpu.vector_load %parallel_loop3A_374[%parallel_loop3A_375, %parallel_loop3A_376] {strides = array<i32>} : memref<256x64xf32, #tpu.memory_space<vmem>>, vector<1x16xf32>,
      %parallel_loop3A_378 = vector.shape_cast %parallel_loop3A_377 : vector<1x16xf32> to vector<16xf32>
      %parallel_loop3A_379 = arith.constant 0 : i32
      %parallel_loop3A_380 = arith.constant 0 : i32
      %parallel_loop3A_381 = tpu.memref_slice %arg5[%parallel_loop3A_273, %parallel_loop3A_379, %parallel_loop3A_380] : memref<2x256x64xf32, #tpu.memory_space<vmem>> -> memref<1x256x64xf32, #tpu.memory_space<vmem>>
      %parallel_loop3A_382 = tpu.memref_squeeze %parallel_loop3A_381 : memref<1x256x64xf32, #tpu.memory_space<vmem>> -> memref<256x64xf32, #tpu.memory_space<vmem>>
      %parallel_loop3A_383 = arith.index_cast %parallel_loop3A_370 : i32 to index
      %parallel_loop3A_384 = arith.constant 16 : index
      %parallel_loop3A_385 = tpu.vector_load %parallel_loop3A_382[%parallel_loop3A_383, %parallel_loop3A_384] {strides = array<i32>} : memref<256x64xf32, #tpu.memory_space<vmem>>, vector<1x16xf32>,
      %parallel_loop3A_386 = vector.shape_cast %parallel_loop3A_385 : vector<1x16xf32> to vector<16xf32>
      %parallel_loop3A_387 = arith.constant 0 : i32
      %parallel_loop3A_388 = arith.constant 0 : i32
      %parallel_loop3A_389 = tpu.memref_slice %arg5[%parallel_loop3A_273, %parallel_loop3A_387, %parallel_loop3A_388] : memref<2x256x64xf32, #tpu.memory_space<vmem>> -> memref<1x256x64xf32, #tpu.memory_space<vmem>>
      %parallel_loop3A_390 = tpu.memref_squeeze %parallel_loop3A_389 : memref<1x256x64xf32, #tpu.memory_space<vmem>> -> memref<256x64xf32, #tpu.memory_space<vmem>>
      %parallel_loop3A_391 = arith.index_cast %parallel_loop3A_370 : i32 to index
      %parallel_loop3A_392 = arith.constant 32 : index
      %parallel_loop3A_393 = tpu.vector_load %parallel_loop3A_390[%parallel_loop3A_391, %parallel_loop3A_392] {strides = array<i32>} : memref<256x64xf32, #tpu.memory_space<vmem>>, vector<1x16xf32>,
      %parallel_loop3A_394 = vector.shape_cast %parallel_loop3A_393 : vector<1x16xf32> to vector<16xf32>
      %parallel_loop3A_395 = arith.constant 0 : i32
      %parallel_loop3A_396 = arith.constant 0 : i32
      %parallel_loop3A_397 = tpu.memref_slice %arg5[%parallel_loop3A_273, %parallel_loop3A_395, %parallel_loop3A_396] : memref<2x256x64xf32, #tpu.memory_space<vmem>> -> memref<1x256x64xf32, #tpu.memory_space<vmem>>
      %parallel_loop3A_398 = tpu.memref_squeeze %parallel_loop3A_397 : memref<1x256x64xf32, #tpu.memory_space<vmem>> -> memref<256x64xf32, #tpu.memory_space<vmem>>
      %parallel_loop3A_399 = arith.index_cast %parallel_loop3A_370 : i32 to index
      %parallel_loop3A_400 = arith.constant 48 : index
      %parallel_loop3A_401 = tpu.vector_load %parallel_loop3A_398[%parallel_loop3A_399, %parallel_loop3A_400] {strides = array<i32>} : memref<256x64xf32, #tpu.memory_space<vmem>>, vector<1x16xf32>,
      %parallel_loop3A_402 = vector.shape_cast %parallel_loop3A_401 : vector<1x16xf32> to vector<16xf32>
      %parallel_loop3A_403 = arith.maximumf %parallel_loop3A_378, %parallel_loop3A_386 : vector<16xf32>
      %parallel_loop3A_404 = arith.maximumf %parallel_loop3A_394, %parallel_loop3A_402 : vector<16xf32>
      %parallel_loop3A_405 = arith.maximumf %parallel_loop3A_403, %parallel_loop3A_404 : vector<16xf32>
      %parallel_loop3A_406 = arith.constant 0 : i32
      %parallel_loop3A_407 = vector.broadcast %parallel_loop3A_406 : i32 to vector<16xi32>
      %parallel_loop3A_408 = arith.cmpi slt, %xor3A_219, %parallel_loop3A_407 : vector<16xi32>
      %parallel_loop3A_409 = arith.constant 16 : i32
      %parallel_loop3A_410 = vector.broadcast %parallel_loop3A_409 : i32 to vector<16xi32>
      %parallel_loop3A_411 = arith.addi %xor3A_219, %parallel_loop3A_410 : vector<16xi32>
      %parallel_loop3A_412 = arith.select %parallel_loop3A_408, %parallel_loop3A_411, %xor3A_219 : vector<16xi1>, vector<16xi32>
      %parallel_loop3A_413 = vector.shape_cast %parallel_loop3A_412 : vector<16xi32> to vector<16x1xi32>
      %parallel_loop3A_414 = vector.shape_cast %parallel_loop3A_413 : vector<16x1xi32> to vector<16xi32>
      %parallel_loop3A_415 = tpu.dynamic_gather %parallel_loop3A_405[%parallel_loop3A_414] in [0] : vector<16xf32>, vector<16xi32> -> vector<16xf32>
      %parallel_loop3A_416 = arith.maximumf %parallel_loop3A_405, %parallel_loop3A_415 : vector<16xf32>
      %parallel_loop3A_417 = arith.constant 0 : i32
      %parallel_loop3A_418 = vector.broadcast %parallel_loop3A_417 : i32 to vector<16xi32>
      %parallel_loop3A_419 = arith.cmpi slt, %xor3A_223, %parallel_loop3A_418 : vector<16xi32>
      %parallel_loop3A_420 = arith.constant 16 : i32
      %parallel_loop3A_421 = vector.broadcast %parallel_loop3A_420 : i32 to vector<16xi32>
      %parallel_loop3A_422 = arith.addi %xor3A_223, %parallel_loop3A_421 : vector<16xi32>
      %parallel_loop3A_423 = arith.select %parallel_loop3A_419, %parallel_loop3A_422, %xor3A_223 : vector<16xi1>, vector<16xi32>
      %parallel_loop3A_424 = vector.shape_cast %parallel_loop3A_423 : vector<16xi32> to vector<16x1xi32>
      %parallel_loop3A_425 = vector.shape_cast %parallel_loop3A_424 : vector<16x1xi32> to vector<16xi32>
      %parallel_loop3A_426 = tpu.dynamic_gather %parallel_loop3A_416[%parallel_loop3A_425] in [0] : vector<16xf32>, vector<16xi32> -> vector<16xf32>
      %parallel_loop3A_427 = arith.maximumf %parallel_loop3A_416, %parallel_loop3A_426 : vector<16xf32>
      %parallel_loop3A_428 = arith.constant 0 : i32
      %parallel_loop3A_429 = vector.broadcast %parallel_loop3A_428 : i32 to vector<16xi32>
      %parallel_loop3A_430 = arith.cmpi slt, %xor3A_227, %parallel_loop3A_429 : vector<16xi32>
      %parallel_loop3A_431 = arith.constant 16 : i32
      %parallel_loop3A_432 = vector.broadcast %parallel_loop3A_431 : i32 to vector<16xi32>
      %parallel_loop3A_433 = arith.addi %xor3A_227, %parallel_loop3A_432 : vector<16xi32>
      %parallel_loop3A_434 = arith.select %parallel_loop3A_430, %parallel_loop3A_433, %xor3A_227 : vector<16xi1>, vector<16xi32>
      %parallel_loop3A_435 = vector.shape_cast %parallel_loop3A_434 : vector<16xi32> to vector<16x1xi32>
      %parallel_loop3A_436 = vector.shape_cast %parallel_loop3A_435 : vector<16x1xi32> to vector<16xi32>
      %parallel_loop3A_437 = tpu.dynamic_gather %parallel_loop3A_427[%parallel_loop3A_436] in [0] : vector<16xf32>, vector<16xi32> -> vector<16xf32>
      %parallel_loop3A_438 = arith.maximumf %parallel_loop3A_427, %parallel_loop3A_437 : vector<16xf32>
      %parallel_loop3A_439 = arith.constant 0 : i32
      %parallel_loop3A_440 = vector.broadcast %parallel_loop3A_439 : i32 to vector<16xi32>
      %parallel_loop3A_441 = arith.cmpi slt, %xor3A_231, %parallel_loop3A_440 : vector<16xi32>
      %parallel_loop3A_442 = arith.constant 16 : i32
      %parallel_loop3A_443 = vector.broadcast %parallel_loop3A_442 : i32 to vector<16xi32>
      %parallel_loop3A_444 = arith.addi %xor3A_231, %parallel_loop3A_443 : vector<16xi32>
      %parallel_loop3A_445 = arith.select %parallel_loop3A_441, %parallel_loop3A_444, %xor3A_231 : vector<16xi1>, vector<16xi32>
      %parallel_loop3A_446 = vector.shape_cast %parallel_loop3A_445 : vector<16xi32> to vector<16x1xi32>
      %parallel_loop3A_447 = vector.shape_cast %parallel_loop3A_446 : vector<16x1xi32> to vector<16xi32>
      %parallel_loop3A_448 = tpu.dynamic_gather %parallel_loop3A_438[%parallel_loop3A_447] in [0] : vector<16xf32>, vector<16xi32> -> vector<16xf32>
      %parallel_loop3A_449 = arith.maximumf %parallel_loop3A_438, %parallel_loop3A_448 : vector<16xf32>
      %parallel_loop3A_450 = arith.subf %parallel_loop3A_378, %parallel_loop3A_449 : vector<16xf32>
      %parallel_loop3A_451 = math.exp %parallel_loop3A_450 : vector<16xf32>
      %parallel_loop3A_452 = arith.subf %parallel_loop3A_386, %parallel_loop3A_449 : vector<16xf32>
      %parallel_loop3A_453 = math.exp %parallel_loop3A_452 : vector<16xf32>
      %parallel_loop3A_454 = arith.subf %parallel_loop3A_394, %parallel_loop3A_449 : vector<16xf32>
      %parallel_loop3A_455 = math.exp %parallel_loop3A_454 : vector<16xf32>
      %parallel_loop3A_456 = arith.subf %parallel_loop3A_402, %parallel_loop3A_449 : vector<16xf32>
      %parallel_loop3A_457 = math.exp %parallel_loop3A_456 : vector<16xf32>
      %parallel_loop3A_458 = arith.addf %parallel_loop3A_451, %parallel_loop3A_453 : vector<16xf32>
      %parallel_loop3A_459 = arith.addf %parallel_loop3A_455, %parallel_loop3A_457 : vector<16xf32>
      %parallel_loop3A_460 = arith.addf %parallel_loop3A_458, %parallel_loop3A_459 : vector<16xf32>
      %parallel_loop3A_461 = arith.constant 0 : i32
      %parallel_loop3A_462 = vector.broadcast %parallel_loop3A_461 : i32 to vector<16xi32>
      %parallel_loop3A_463 = arith.cmpi slt, %xor3A_219, %parallel_loop3A_462 : vector<16xi32>
      %parallel_loop3A_464 = arith.constant 16 : i32
      %parallel_loop3A_465 = vector.broadcast %parallel_loop3A_464 : i32 to vector<16xi32>
      %parallel_loop3A_466 = arith.addi %xor3A_219, %parallel_loop3A_465 : vector<16xi32>
      %parallel_loop3A_467 = arith.select %parallel_loop3A_463, %parallel_loop3A_466, %xor3A_219 : vector<16xi1>, vector<16xi32>
      %parallel_loop3A_468 = vector.shape_cast %parallel_loop3A_467 : vector<16xi32> to vector<16x1xi32>
      %parallel_loop3A_469 = vector.shape_cast %parallel_loop3A_468 : vector<16x1xi32> to vector<16xi32>
      %parallel_loop3A_470 = tpu.dynamic_gather %parallel_loop3A_460[%parallel_loop3A_469] in [0] : vector<16xf32>, vector<16xi32> -> vector<16xf32>
      %parallel_loop3A_471 = arith.addf %parallel_loop3A_460, %parallel_loop3A_470 : vector<16xf32>
      %parallel_loop3A_472 = arith.constant 0 : i32
      %parallel_loop3A_473 = vector.broadcast %parallel_loop3A_472 : i32 to vector<16xi32>
      %parallel_loop3A_474 = arith.cmpi slt, %xor3A_223, %parallel_loop3A_473 : vector<16xi32>
      %parallel_loop3A_475 = arith.constant 16 : i32
      %parallel_loop3A_476 = vector.broadcast %parallel_loop3A_475 : i32 to vector<16xi32>
      %parallel_loop3A_477 = arith.addi %xor3A_223, %parallel_loop3A_476 : vector<16xi32>
      %parallel_loop3A_478 = arith.select %parallel_loop3A_474, %parallel_loop3A_477, %xor3A_223 : vector<16xi1>, vector<16xi32>
      %parallel_loop3A_479 = vector.shape_cast %parallel_loop3A_478 : vector<16xi32> to vector<16x1xi32>
      %parallel_loop3A_480 = vector.shape_cast %parallel_loop3A_479 : vector<16x1xi32> to vector<16xi32>
      %parallel_loop3A_481 = tpu.dynamic_gather %parallel_loop3A_471[%parallel_loop3A_480] in [0] : vector<16xf32>, vector<16xi32> -> vector<16xf32>
      %parallel_loop3A_482 = arith.addf %parallel_loop3A_471, %parallel_loop3A_481 : vector<16xf32>
      %parallel_loop3A_483 = arith.constant 0 : i32
      %parallel_loop3A_484 = vector.broadcast %parallel_loop3A_483 : i32 to vector<16xi32>
      %parallel_loop3A_485 = arith.cmpi slt, %xor3A_227, %parallel_loop3A_484 : vector<16xi32>
      %parallel_loop3A_486 = arith.constant 16 : i32
      %parallel_loop3A_487 = vector.broadcast %parallel_loop3A_486 : i32 to vector<16xi32>
      %parallel_loop3A_488 = arith.addi %xor3A_227, %parallel_loop3A_487 : vector<16xi32>
      %parallel_loop3A_489 = arith.select %parallel_loop3A_485, %parallel_loop3A_488, %xor3A_227 : vector<16xi1>, vector<16xi32>
      %parallel_loop3A_490 = vector.shape_cast %parallel_loop3A_489 : vector<16xi32> to vector<16x1xi32>
      %parallel_loop3A_491 = vector.shape_cast %parallel_loop3A_490 : vector<16x1xi32> to vector<16xi32>
      %parallel_loop3A_492 = tpu.dynamic_gather %parallel_loop3A_482[%parallel_loop3A_491] in [0] : vector<16xf32>, vector<16xi32> -> vector<16xf32>
      %parallel_loop3A_493 = arith.addf %parallel_loop3A_482, %parallel_loop3A_492 : vector<16xf32>
      %parallel_loop3A_494 = arith.constant 0 : i32
      %parallel_loop3A_495 = vector.broadcast %parallel_loop3A_494 : i32 to vector<16xi32>
      %parallel_loop3A_496 = arith.cmpi slt, %xor3A_231, %parallel_loop3A_495 : vector<16xi32>
      %parallel_loop3A_497 = arith.constant 16 : i32
      %parallel_loop3A_498 = vector.broadcast %parallel_loop3A_497 : i32 to vector<16xi32>
      %parallel_loop3A_499 = arith.addi %xor3A_231, %parallel_loop3A_498 : vector<16xi32>
      %parallel_loop3A_500 = arith.select %parallel_loop3A_496, %parallel_loop3A_499, %xor3A_231 : vector<16xi1>, vector<16xi32>
      %parallel_loop3A_501 = vector.shape_cast %parallel_loop3A_500 : vector<16xi32> to vector<16x1xi32>
      %parallel_loop3A_502 = vector.shape_cast %parallel_loop3A_501 : vector<16x1xi32> to vector<16xi32>
      %parallel_loop3A_503 = tpu.dynamic_gather %parallel_loop3A_493[%parallel_loop3A_502] in [0] : vector<16xf32>, vector<16xi32> -> vector<16xf32>
      %parallel_loop3A_504 = arith.addf %parallel_loop3A_493, %parallel_loop3A_503 : vector<16xf32>
      %parallel_loop3A_505 = arith.constant 1.000000e+00 : f32
      %parallel_loop3A_506 = vector.broadcast %parallel_loop3A_505 : f32 to vector<16xf32>
      %parallel_loop3A_507 = arith.divf %parallel_loop3A_506, %parallel_loop3A_504 : vector<16xf32>
      %parallel_loop3A_508 = arith.constant 0 : i32
      %parallel_loop3A_509 = arith.addi %parallel_loop3A_508, %parallel_loop3A_370 : i32
      %parallel_loop3A_510 = arith.index_cast %parallel_loop3A_509 : i32 to index
      %parallel_loop3A_511 = tpu.vector_load %arg6[%parallel_loop3A_510] {strides = array<i32>} : memref<1040xi32, #tpu.memory_space<vmem>>, vector<16xi32>,
      %parallel_loop3A_512 = vector.shape_cast %parallel_loop3A_511 : vector<16xi32> to vector<16xi32>
      %parallel_loop3A_513 = vector.extract_strided_slice %parallel_loop3A_512 {offsets = [0], sizes = [1], strides = [1]} : vector<16xi32> to vector<1xi32>
      %parallel_loop3A_514 = vector.extract %parallel_loop3A_513[0] : i32 from vector<1xi32>
      %parallel_loop3A_515 = arith.mulf %parallel_loop3A_451, %parallel_loop3A_507 : vector<16xf32>
      %parallel_loop3A_516 = arith.index_cast %parallel_loop3A_514 : i32 to index
      %parallel_loop3A_517 = arith.constant 0 : index
      %parallel_loop3A_518 = tpu.vector_load %arg7[%parallel_loop3A_516, %parallel_loop3A_517] {strides = array<i32>} : memref<8x64xf32, #tpu.memory_space<vmem>>, vector<1x16xf32>,
      %parallel_loop3A_519 = vector.shape_cast %parallel_loop3A_518 : vector<1x16xf32> to vector<16xf32>
      %parallel_loop3A_520 = vector.shape_cast %parallel_loop3A_515 : vector<16xf32> to vector<1x16xf32>
      tpu.vector_store %arg7[%parallel_loop3A_516, %parallel_loop3A_517], %parallel_loop3A_520 {add = true, strides = array<i32>} : memref<8x64xf32, #tpu.memory_space<vmem>>, vector<1x16xf32>,
      %parallel_loop3A_521 = arith.mulf %parallel_loop3A_453, %parallel_loop3A_507 : vector<16xf32>
      %parallel_loop3A_522 = arith.index_cast %parallel_loop3A_514 : i32 to index
      %parallel_loop3A_523 = arith.constant 16 : index
      %parallel_loop3A_524 = tpu.vector_load %arg7[%parallel_loop3A_522, %parallel_loop3A_523] {strides = array<i32>} : memref<8x64xf32, #tpu.memory_space<vmem>>, vector<1x16xf32>,
      %parallel_loop3A_525 = vector.shape_cast %parallel_loop3A_524 : vector<1x16xf32> to vector<16xf32>
      %parallel_loop3A_526 = vector.shape_cast %parallel_loop3A_521 : vector<16xf32> to vector<1x16xf32>
      tpu.vector_store %arg7[%parallel_loop3A_522, %parallel_loop3A_523], %parallel_loop3A_526 {add = true, strides = array<i32>} : memref<8x64xf32, #tpu.memory_space<vmem>>, vector<1x16xf32>,
      %parallel_loop3A_527 = arith.mulf %parallel_loop3A_455, %parallel_loop3A_507 : vector<16xf32>
      %parallel_loop3A_528 = arith.index_cast %parallel_loop3A_514 : i32 to index
      %parallel_loop3A_529 = arith.constant 32 : index
      %parallel_loop3A_530 = tpu.vector_load %arg7[%parallel_loop3A_528, %parallel_loop3A_529] {strides = array<i32>} : memref<8x64xf32, #tpu.memory_space<vmem>>, vector<1x16xf32>,
      %parallel_loop3A_531 = vector.shape_cast %parallel_loop3A_530 : vector<1x16xf32> to vector<16xf32>
      %parallel_loop3A_532 = vector.shape_cast %parallel_loop3A_527 : vector<16xf32> to vector<1x16xf32>
      tpu.vector_store %arg7[%parallel_loop3A_528, %parallel_loop3A_529], %parallel_loop3A_532 {add = true, strides = array<i32>} : memref<8x64xf32, #tpu.memory_space<vmem>>, vector<1x16xf32>,
      %parallel_loop3A_533 = arith.mulf %parallel_loop3A_457, %parallel_loop3A_507 : vector<16xf32>
      %parallel_loop3A_534 = arith.index_cast %parallel_loop3A_514 : i32 to index
      %parallel_loop3A_535 = arith.constant 48 : index
      %parallel_loop3A_536 = tpu.vector_load %arg7[%parallel_loop3A_534, %parallel_loop3A_535] {strides = array<i32>} : memref<8x64xf32, #tpu.memory_space<vmem>>, vector<1x16xf32>,
      %parallel_loop3A_537 = vector.shape_cast %parallel_loop3A_536 : vector<1x16xf32> to vector<16xf32>
      %parallel_loop3A_538 = vector.shape_cast %parallel_loop3A_533 : vector<16xf32> to vector<1x16xf32>
      tpu.vector_store %arg7[%parallel_loop3A_534, %parallel_loop3A_535], %parallel_loop3A_538 {add = true, strides = array<i32>} : memref<8x64xf32, #tpu.memory_space<vmem>>, vector<1x16xf32>,
    } {sc.loop_unroll_factor = 2 : i64, sc.parallel_access}
    %dma_wait3A_274 = arith.constant 1 : i32
    %dma_wait3A_275 = arith.constant 1 : i32
    %dma_wait3A_276 = arith.constant 0 : i32
    %dma_wait3A_277 = arith.constant 0 : i32
    %dma_wait3A_278 = tpu.memref_slice %arg5[%dma_wait3A_274, %dma_wait3A_276, %dma_wait3A_277] : memref<2x256x64xf32, #tpu.memory_space<vmem>> -> memref<1x256x64xf32, #tpu.memory_space<vmem>>
    %dma_wait3A_279 = tpu.memref_squeeze %dma_wait3A_278 : memref<1x256x64xf32, #tpu.memory_space<vmem>> -> memref<256x64xf32, #tpu.memory_space<vmem>>
    %dma_wait3A_280 = arith.constant 0 : i32
    %dma_wait3A_281 = tpu.memref_slice %arg2[%add3A_254, %dma_wait3A_280] : memref<32768x64xf32, #tpu.memory_space<hbm>> -> memref<256x64xf32, #tpu.memory_space<hbm>>
    %dma_wait3A_282 = tpu.memref_slice %arg8[%dma_wait3A_275] : memref<2x!tpu.dma_semaphore, #tpu.memory_space<semaphore_mem>> -> memref<1x!tpu.dma_semaphore, #tpu.memory_space<semaphore_mem>>
    %dma_wait3A_283 = tpu.memref_squeeze %dma_wait3A_282 : memref<1x!tpu.dma_semaphore, #tpu.memory_space<semaphore_mem>> -> memref<!tpu.dma_semaphore, #tpu.memory_space<semaphore_mem>>
    %dma_wait3A_284 = arith.constant 0 : i32
    %dma_wait3A_285 = arith.constant 0 : i32
    %dma_wait3A_286 = tpu.memref_slice %arg5[%dma_wait3A_274, %dma_wait3A_284, %dma_wait3A_285] : memref<2x256x64xf32, #tpu.memory_space<vmem>> -> memref<1x256x64xf32, #tpu.memory_space<vmem>>
    %dma_wait3A_287 = tpu.memref_squeeze %dma_wait3A_286 : memref<1x256x64xf32, #tpu.memory_space<vmem>> -> memref<256x64xf32, #tpu.memory_space<vmem>>
    %dma_wait3A_288 = arith.constant 0 : i32
    %dma_wait3A_289 = tpu.memref_slice %arg2[%add3A_254, %dma_wait3A_288] : memref<32768x64xf32, #tpu.memory_space<hbm>> -> memref<256x64xf32, #tpu.memory_space<hbm>>
    tpu.wait_dma2 semaphore(%dma_wait3A_283 : memref<!tpu.dma_semaphore, #tpu.memory_space<semaphore_mem>>) src(%dma_wait3A_289 : memref<256x64xf32, #tpu.memory_space<hbm>>) dst(%dma_wait3A_287 : memref<256x64xf32, #tpu.memory_space<vmem>>)
    %add3A_290 = arith.constant 512 : i32
    %add3A_291 = arith.addi %mul3A_2, %add3A_290 : i32
    %dma_start3A_292 = arith.constant 0 : i32
    %dma_start3A_293 = arith.constant 0 : i32
    %dma_start3A_294 = arith.constant 0 : i32
    %dma_start3A_295 = arith.constant 0 : i32
    %dma_start3A_296 = tpu.memref_slice %arg5[%dma_start3A_292, %dma_start3A_294, %dma_start3A_295] : memref<2x256x64xf32, #tpu.memory_space<vmem>> -> memref<1x256x64xf32, #tpu.memory_space<vmem>>
    %dma_start3A_297 = tpu.memref_squeeze %dma_start3A_296 : memref<1x256x64xf32, #tpu.memory_space<vmem>> -> memref<256x64xf32, #tpu.memory_space<vmem>>
    %dma_start3A_298 = arith.constant 0 : i32
    %dma_start3A_299 = tpu.memref_slice %arg2[%add3A_291, %dma_start3A_298] : memref<32768x64xf32, #tpu.memory_space<hbm>> -> memref<256x64xf32, #tpu.memory_space<hbm>>
    %dma_start3A_300 = tpu.memref_slice %arg8[%dma_start3A_293] : memref<2x!tpu.dma_semaphore, #tpu.memory_space<semaphore_mem>> -> memref<1x!tpu.dma_semaphore, #tpu.memory_space<semaphore_mem>>
    %dma_start3A_301 = tpu.memref_squeeze %dma_start3A_300 : memref<1x!tpu.dma_semaphore, #tpu.memory_space<semaphore_mem>> -> memref<!tpu.dma_semaphore, #tpu.memory_space<semaphore_mem>>
    %dma_start3A_302 = arith.constant 0 : i32
    %dma_start3A_303 = arith.constant 0 : i32
    %dma_start3A_304 = tpu.memref_slice %arg5[%dma_start3A_292, %dma_start3A_302, %dma_start3A_303] : memref<2x256x64xf32, #tpu.memory_space<vmem>> -> memref<1x256x64xf32, #tpu.memory_space<vmem>>
    %dma_start3A_305 = tpu.memref_squeeze %dma_start3A_304 : memref<1x256x64xf32, #tpu.memory_space<vmem>> -> memref<256x64xf32, #tpu.memory_space<vmem>>
    %dma_start3A_306 = arith.constant 0 : i32
    %dma_start3A_307 = tpu.memref_slice %arg2[%add3A_291, %dma_start3A_306] : memref<32768x64xf32, #tpu.memory_space<hbm>> -> memref<256x64xf32, #tpu.memory_space<hbm>>
    tpu.enqueue_dma source(%dma_start3A_307 : memref<256x64xf32, #tpu.memory_space<hbm>>) target(%dma_start3A_305 : memref<256x64xf32, #tpu.memory_space<vmem>>) target_semaphore(%dma_start3A_301 : memref<!tpu.dma_semaphore, #tpu.memory_space<semaphore_mem>>)
    %parallel_loop3A_308 = arith.constant 0 : i32
    %parallel_loop3A_309 = arith.constant 256 : i32
    %parallel_loop3A_310 = arith.constant 1 : i32
    %parallel_loop3A_311 = arith.constant 1 : i32
    scf.for %parallel_loop3A_370 = %parallel_loop3A_308 to %parallel_loop3A_309 step %parallel_loop3A_310  : i32 {
      %parallel_loop3A_371 = arith.constant 0 : i32
      %parallel_loop3A_372 = arith.constant 0 : i32
      %parallel_loop3A_373 = tpu.memref_slice %arg5[%parallel_loop3A_311, %parallel_loop3A_371, %parallel_loop3A_372] : memref<2x256x64xf32, #tpu.memory_space<vmem>> -> memref<1x256x64xf32, #tpu.memory_space<vmem>>
      %parallel_loop3A_374 = tpu.memref_squeeze %parallel_loop3A_373 : memref<1x256x64xf32, #tpu.memory_space<vmem>> -> memref<256x64xf32, #tpu.memory_space<vmem>>
      %parallel_loop3A_375 = arith.index_cast %parallel_loop3A_370 : i32 to index
      %parallel_loop3A_376 = arith.constant 0 : index
      %parallel_loop3A_377 = tpu.vector_load %parallel_loop3A_374[%parallel_loop3A_375, %parallel_loop3A_376] {strides = array<i32>} : memref<256x64xf32, #tpu.memory_space<vmem>>, vector<1x16xf32>,
      %parallel_loop3A_378 = vector.shape_cast %parallel_loop3A_377 : vector<1x16xf32> to vector<16xf32>
      %parallel_loop3A_379 = arith.constant 0 : i32
      %parallel_loop3A_380 = arith.constant 0 : i32
      %parallel_loop3A_381 = tpu.memref_slice %arg5[%parallel_loop3A_311, %parallel_loop3A_379, %parallel_loop3A_380] : memref<2x256x64xf32, #tpu.memory_space<vmem>> -> memref<1x256x64xf32, #tpu.memory_space<vmem>>
      %parallel_loop3A_382 = tpu.memref_squeeze %parallel_loop3A_381 : memref<1x256x64xf32, #tpu.memory_space<vmem>> -> memref<256x64xf32, #tpu.memory_space<vmem>>
      %parallel_loop3A_383 = arith.index_cast %parallel_loop3A_370 : i32 to index
      %parallel_loop3A_384 = arith.constant 16 : index
      %parallel_loop3A_385 = tpu.vector_load %parallel_loop3A_382[%parallel_loop3A_383, %parallel_loop3A_384] {strides = array<i32>} : memref<256x64xf32, #tpu.memory_space<vmem>>, vector<1x16xf32>,
      %parallel_loop3A_386 = vector.shape_cast %parallel_loop3A_385 : vector<1x16xf32> to vector<16xf32>
      %parallel_loop3A_387 = arith.constant 0 : i32
      %parallel_loop3A_388 = arith.constant 0 : i32
      %parallel_loop3A_389 = tpu.memref_slice %arg5[%parallel_loop3A_311, %parallel_loop3A_387, %parallel_loop3A_388] : memref<2x256x64xf32, #tpu.memory_space<vmem>> -> memref<1x256x64xf32, #tpu.memory_space<vmem>>
      %parallel_loop3A_390 = tpu.memref_squeeze %parallel_loop3A_389 : memref<1x256x64xf32, #tpu.memory_space<vmem>> -> memref<256x64xf32, #tpu.memory_space<vmem>>
      %parallel_loop3A_391 = arith.index_cast %parallel_loop3A_370 : i32 to index
      %parallel_loop3A_392 = arith.constant 32 : index
      %parallel_loop3A_393 = tpu.vector_load %parallel_loop3A_390[%parallel_loop3A_391, %parallel_loop3A_392] {strides = array<i32>} : memref<256x64xf32, #tpu.memory_space<vmem>>, vector<1x16xf32>,
      %parallel_loop3A_394 = vector.shape_cast %parallel_loop3A_393 : vector<1x16xf32> to vector<16xf32>
      %parallel_loop3A_395 = arith.constant 0 : i32
      %parallel_loop3A_396 = arith.constant 0 : i32
      %parallel_loop3A_397 = tpu.memref_slice %arg5[%parallel_loop3A_311, %parallel_loop3A_395, %parallel_loop3A_396] : memref<2x256x64xf32, #tpu.memory_space<vmem>> -> memref<1x256x64xf32, #tpu.memory_space<vmem>>
      %parallel_loop3A_398 = tpu.memref_squeeze %parallel_loop3A_397 : memref<1x256x64xf32, #tpu.memory_space<vmem>> -> memref<256x64xf32, #tpu.memory_space<vmem>>
      %parallel_loop3A_399 = arith.index_cast %parallel_loop3A_370 : i32 to index
      %parallel_loop3A_400 = arith.constant 48 : index
      %parallel_loop3A_401 = tpu.vector_load %parallel_loop3A_398[%parallel_loop3A_399, %parallel_loop3A_400] {strides = array<i32>} : memref<256x64xf32, #tpu.memory_space<vmem>>, vector<1x16xf32>,
      %parallel_loop3A_402 = vector.shape_cast %parallel_loop3A_401 : vector<1x16xf32> to vector<16xf32>
      %parallel_loop3A_403 = arith.maximumf %parallel_loop3A_378, %parallel_loop3A_386 : vector<16xf32>
      %parallel_loop3A_404 = arith.maximumf %parallel_loop3A_394, %parallel_loop3A_402 : vector<16xf32>
      %parallel_loop3A_405 = arith.maximumf %parallel_loop3A_403, %parallel_loop3A_404 : vector<16xf32>
      %parallel_loop3A_406 = arith.constant 0 : i32
      %parallel_loop3A_407 = vector.broadcast %parallel_loop3A_406 : i32 to vector<16xi32>
      %parallel_loop3A_408 = arith.cmpi slt, %xor3A_219, %parallel_loop3A_407 : vector<16xi32>
      %parallel_loop3A_409 = arith.constant 16 : i32
      %parallel_loop3A_410 = vector.broadcast %parallel_loop3A_409 : i32 to vector<16xi32>
      %parallel_loop3A_411 = arith.addi %xor3A_219, %parallel_loop3A_410 : vector<16xi32>
      %parallel_loop3A_412 = arith.select %parallel_loop3A_408, %parallel_loop3A_411, %xor3A_219 : vector<16xi1>, vector<16xi32>
      %parallel_loop3A_413 = vector.shape_cast %parallel_loop3A_412 : vector<16xi32> to vector<16x1xi32>
      %parallel_loop3A_414 = vector.shape_cast %parallel_loop3A_413 : vector<16x1xi32> to vector<16xi32>
      %parallel_loop3A_415 = tpu.dynamic_gather %parallel_loop3A_405[%parallel_loop3A_414] in [0] : vector<16xf32>, vector<16xi32> -> vector<16xf32>
      %parallel_loop3A_416 = arith.maximumf %parallel_loop3A_405, %parallel_loop3A_415 : vector<16xf32>
      %parallel_loop3A_417 = arith.constant 0 : i32
      %parallel_loop3A_418 = vector.broadcast %parallel_loop3A_417 : i32 to vector<16xi32>
      %parallel_loop3A_419 = arith.cmpi slt, %xor3A_223, %parallel_loop3A_418 : vector<16xi32>
      %parallel_loop3A_420 = arith.constant 16 : i32
      %parallel_loop3A_421 = vector.broadcast %parallel_loop3A_420 : i32 to vector<16xi32>
      %parallel_loop3A_422 = arith.addi %xor3A_223, %parallel_loop3A_421 : vector<16xi32>
      %parallel_loop3A_423 = arith.select %parallel_loop3A_419, %parallel_loop3A_422, %xor3A_223 : vector<16xi1>, vector<16xi32>
      %parallel_loop3A_424 = vector.shape_cast %parallel_loop3A_423 : vector<16xi32> to vector<16x1xi32>
      %parallel_loop3A_425 = vector.shape_cast %parallel_loop3A_424 : vector<16x1xi32> to vector<16xi32>
      %parallel_loop3A_426 = tpu.dynamic_gather %parallel_loop3A_416[%parallel_loop3A_425] in [0] : vector<16xf32>, vector<16xi32> -> vector<16xf32>
      %parallel_loop3A_427 = arith.maximumf %parallel_loop3A_416, %parallel_loop3A_426 : vector<16xf32>
      %parallel_loop3A_428 = arith.constant 0 : i32
      %parallel_loop3A_429 = vector.broadcast %parallel_loop3A_428 : i32 to vector<16xi32>
      %parallel_loop3A_430 = arith.cmpi slt, %xor3A_227, %parallel_loop3A_429 : vector<16xi32>
      %parallel_loop3A_431 = arith.constant 16 : i32
      %parallel_loop3A_432 = vector.broadcast %parallel_loop3A_431 : i32 to vector<16xi32>
      %parallel_loop3A_433 = arith.addi %xor3A_227, %parallel_loop3A_432 : vector<16xi32>
      %parallel_loop3A_434 = arith.select %parallel_loop3A_430, %parallel_loop3A_433, %xor3A_227 : vector<16xi1>, vector<16xi32>
      %parallel_loop3A_435 = vector.shape_cast %parallel_loop3A_434 : vector<16xi32> to vector<16x1xi32>
      %parallel_loop3A_436 = vector.shape_cast %parallel_loop3A_435 : vector<16x1xi32> to vector<16xi32>
      %parallel_loop3A_437 = tpu.dynamic_gather %parallel_loop3A_427[%parallel_loop3A_436] in [0] : vector<16xf32>, vector<16xi32> -> vector<16xf32>
      %parallel_loop3A_438 = arith.maximumf %parallel_loop3A_427, %parallel_loop3A_437 : vector<16xf32>
      %parallel_loop3A_439 = arith.constant 0 : i32
      %parallel_loop3A_440 = vector.broadcast %parallel_loop3A_439 : i32 to vector<16xi32>
      %parallel_loop3A_441 = arith.cmpi slt, %xor3A_231, %parallel_loop3A_440 : vector<16xi32>
      %parallel_loop3A_442 = arith.constant 16 : i32
      %parallel_loop3A_443 = vector.broadcast %parallel_loop3A_442 : i32 to vector<16xi32>
      %parallel_loop3A_444 = arith.addi %xor3A_231, %parallel_loop3A_443 : vector<16xi32>
      %parallel_loop3A_445 = arith.select %parallel_loop3A_441, %parallel_loop3A_444, %xor3A_231 : vector<16xi1>, vector<16xi32>
      %parallel_loop3A_446 = vector.shape_cast %parallel_loop3A_445 : vector<16xi32> to vector<16x1xi32>
      %parallel_loop3A_447 = vector.shape_cast %parallel_loop3A_446 : vector<16x1xi32> to vector<16xi32>
      %parallel_loop3A_448 = tpu.dynamic_gather %parallel_loop3A_438[%parallel_loop3A_447] in [0] : vector<16xf32>, vector<16xi32> -> vector<16xf32>
      %parallel_loop3A_449 = arith.maximumf %parallel_loop3A_438, %parallel_loop3A_448 : vector<16xf32>
      %parallel_loop3A_450 = arith.subf %parallel_loop3A_378, %parallel_loop3A_449 : vector<16xf32>
      %parallel_loop3A_451 = math.exp %parallel_loop3A_450 : vector<16xf32>
      %parallel_loop3A_452 = arith.subf %parallel_loop3A_386, %parallel_loop3A_449 : vector<16xf32>
      %parallel_loop3A_453 = math.exp %parallel_loop3A_452 : vector<16xf32>
      %parallel_loop3A_454 = arith.subf %parallel_loop3A_394, %parallel_loop3A_449 : vector<16xf32>
      %parallel_loop3A_455 = math.exp %parallel_loop3A_454 : vector<16xf32>
      %parallel_loop3A_456 = arith.subf %parallel_loop3A_402, %parallel_loop3A_449 : vector<16xf32>
      %parallel_loop3A_457 = math.exp %parallel_loop3A_456 : vector<16xf32>
      %parallel_loop3A_458 = arith.addf %parallel_loop3A_451, %parallel_loop3A_453 : vector<16xf32>
      %parallel_loop3A_459 = arith.addf %parallel_loop3A_455, %parallel_loop3A_457 : vector<16xf32>
      %parallel_loop3A_460 = arith.addf %parallel_loop3A_458, %parallel_loop3A_459 : vector<16xf32>
      %parallel_loop3A_461 = arith.constant 0 : i32
      %parallel_loop3A_462 = vector.broadcast %parallel_loop3A_461 : i32 to vector<16xi32>
      %parallel_loop3A_463 = arith.cmpi slt, %xor3A_219, %parallel_loop3A_462 : vector<16xi32>
      %parallel_loop3A_464 = arith.constant 16 : i32
      %parallel_loop3A_465 = vector.broadcast %parallel_loop3A_464 : i32 to vector<16xi32>
      %parallel_loop3A_466 = arith.addi %xor3A_219, %parallel_loop3A_465 : vector<16xi32>
      %parallel_loop3A_467 = arith.select %parallel_loop3A_463, %parallel_loop3A_466, %xor3A_219 : vector<16xi1>, vector<16xi32>
      %parallel_loop3A_468 = vector.shape_cast %parallel_loop3A_467 : vector<16xi32> to vector<16x1xi32>
      %parallel_loop3A_469 = vector.shape_cast %parallel_loop3A_468 : vector<16x1xi32> to vector<16xi32>
      %parallel_loop3A_470 = tpu.dynamic_gather %parallel_loop3A_460[%parallel_loop3A_469] in [0] : vector<16xf32>, vector<16xi32> -> vector<16xf32>
      %parallel_loop3A_471 = arith.addf %parallel_loop3A_460, %parallel_loop3A_470 : vector<16xf32>
      %parallel_loop3A_472 = arith.constant 0 : i32
      %parallel_loop3A_473 = vector.broadcast %parallel_loop3A_472 : i32 to vector<16xi32>
      %parallel_loop3A_474 = arith.cmpi slt, %xor3A_223, %parallel_loop3A_473 : vector<16xi32>
      %parallel_loop3A_475 = arith.constant 16 : i32
      %parallel_loop3A_476 = vector.broadcast %parallel_loop3A_475 : i32 to vector<16xi32>
      %parallel_loop3A_477 = arith.addi %xor3A_223, %parallel_loop3A_476 : vector<16xi32>
      %parallel_loop3A_478 = arith.select %parallel_loop3A_474, %parallel_loop3A_477, %xor3A_223 : vector<16xi1>, vector<16xi32>
      %parallel_loop3A_479 = vector.shape_cast %parallel_loop3A_478 : vector<16xi32> to vector<16x1xi32>
      %parallel_loop3A_480 = vector.shape_cast %parallel_loop3A_479 : vector<16x1xi32> to vector<16xi32>
      %parallel_loop3A_481 = tpu.dynamic_gather %parallel_loop3A_471[%parallel_loop3A_480] in [0] : vector<16xf32>, vector<16xi32> -> vector<16xf32>
      %parallel_loop3A_482 = arith.addf %parallel_loop3A_471, %parallel_loop3A_481 : vector<16xf32>
      %parallel_loop3A_483 = arith.constant 0 : i32
      %parallel_loop3A_484 = vector.broadcast %parallel_loop3A_483 : i32 to vector<16xi32>
      %parallel_loop3A_485 = arith.cmpi slt, %xor3A_227, %parallel_loop3A_484 : vector<16xi32>
      %parallel_loop3A_486 = arith.constant 16 : i32
      %parallel_loop3A_487 = vector.broadcast %parallel_loop3A_486 : i32 to vector<16xi32>
      %parallel_loop3A_488 = arith.addi %xor3A_227, %parallel_loop3A_487 : vector<16xi32>
      %parallel_loop3A_489 = arith.select %parallel_loop3A_485, %parallel_loop3A_488, %xor3A_227 : vector<16xi1>, vector<16xi32>
      %parallel_loop3A_490 = vector.shape_cast %parallel_loop3A_489 : vector<16xi32> to vector<16x1xi32>
      %parallel_loop3A_491 = vector.shape_cast %parallel_loop3A_490 : vector<16x1xi32> to vector<16xi32>
      %parallel_loop3A_492 = tpu.dynamic_gather %parallel_loop3A_482[%parallel_loop3A_491] in [0] : vector<16xf32>, vector<16xi32> -> vector<16xf32>
      %parallel_loop3A_493 = arith.addf %parallel_loop3A_482, %parallel_loop3A_492 : vector<16xf32>
      %parallel_loop3A_494 = arith.constant 0 : i32
      %parallel_loop3A_495 = vector.broadcast %parallel_loop3A_494 : i32 to vector<16xi32>
      %parallel_loop3A_496 = arith.cmpi slt, %xor3A_231, %parallel_loop3A_495 : vector<16xi32>
      %parallel_loop3A_497 = arith.constant 16 : i32
      %parallel_loop3A_498 = vector.broadcast %parallel_loop3A_497 : i32 to vector<16xi32>
      %parallel_loop3A_499 = arith.addi %xor3A_231, %parallel_loop3A_498 : vector<16xi32>
      %parallel_loop3A_500 = arith.select %parallel_loop3A_496, %parallel_loop3A_499, %xor3A_231 : vector<16xi1>, vector<16xi32>
      %parallel_loop3A_501 = vector.shape_cast %parallel_loop3A_500 : vector<16xi32> to vector<16x1xi32>
      %parallel_loop3A_502 = vector.shape_cast %parallel_loop3A_501 : vector<16x1xi32> to vector<16xi32>
      %parallel_loop3A_503 = tpu.dynamic_gather %parallel_loop3A_493[%parallel_loop3A_502] in [0] : vector<16xf32>, vector<16xi32> -> vector<16xf32>
      %parallel_loop3A_504 = arith.addf %parallel_loop3A_493, %parallel_loop3A_503 : vector<16xf32>
      %parallel_loop3A_505 = arith.constant 1.000000e+00 : f32
      %parallel_loop3A_506 = vector.broadcast %parallel_loop3A_505 : f32 to vector<16xf32>
      %parallel_loop3A_507 = arith.divf %parallel_loop3A_506, %parallel_loop3A_504 : vector<16xf32>
      %parallel_loop3A_508 = arith.constant 256 : i32
      %parallel_loop3A_509 = arith.addi %parallel_loop3A_508, %parallel_loop3A_370 : i32
      %parallel_loop3A_510 = arith.index_cast %parallel_loop3A_509 : i32 to index
      %parallel_loop3A_511 = tpu.vector_load %arg6[%parallel_loop3A_510] {strides = array<i32>} : memref<1040xi32, #tpu.memory_space<vmem>>, vector<16xi32>,
      %parallel_loop3A_512 = vector.shape_cast %parallel_loop3A_511 : vector<16xi32> to vector<16xi32>
      %parallel_loop3A_513 = vector.extract_strided_slice %parallel_loop3A_512 {offsets = [0], sizes = [1], strides = [1]} : vector<16xi32> to vector<1xi32>
      %parallel_loop3A_514 = vector.extract %parallel_loop3A_513[0] : i32 from vector<1xi32>
      %parallel_loop3A_515 = arith.mulf %parallel_loop3A_451, %parallel_loop3A_507 : vector<16xf32>
      %parallel_loop3A_516 = arith.index_cast %parallel_loop3A_514 : i32 to index
      %parallel_loop3A_517 = arith.constant 0 : index
      %parallel_loop3A_518 = tpu.vector_load %arg7[%parallel_loop3A_516, %parallel_loop3A_517] {strides = array<i32>} : memref<8x64xf32, #tpu.memory_space<vmem>>, vector<1x16xf32>,
      %parallel_loop3A_519 = vector.shape_cast %parallel_loop3A_518 : vector<1x16xf32> to vector<16xf32>
      %parallel_loop3A_520 = vector.shape_cast %parallel_loop3A_515 : vector<16xf32> to vector<1x16xf32>
      tpu.vector_store %arg7[%parallel_loop3A_516, %parallel_loop3A_517], %parallel_loop3A_520 {add = true, strides = array<i32>} : memref<8x64xf32, #tpu.memory_space<vmem>>, vector<1x16xf32>,
      %parallel_loop3A_521 = arith.mulf %parallel_loop3A_453, %parallel_loop3A_507 : vector<16xf32>
      %parallel_loop3A_522 = arith.index_cast %parallel_loop3A_514 : i32 to index
      %parallel_loop3A_523 = arith.constant 16 : index
      %parallel_loop3A_524 = tpu.vector_load %arg7[%parallel_loop3A_522, %parallel_loop3A_523] {strides = array<i32>} : memref<8x64xf32, #tpu.memory_space<vmem>>, vector<1x16xf32>,
      %parallel_loop3A_525 = vector.shape_cast %parallel_loop3A_524 : vector<1x16xf32> to vector<16xf32>
      %parallel_loop3A_526 = vector.shape_cast %parallel_loop3A_521 : vector<16xf32> to vector<1x16xf32>
      tpu.vector_store %arg7[%parallel_loop3A_522, %parallel_loop3A_523], %parallel_loop3A_526 {add = true, strides = array<i32>} : memref<8x64xf32, #tpu.memory_space<vmem>>, vector<1x16xf32>,
      %parallel_loop3A_527 = arith.mulf %parallel_loop3A_455, %parallel_loop3A_507 : vector<16xf32>
      %parallel_loop3A_528 = arith.index_cast %parallel_loop3A_514 : i32 to index
      %parallel_loop3A_529 = arith.constant 32 : index
      %parallel_loop3A_530 = tpu.vector_load %arg7[%parallel_loop3A_528, %parallel_loop3A_529] {strides = array<i32>} : memref<8x64xf32, #tpu.memory_space<vmem>>, vector<1x16xf32>,
      %parallel_loop3A_531 = vector.shape_cast %parallel_loop3A_530 : vector<1x16xf32> to vector<16xf32>
      %parallel_loop3A_532 = vector.shape_cast %parallel_loop3A_527 : vector<16xf32> to vector<1x16xf32>
      tpu.vector_store %arg7[%parallel_loop3A_528, %parallel_loop3A_529], %parallel_loop3A_532 {add = true, strides = array<i32>} : memref<8x64xf32, #tpu.memory_space<vmem>>, vector<1x16xf32>,
      %parallel_loop3A_533 = arith.mulf %parallel_loop3A_457, %parallel_loop3A_507 : vector<16xf32>
      %parallel_loop3A_534 = arith.index_cast %parallel_loop3A_514 : i32 to index
      %parallel_loop3A_535 = arith.constant 48 : index
      %parallel_loop3A_536 = tpu.vector_load %arg7[%parallel_loop3A_534, %parallel_loop3A_535] {strides = array<i32>} : memref<8x64xf32, #tpu.memory_space<vmem>>, vector<1x16xf32>,
      %parallel_loop3A_537 = vector.shape_cast %parallel_loop3A_536 : vector<1x16xf32> to vector<16xf32>
      %parallel_loop3A_538 = vector.shape_cast %parallel_loop3A_533 : vector<16xf32> to vector<1x16xf32>
      tpu.vector_store %arg7[%parallel_loop3A_534, %parallel_loop3A_535], %parallel_loop3A_538 {add = true, strides = array<i32>} : memref<8x64xf32, #tpu.memory_space<vmem>>, vector<1x16xf32>,
    } {sc.loop_unroll_factor = 2 : i64, sc.parallel_access}
    %dma_wait3A_312 = arith.constant 0 : i32
    %dma_wait3A_313 = arith.constant 0 : i32
    %dma_wait3A_314 = arith.constant 0 : i32
    %dma_wait3A_315 = arith.constant 0 : i32
    %dma_wait3A_316 = tpu.memref_slice %arg5[%dma_wait3A_312, %dma_wait3A_314, %dma_wait3A_315] : memref<2x256x64xf32, #tpu.memory_space<vmem>> -> memref<1x256x64xf32, #tpu.memory_space<vmem>>
    %dma_wait3A_317 = tpu.memref_squeeze %dma_wait3A_316 : memref<1x256x64xf32, #tpu.memory_space<vmem>> -> memref<256x64xf32, #tpu.memory_space<vmem>>
    %dma_wait3A_318 = arith.constant 0 : i32
    %dma_wait3A_319 = tpu.memref_slice %arg2[%add3A_291, %dma_wait3A_318] : memref<32768x64xf32, #tpu.memory_space<hbm>> -> memref<256x64xf32, #tpu.memory_space<hbm>>
    %dma_wait3A_320 = tpu.memref_slice %arg8[%dma_wait3A_313] : memref<2x!tpu.dma_semaphore, #tpu.memory_space<semaphore_mem>> -> memref<1x!tpu.dma_semaphore, #tpu.memory_space<semaphore_mem>>
    %dma_wait3A_321 = tpu.memref_squeeze %dma_wait3A_320 : memref<1x!tpu.dma_semaphore, #tpu.memory_space<semaphore_mem>> -> memref<!tpu.dma_semaphore, #tpu.memory_space<semaphore_mem>>
    %dma_wait3A_322 = arith.constant 0 : i32
    %dma_wait3A_323 = arith.constant 0 : i32
    %dma_wait3A_324 = tpu.memref_slice %arg5[%dma_wait3A_312, %dma_wait3A_322, %dma_wait3A_323] : memref<2x256x64xf32, #tpu.memory_space<vmem>> -> memref<1x256x64xf32, #tpu.memory_space<vmem>>
    %dma_wait3A_325 = tpu.memref_squeeze %dma_wait3A_324 : memref<1x256x64xf32, #tpu.memory_space<vmem>> -> memref<256x64xf32, #tpu.memory_space<vmem>>
    %dma_wait3A_326 = arith.constant 0 : i32
    %dma_wait3A_327 = tpu.memref_slice %arg2[%add3A_291, %dma_wait3A_326] : memref<32768x64xf32, #tpu.memory_space<hbm>> -> memref<256x64xf32, #tpu.memory_space<hbm>>
    tpu.wait_dma2 semaphore(%dma_wait3A_321 : memref<!tpu.dma_semaphore, #tpu.memory_space<semaphore_mem>>) src(%dma_wait3A_327 : memref<256x64xf32, #tpu.memory_space<hbm>>) dst(%dma_wait3A_325 : memref<256x64xf32, #tpu.memory_space<vmem>>)
    %add3A_328 = arith.constant 768 : i32
    %add3A_329 = arith.addi %mul3A_2, %add3A_328 : i32
    %dma_start3A_330 = arith.constant 1 : i32
    %dma_start3A_331 = arith.constant 1 : i32
    %dma_start3A_332 = arith.constant 0 : i32
    %dma_start3A_333 = arith.constant 0 : i32
    %dma_start3A_334 = tpu.memref_slice %arg5[%dma_start3A_330, %dma_start3A_332, %dma_start3A_333] : memref<2x256x64xf32, #tpu.memory_space<vmem>> -> memref<1x256x64xf32, #tpu.memory_space<vmem>>
    %dma_start3A_335 = tpu.memref_squeeze %dma_start3A_334 : memref<1x256x64xf32, #tpu.memory_space<vmem>> -> memref<256x64xf32, #tpu.memory_space<vmem>>
    %dma_start3A_336 = arith.constant 0 : i32
    %dma_start3A_337 = tpu.memref_slice %arg2[%add3A_329, %dma_start3A_336] : memref<32768x64xf32, #tpu.memory_space<hbm>> -> memref<256x64xf32, #tpu.memory_space<hbm>>
    %dma_start3A_338 = tpu.memref_slice %arg8[%dma_start3A_331] : memref<2x!tpu.dma_semaphore, #tpu.memory_space<semaphore_mem>> -> memref<1x!tpu.dma_semaphore, #tpu.memory_space<semaphore_mem>>
    %dma_start3A_339 = tpu.memref_squeeze %dma_start3A_338 : memref<1x!tpu.dma_semaphore, #tpu.memory_space<semaphore_mem>> -> memref<!tpu.dma_semaphore, #tpu.memory_space<semaphore_mem>>
    %dma_start3A_340 = arith.constant 0 : i32
    %dma_start3A_341 = arith.constant 0 : i32
    %dma_start3A_342 = tpu.memref_slice %arg5[%dma_start3A_330, %dma_start3A_340, %dma_start3A_341] : memref<2x256x64xf32, #tpu.memory_space<vmem>> -> memref<1x256x64xf32, #tpu.memory_space<vmem>>
    %dma_start3A_343 = tpu.memref_squeeze %dma_start3A_342 : memref<1x256x64xf32, #tpu.memory_space<vmem>> -> memref<256x64xf32, #tpu.memory_space<vmem>>
    %dma_start3A_344 = arith.constant 0 : i32
    %dma_start3A_345 = tpu.memref_slice %arg2[%add3A_329, %dma_start3A_344] : memref<32768x64xf32, #tpu.memory_space<hbm>> -> memref<256x64xf32, #tpu.memory_space<hbm>>
    tpu.enqueue_dma source(%dma_start3A_345 : memref<256x64xf32, #tpu.memory_space<hbm>>) target(%dma_start3A_343 : memref<256x64xf32, #tpu.memory_space<vmem>>) target_semaphore(%dma_start3A_339 : memref<!tpu.dma_semaphore, #tpu.memory_space<semaphore_mem>>)
    %parallel_loop3A_346 = arith.constant 0 : i32
    %parallel_loop3A_347 = arith.constant 256 : i32
    %parallel_loop3A_348 = arith.constant 1 : i32
    %parallel_loop3A_349 = arith.constant 0 : i32
    scf.for %parallel_loop3A_370 = %parallel_loop3A_346 to %parallel_loop3A_347 step %parallel_loop3A_348  : i32 {
      %parallel_loop3A_371 = arith.constant 0 : i32
      %parallel_loop3A_372 = arith.constant 0 : i32
      %parallel_loop3A_373 = tpu.memref_slice %arg5[%parallel_loop3A_349, %parallel_loop3A_371, %parallel_loop3A_372] : memref<2x256x64xf32, #tpu.memory_space<vmem>> -> memref<1x256x64xf32, #tpu.memory_space<vmem>>
      %parallel_loop3A_374 = tpu.memref_squeeze %parallel_loop3A_373 : memref<1x256x64xf32, #tpu.memory_space<vmem>> -> memref<256x64xf32, #tpu.memory_space<vmem>>
      %parallel_loop3A_375 = arith.index_cast %parallel_loop3A_370 : i32 to index
      %parallel_loop3A_376 = arith.constant 0 : index
      %parallel_loop3A_377 = tpu.vector_load %parallel_loop3A_374[%parallel_loop3A_375, %parallel_loop3A_376] {strides = array<i32>} : memref<256x64xf32, #tpu.memory_space<vmem>>, vector<1x16xf32>,
      %parallel_loop3A_378 = vector.shape_cast %parallel_loop3A_377 : vector<1x16xf32> to vector<16xf32>
      %parallel_loop3A_379 = arith.constant 0 : i32
      %parallel_loop3A_380 = arith.constant 0 : i32
      %parallel_loop3A_381 = tpu.memref_slice %arg5[%parallel_loop3A_349, %parallel_loop3A_379, %parallel_loop3A_380] : memref<2x256x64xf32, #tpu.memory_space<vmem>> -> memref<1x256x64xf32, #tpu.memory_space<vmem>>
      %parallel_loop3A_382 = tpu.memref_squeeze %parallel_loop3A_381 : memref<1x256x64xf32, #tpu.memory_space<vmem>> -> memref<256x64xf32, #tpu.memory_space<vmem>>
      %parallel_loop3A_383 = arith.index_cast %parallel_loop3A_370 : i32 to index
      %parallel_loop3A_384 = arith.constant 16 : index
      %parallel_loop3A_385 = tpu.vector_load %parallel_loop3A_382[%parallel_loop3A_383, %parallel_loop3A_384] {strides = array<i32>} : memref<256x64xf32, #tpu.memory_space<vmem>>, vector<1x16xf32>,
      %parallel_loop3A_386 = vector.shape_cast %parallel_loop3A_385 : vector<1x16xf32> to vector<16xf32>
      %parallel_loop3A_387 = arith.constant 0 : i32
      %parallel_loop3A_388 = arith.constant 0 : i32
      %parallel_loop3A_389 = tpu.memref_slice %arg5[%parallel_loop3A_349, %parallel_loop3A_387, %parallel_loop3A_388] : memref<2x256x64xf32, #tpu.memory_space<vmem>> -> memref<1x256x64xf32, #tpu.memory_space<vmem>>
      %parallel_loop3A_390 = tpu.memref_squeeze %parallel_loop3A_389 : memref<1x256x64xf32, #tpu.memory_space<vmem>> -> memref<256x64xf32, #tpu.memory_space<vmem>>
      %parallel_loop3A_391 = arith.index_cast %parallel_loop3A_370 : i32 to index
      %parallel_loop3A_392 = arith.constant 32 : index
      %parallel_loop3A_393 = tpu.vector_load %parallel_loop3A_390[%parallel_loop3A_391, %parallel_loop3A_392] {strides = array<i32>} : memref<256x64xf32, #tpu.memory_space<vmem>>, vector<1x16xf32>,
      %parallel_loop3A_394 = vector.shape_cast %parallel_loop3A_393 : vector<1x16xf32> to vector<16xf32>
      %parallel_loop3A_395 = arith.constant 0 : i32
      %parallel_loop3A_396 = arith.constant 0 : i32
      %parallel_loop3A_397 = tpu.memref_slice %arg5[%parallel_loop3A_349, %parallel_loop3A_395, %parallel_loop3A_396] : memref<2x256x64xf32, #tpu.memory_space<vmem>> -> memref<1x256x64xf32, #tpu.memory_space<vmem>>
      %parallel_loop3A_398 = tpu.memref_squeeze %parallel_loop3A_397 : memref<1x256x64xf32, #tpu.memory_space<vmem>> -> memref<256x64xf32, #tpu.memory_space<vmem>>
      %parallel_loop3A_399 = arith.index_cast %parallel_loop3A_370 : i32 to index
      %parallel_loop3A_400 = arith.constant 48 : index
      %parallel_loop3A_401 = tpu.vector_load %parallel_loop3A_398[%parallel_loop3A_399, %parallel_loop3A_400] {strides = array<i32>} : memref<256x64xf32, #tpu.memory_space<vmem>>, vector<1x16xf32>,
      %parallel_loop3A_402 = vector.shape_cast %parallel_loop3A_401 : vector<1x16xf32> to vector<16xf32>
      %parallel_loop3A_403 = arith.maximumf %parallel_loop3A_378, %parallel_loop3A_386 : vector<16xf32>
      %parallel_loop3A_404 = arith.maximumf %parallel_loop3A_394, %parallel_loop3A_402 : vector<16xf32>
      %parallel_loop3A_405 = arith.maximumf %parallel_loop3A_403, %parallel_loop3A_404 : vector<16xf32>
      %parallel_loop3A_406 = arith.constant 0 : i32
      %parallel_loop3A_407 = vector.broadcast %parallel_loop3A_406 : i32 to vector<16xi32>
      %parallel_loop3A_408 = arith.cmpi slt, %xor3A_219, %parallel_loop3A_407 : vector<16xi32>
      %parallel_loop3A_409 = arith.constant 16 : i32
      %parallel_loop3A_410 = vector.broadcast %parallel_loop3A_409 : i32 to vector<16xi32>
      %parallel_loop3A_411 = arith.addi %xor3A_219, %parallel_loop3A_410 : vector<16xi32>
      %parallel_loop3A_412 = arith.select %parallel_loop3A_408, %parallel_loop3A_411, %xor3A_219 : vector<16xi1>, vector<16xi32>
      %parallel_loop3A_413 = vector.shape_cast %parallel_loop3A_412 : vector<16xi32> to vector<16x1xi32>
      %parallel_loop3A_414 = vector.shape_cast %parallel_loop3A_413 : vector<16x1xi32> to vector<16xi32>
      %parallel_loop3A_415 = tpu.dynamic_gather %parallel_loop3A_405[%parallel_loop3A_414] in [0] : vector<16xf32>, vector<16xi32> -> vector<16xf32>
      %parallel_loop3A_416 = arith.maximumf %parallel_loop3A_405, %parallel_loop3A_415 : vector<16xf32>
      %parallel_loop3A_417 = arith.constant 0 : i32
      %parallel_loop3A_418 = vector.broadcast %parallel_loop3A_417 : i32 to vector<16xi32>
      %parallel_loop3A_419 = arith.cmpi slt, %xor3A_223, %parallel_loop3A_418 : vector<16xi32>
      %parallel_loop3A_420 = arith.constant 16 : i32
      %parallel_loop3A_421 = vector.broadcast %parallel_loop3A_420 : i32 to vector<16xi32>
      %parallel_loop3A_422 = arith.addi %xor3A_223, %parallel_loop3A_421 : vector<16xi32>
      %parallel_loop3A_423 = arith.select %parallel_loop3A_419, %parallel_loop3A_422, %xor3A_223 : vector<16xi1>, vector<16xi32>
      %parallel_loop3A_424 = vector.shape_cast %parallel_loop3A_423 : vector<16xi32> to vector<16x1xi32>
      %parallel_loop3A_425 = vector.shape_cast %parallel_loop3A_424 : vector<16x1xi32> to vector<16xi32>
      %parallel_loop3A_426 = tpu.dynamic_gather %parallel_loop3A_416[%parallel_loop3A_425] in [0] : vector<16xf32>, vector<16xi32> -> vector<16xf32>
      %parallel_loop3A_427 = arith.maximumf %parallel_loop3A_416, %parallel_loop3A_426 : vector<16xf32>
      %parallel_loop3A_428 = arith.constant 0 : i32
      %parallel_loop3A_429 = vector.broadcast %parallel_loop3A_428 : i32 to vector<16xi32>
      %parallel_loop3A_430 = arith.cmpi slt, %xor3A_227, %parallel_loop3A_429 : vector<16xi32>
      %parallel_loop3A_431 = arith.constant 16 : i32
      %parallel_loop3A_432 = vector.broadcast %parallel_loop3A_431 : i32 to vector<16xi32>
      %parallel_loop3A_433 = arith.addi %xor3A_227, %parallel_loop3A_432 : vector<16xi32>
      %parallel_loop3A_434 = arith.select %parallel_loop3A_430, %parallel_loop3A_433, %xor3A_227 : vector<16xi1>, vector<16xi32>
      %parallel_loop3A_435 = vector.shape_cast %parallel_loop3A_434 : vector<16xi32> to vector<16x1xi32>
      %parallel_loop3A_436 = vector.shape_cast %parallel_loop3A_435 : vector<16x1xi32> to vector<16xi32>
      %parallel_loop3A_437 = tpu.dynamic_gather %parallel_loop3A_427[%parallel_loop3A_436] in [0] : vector<16xf32>, vector<16xi32> -> vector<16xf32>
      %parallel_loop3A_438 = arith.maximumf %parallel_loop3A_427, %parallel_loop3A_437 : vector<16xf32>
      %parallel_loop3A_439 = arith.constant 0 : i32
      %parallel_loop3A_440 = vector.broadcast %parallel_loop3A_439 : i32 to vector<16xi32>
      %parallel_loop3A_441 = arith.cmpi slt, %xor3A_231, %parallel_loop3A_440 : vector<16xi32>
      %parallel_loop3A_442 = arith.constant 16 : i32
      %parallel_loop3A_443 = vector.broadcast %parallel_loop3A_442 : i32 to vector<16xi32>
      %parallel_loop3A_444 = arith.addi %xor3A_231, %parallel_loop3A_443 : vector<16xi32>
      %parallel_loop3A_445 = arith.select %parallel_loop3A_441, %parallel_loop3A_444, %xor3A_231 : vector<16xi1>, vector<16xi32>
      %parallel_loop3A_446 = vector.shape_cast %parallel_loop3A_445 : vector<16xi32> to vector<16x1xi32>
      %parallel_loop3A_447 = vector.shape_cast %parallel_loop3A_446 : vector<16x1xi32> to vector<16xi32>
      %parallel_loop3A_448 = tpu.dynamic_gather %parallel_loop3A_438[%parallel_loop3A_447] in [0] : vector<16xf32>, vector<16xi32> -> vector<16xf32>
      %parallel_loop3A_449 = arith.maximumf %parallel_loop3A_438, %parallel_loop3A_448 : vector<16xf32>
      %parallel_loop3A_450 = arith.subf %parallel_loop3A_378, %parallel_loop3A_449 : vector<16xf32>
      %parallel_loop3A_451 = math.exp %parallel_loop3A_450 : vector<16xf32>
      %parallel_loop3A_452 = arith.subf %parallel_loop3A_386, %parallel_loop3A_449 : vector<16xf32>
      %parallel_loop3A_453 = math.exp %parallel_loop3A_452 : vector<16xf32>
      %parallel_loop3A_454 = arith.subf %parallel_loop3A_394, %parallel_loop3A_449 : vector<16xf32>
      %parallel_loop3A_455 = math.exp %parallel_loop3A_454 : vector<16xf32>
      %parallel_loop3A_456 = arith.subf %parallel_loop3A_402, %parallel_loop3A_449 : vector<16xf32>
      %parallel_loop3A_457 = math.exp %parallel_loop3A_456 : vector<16xf32>
      %parallel_loop3A_458 = arith.addf %parallel_loop3A_451, %parallel_loop3A_453 : vector<16xf32>
      %parallel_loop3A_459 = arith.addf %parallel_loop3A_455, %parallel_loop3A_457 : vector<16xf32>
      %parallel_loop3A_460 = arith.addf %parallel_loop3A_458, %parallel_loop3A_459 : vector<16xf32>
      %parallel_loop3A_461 = arith.constant 0 : i32
      %parallel_loop3A_462 = vector.broadcast %parallel_loop3A_461 : i32 to vector<16xi32>
      %parallel_loop3A_463 = arith.cmpi slt, %xor3A_219, %parallel_loop3A_462 : vector<16xi32>
      %parallel_loop3A_464 = arith.constant 16 : i32
      %parallel_loop3A_465 = vector.broadcast %parallel_loop3A_464 : i32 to vector<16xi32>
      %parallel_loop3A_466 = arith.addi %xor3A_219, %parallel_loop3A_465 : vector<16xi32>
      %parallel_loop3A_467 = arith.select %parallel_loop3A_463, %parallel_loop3A_466, %xor3A_219 : vector<16xi1>, vector<16xi32>
      %parallel_loop3A_468 = vector.shape_cast %parallel_loop3A_467 : vector<16xi32> to vector<16x1xi32>
      %parallel_loop3A_469 = vector.shape_cast %parallel_loop3A_468 : vector<16x1xi32> to vector<16xi32>
      %parallel_loop3A_470 = tpu.dynamic_gather %parallel_loop3A_460[%parallel_loop3A_469] in [0] : vector<16xf32>, vector<16xi32> -> vector<16xf32>
      %parallel_loop3A_471 = arith.addf %parallel_loop3A_460, %parallel_loop3A_470 : vector<16xf32>
      %parallel_loop3A_472 = arith.constant 0 : i32
      %parallel_loop3A_473 = vector.broadcast %parallel_loop3A_472 : i32 to vector<16xi32>
      %parallel_loop3A_474 = arith.cmpi slt, %xor3A_223, %parallel_loop3A_473 : vector<16xi32>
      %parallel_loop3A_475 = arith.constant 16 : i32
      %parallel_loop3A_476 = vector.broadcast %parallel_loop3A_475 : i32 to vector<16xi32>
      %parallel_loop3A_477 = arith.addi %xor3A_223, %parallel_loop3A_476 : vector<16xi32>
      %parallel_loop3A_478 = arith.select %parallel_loop3A_474, %parallel_loop3A_477, %xor3A_223 : vector<16xi1>, vector<16xi32>
      %parallel_loop3A_479 = vector.shape_cast %parallel_loop3A_478 : vector<16xi32> to vector<16x1xi32>
      %parallel_loop3A_480 = vector.shape_cast %parallel_loop3A_479 : vector<16x1xi32> to vector<16xi32>
      %parallel_loop3A_481 = tpu.dynamic_gather %parallel_loop3A_471[%parallel_loop3A_480] in [0] : vector<16xf32>, vector<16xi32> -> vector<16xf32>
      %parallel_loop3A_482 = arith.addf %parallel_loop3A_471, %parallel_loop3A_481 : vector<16xf32>
      %parallel_loop3A_483 = arith.constant 0 : i32
      %parallel_loop3A_484 = vector.broadcast %parallel_loop3A_483 : i32 to vector<16xi32>
      %parallel_loop3A_485 = arith.cmpi slt, %xor3A_227, %parallel_loop3A_484 : vector<16xi32>
      %parallel_loop3A_486 = arith.constant 16 : i32
      %parallel_loop3A_487 = vector.broadcast %parallel_loop3A_486 : i32 to vector<16xi32>
      %parallel_loop3A_488 = arith.addi %xor3A_227, %parallel_loop3A_487 : vector<16xi32>
      %parallel_loop3A_489 = arith.select %parallel_loop3A_485, %parallel_loop3A_488, %xor3A_227 : vector<16xi1>, vector<16xi32>
      %parallel_loop3A_490 = vector.shape_cast %parallel_loop3A_489 : vector<16xi32> to vector<16x1xi32>
      %parallel_loop3A_491 = vector.shape_cast %parallel_loop3A_490 : vector<16x1xi32> to vector<16xi32>
      %parallel_loop3A_492 = tpu.dynamic_gather %parallel_loop3A_482[%parallel_loop3A_491] in [0] : vector<16xf32>, vector<16xi32> -> vector<16xf32>
      %parallel_loop3A_493 = arith.addf %parallel_loop3A_482, %parallel_loop3A_492 : vector<16xf32>
      %parallel_loop3A_494 = arith.constant 0 : i32
      %parallel_loop3A_495 = vector.broadcast %parallel_loop3A_494 : i32 to vector<16xi32>
      %parallel_loop3A_496 = arith.cmpi slt, %xor3A_231, %parallel_loop3A_495 : vector<16xi32>
      %parallel_loop3A_497 = arith.constant 16 : i32
      %parallel_loop3A_498 = vector.broadcast %parallel_loop3A_497 : i32 to vector<16xi32>
      %parallel_loop3A_499 = arith.addi %xor3A_231, %parallel_loop3A_498 : vector<16xi32>
      %parallel_loop3A_500 = arith.select %parallel_loop3A_496, %parallel_loop3A_499, %xor3A_231 : vector<16xi1>, vector<16xi32>
      %parallel_loop3A_501 = vector.shape_cast %parallel_loop3A_500 : vector<16xi32> to vector<16x1xi32>
      %parallel_loop3A_502 = vector.shape_cast %parallel_loop3A_501 : vector<16x1xi32> to vector<16xi32>
      %parallel_loop3A_503 = tpu.dynamic_gather %parallel_loop3A_493[%parallel_loop3A_502] in [0] : vector<16xf32>, vector<16xi32> -> vector<16xf32>
      %parallel_loop3A_504 = arith.addf %parallel_loop3A_493, %parallel_loop3A_503 : vector<16xf32>
      %parallel_loop3A_505 = arith.constant 1.000000e+00 : f32
      %parallel_loop3A_506 = vector.broadcast %parallel_loop3A_505 : f32 to vector<16xf32>
      %parallel_loop3A_507 = arith.divf %parallel_loop3A_506, %parallel_loop3A_504 : vector<16xf32>
      %parallel_loop3A_508 = arith.constant 512 : i32
      %parallel_loop3A_509 = arith.addi %parallel_loop3A_508, %parallel_loop3A_370 : i32
      %parallel_loop3A_510 = arith.index_cast %parallel_loop3A_509 : i32 to index
      %parallel_loop3A_511 = tpu.vector_load %arg6[%parallel_loop3A_510] {strides = array<i32>} : memref<1040xi32, #tpu.memory_space<vmem>>, vector<16xi32>,
      %parallel_loop3A_512 = vector.shape_cast %parallel_loop3A_511 : vector<16xi32> to vector<16xi32>
      %parallel_loop3A_513 = vector.extract_strided_slice %parallel_loop3A_512 {offsets = [0], sizes = [1], strides = [1]} : vector<16xi32> to vector<1xi32>
      %parallel_loop3A_514 = vector.extract %parallel_loop3A_513[0] : i32 from vector<1xi32>
      %parallel_loop3A_515 = arith.mulf %parallel_loop3A_451, %parallel_loop3A_507 : vector<16xf32>
      %parallel_loop3A_516 = arith.index_cast %parallel_loop3A_514 : i32 to index
      %parallel_loop3A_517 = arith.constant 0 : index
      %parallel_loop3A_518 = tpu.vector_load %arg7[%parallel_loop3A_516, %parallel_loop3A_517] {strides = array<i32>} : memref<8x64xf32, #tpu.memory_space<vmem>>, vector<1x16xf32>,
      %parallel_loop3A_519 = vector.shape_cast %parallel_loop3A_518 : vector<1x16xf32> to vector<16xf32>
      %parallel_loop3A_520 = vector.shape_cast %parallel_loop3A_515 : vector<16xf32> to vector<1x16xf32>
      tpu.vector_store %arg7[%parallel_loop3A_516, %parallel_loop3A_517], %parallel_loop3A_520 {add = true, strides = array<i32>} : memref<8x64xf32, #tpu.memory_space<vmem>>, vector<1x16xf32>,
      %parallel_loop3A_521 = arith.mulf %parallel_loop3A_453, %parallel_loop3A_507 : vector<16xf32>
      %parallel_loop3A_522 = arith.index_cast %parallel_loop3A_514 : i32 to index
      %parallel_loop3A_523 = arith.constant 16 : index
      %parallel_loop3A_524 = tpu.vector_load %arg7[%parallel_loop3A_522, %parallel_loop3A_523] {strides = array<i32>} : memref<8x64xf32, #tpu.memory_space<vmem>>, vector<1x16xf32>,
      %parallel_loop3A_525 = vector.shape_cast %parallel_loop3A_524 : vector<1x16xf32> to vector<16xf32>
      %parallel_loop3A_526 = vector.shape_cast %parallel_loop3A_521 : vector<16xf32> to vector<1x16xf32>
      tpu.vector_store %arg7[%parallel_loop3A_522, %parallel_loop3A_523], %parallel_loop3A_526 {add = true, strides = array<i32>} : memref<8x64xf32, #tpu.memory_space<vmem>>, vector<1x16xf32>,
      %parallel_loop3A_527 = arith.mulf %parallel_loop3A_455, %parallel_loop3A_507 : vector<16xf32>
      %parallel_loop3A_528 = arith.index_cast %parallel_loop3A_514 : i32 to index
      %parallel_loop3A_529 = arith.constant 32 : index
      %parallel_loop3A_530 = tpu.vector_load %arg7[%parallel_loop3A_528, %parallel_loop3A_529] {strides = array<i32>} : memref<8x64xf32, #tpu.memory_space<vmem>>, vector<1x16xf32>,
      %parallel_loop3A_531 = vector.shape_cast %parallel_loop3A_530 : vector<1x16xf32> to vector<16xf32>
      %parallel_loop3A_532 = vector.shape_cast %parallel_loop3A_527 : vector<16xf32> to vector<1x16xf32>
      tpu.vector_store %arg7[%parallel_loop3A_528, %parallel_loop3A_529], %parallel_loop3A_532 {add = true, strides = array<i32>} : memref<8x64xf32, #tpu.memory_space<vmem>>, vector<1x16xf32>,
      %parallel_loop3A_533 = arith.mulf %parallel_loop3A_457, %parallel_loop3A_507 : vector<16xf32>
      %parallel_loop3A_534 = arith.index_cast %parallel_loop3A_514 : i32 to index
      %parallel_loop3A_535 = arith.constant 48 : index
      %parallel_loop3A_536 = tpu.vector_load %arg7[%parallel_loop3A_534, %parallel_loop3A_535] {strides = array<i32>} : memref<8x64xf32, #tpu.memory_space<vmem>>, vector<1x16xf32>,
      %parallel_loop3A_537 = vector.shape_cast %parallel_loop3A_536 : vector<1x16xf32> to vector<16xf32>
      %parallel_loop3A_538 = vector.shape_cast %parallel_loop3A_533 : vector<16xf32> to vector<1x16xf32>
      tpu.vector_store %arg7[%parallel_loop3A_534, %parallel_loop3A_535], %parallel_loop3A_538 {add = true, strides = array<i32>} : memref<8x64xf32, #tpu.memory_space<vmem>>, vector<1x16xf32>,
    } {sc.loop_unroll_factor = 2 : i64, sc.parallel_access}
    %dma_wait3A_350 = arith.constant 1 : i32
    %dma_wait3A_351 = arith.constant 1 : i32
    %dma_wait3A_352 = arith.constant 0 : i32
    %dma_wait3A_353 = arith.constant 0 : i32
    %dma_wait3A_354 = tpu.memref_slice %arg5[%dma_wait3A_350, %dma_wait3A_352, %dma_wait3A_353] : memref<2x256x64xf32, #tpu.memory_space<vmem>> -> memref<1x256x64xf32, #tpu.memory_space<vmem>>
    %dma_wait3A_355 = tpu.memref_squeeze %dma_wait3A_354 : memref<1x256x64xf32, #tpu.memory_space<vmem>> -> memref<256x64xf32, #tpu.memory_space<vmem>>
    %dma_wait3A_356 = arith.constant 0 : i32
    %dma_wait3A_357 = tpu.memref_slice %arg2[%add3A_329, %dma_wait3A_356] : memref<32768x64xf32, #tpu.memory_space<hbm>> -> memref<256x64xf32, #tpu.memory_space<hbm>>
    %dma_wait3A_358 = tpu.memref_slice %arg8[%dma_wait3A_351] : memref<2x!tpu.dma_semaphore, #tpu.memory_space<semaphore_mem>> -> memref<1x!tpu.dma_semaphore, #tpu.memory_space<semaphore_mem>>
    %dma_wait3A_359 = tpu.memref_squeeze %dma_wait3A_358 : memref<1x!tpu.dma_semaphore, #tpu.memory_space<semaphore_mem>> -> memref<!tpu.dma_semaphore, #tpu.memory_space<semaphore_mem>>
    %dma_wait3A_360 = arith.constant 0 : i32
    %dma_wait3A_361 = arith.constant 0 : i32
    %dma_wait3A_362 = tpu.memref_slice %arg5[%dma_wait3A_350, %dma_wait3A_360, %dma_wait3A_361] : memref<2x256x64xf32, #tpu.memory_space<vmem>> -> memref<1x256x64xf32, #tpu.memory_space<vmem>>
    %dma_wait3A_363 = tpu.memref_squeeze %dma_wait3A_362 : memref<1x256x64xf32, #tpu.memory_space<vmem>> -> memref<256x64xf32, #tpu.memory_space<vmem>>
    %dma_wait3A_364 = arith.constant 0 : i32
    %dma_wait3A_365 = tpu.memref_slice %arg2[%add3A_329, %dma_wait3A_364] : memref<32768x64xf32, #tpu.memory_space<hbm>> -> memref<256x64xf32, #tpu.memory_space<hbm>>
    tpu.wait_dma2 semaphore(%dma_wait3A_359 : memref<!tpu.dma_semaphore, #tpu.memory_space<semaphore_mem>>) src(%dma_wait3A_365 : memref<256x64xf32, #tpu.memory_space<hbm>>) dst(%dma_wait3A_363 : memref<256x64xf32, #tpu.memory_space<vmem>>)
    %parallel_loop3A_366 = arith.constant 0 : i32
    %parallel_loop3A_367 = arith.constant 256 : i32
    %parallel_loop3A_368 = arith.constant 1 : i32
    %parallel_loop3A_369 = arith.constant 1 : i32
    scf.for %parallel_loop3A_370 = %parallel_loop3A_366 to %parallel_loop3A_367 step %parallel_loop3A_368  : i32 {
      %parallel_loop3A_371 = arith.constant 0 : i32
      %parallel_loop3A_372 = arith.constant 0 : i32
      %parallel_loop3A_373 = tpu.memref_slice %arg5[%parallel_loop3A_369, %parallel_loop3A_371, %parallel_loop3A_372] : memref<2x256x64xf32, #tpu.memory_space<vmem>> -> memref<1x256x64xf32, #tpu.memory_space<vmem>>
      %parallel_loop3A_374 = tpu.memref_squeeze %parallel_loop3A_373 : memref<1x256x64xf32, #tpu.memory_space<vmem>> -> memref<256x64xf32, #tpu.memory_space<vmem>>
      %parallel_loop3A_375 = arith.index_cast %parallel_loop3A_370 : i32 to index
      %parallel_loop3A_376 = arith.constant 0 : index
      %parallel_loop3A_377 = tpu.vector_load %parallel_loop3A_374[%parallel_loop3A_375, %parallel_loop3A_376] {strides = array<i32>} : memref<256x64xf32, #tpu.memory_space<vmem>>, vector<1x16xf32>,
      %parallel_loop3A_378 = vector.shape_cast %parallel_loop3A_377 : vector<1x16xf32> to vector<16xf32>
      %parallel_loop3A_379 = arith.constant 0 : i32
      %parallel_loop3A_380 = arith.constant 0 : i32
      %parallel_loop3A_381 = tpu.memref_slice %arg5[%parallel_loop3A_369, %parallel_loop3A_379, %parallel_loop3A_380] : memref<2x256x64xf32, #tpu.memory_space<vmem>> -> memref<1x256x64xf32, #tpu.memory_space<vmem>>
      %parallel_loop3A_382 = tpu.memref_squeeze %parallel_loop3A_381 : memref<1x256x64xf32, #tpu.memory_space<vmem>> -> memref<256x64xf32, #tpu.memory_space<vmem>>
      %parallel_loop3A_383 = arith.index_cast %parallel_loop3A_370 : i32 to index
      %parallel_loop3A_384 = arith.constant 16 : index
      %parallel_loop3A_385 = tpu.vector_load %parallel_loop3A_382[%parallel_loop3A_383, %parallel_loop3A_384] {strides = array<i32>} : memref<256x64xf32, #tpu.memory_space<vmem>>, vector<1x16xf32>,
      %parallel_loop3A_386 = vector.shape_cast %parallel_loop3A_385 : vector<1x16xf32> to vector<16xf32>
      %parallel_loop3A_387 = arith.constant 0 : i32
      %parallel_loop3A_388 = arith.constant 0 : i32
      %parallel_loop3A_389 = tpu.memref_slice %arg5[%parallel_loop3A_369, %parallel_loop3A_387, %parallel_loop3A_388] : memref<2x256x64xf32, #tpu.memory_space<vmem>> -> memref<1x256x64xf32, #tpu.memory_space<vmem>>
      %parallel_loop3A_390 = tpu.memref_squeeze %parallel_loop3A_389 : memref<1x256x64xf32, #tpu.memory_space<vmem>> -> memref<256x64xf32, #tpu.memory_space<vmem>>
      %parallel_loop3A_391 = arith.index_cast %parallel_loop3A_370 : i32 to index
      %parallel_loop3A_392 = arith.constant 32 : index
      %parallel_loop3A_393 = tpu.vector_load %parallel_loop3A_390[%parallel_loop3A_391, %parallel_loop3A_392] {strides = array<i32>} : memref<256x64xf32, #tpu.memory_space<vmem>>, vector<1x16xf32>,
      %parallel_loop3A_394 = vector.shape_cast %parallel_loop3A_393 : vector<1x16xf32> to vector<16xf32>
      %parallel_loop3A_395 = arith.constant 0 : i32
      %parallel_loop3A_396 = arith.constant 0 : i32
      %parallel_loop3A_397 = tpu.memref_slice %arg5[%parallel_loop3A_369, %parallel_loop3A_395, %parallel_loop3A_396] : memref<2x256x64xf32, #tpu.memory_space<vmem>> -> memref<1x256x64xf32, #tpu.memory_space<vmem>>
      %parallel_loop3A_398 = tpu.memref_squeeze %parallel_loop3A_397 : memref<1x256x64xf32, #tpu.memory_space<vmem>> -> memref<256x64xf32, #tpu.memory_space<vmem>>
      %parallel_loop3A_399 = arith.index_cast %parallel_loop3A_370 : i32 to index
      %parallel_loop3A_400 = arith.constant 48 : index
      %parallel_loop3A_401 = tpu.vector_load %parallel_loop3A_398[%parallel_loop3A_399, %parallel_loop3A_400] {strides = array<i32>} : memref<256x64xf32, #tpu.memory_space<vmem>>, vector<1x16xf32>,
      %parallel_loop3A_402 = vector.shape_cast %parallel_loop3A_401 : vector<1x16xf32> to vector<16xf32>
      %parallel_loop3A_403 = arith.maximumf %parallel_loop3A_378, %parallel_loop3A_386 : vector<16xf32>
      %parallel_loop3A_404 = arith.maximumf %parallel_loop3A_394, %parallel_loop3A_402 : vector<16xf32>
      %parallel_loop3A_405 = arith.maximumf %parallel_loop3A_403, %parallel_loop3A_404 : vector<16xf32>
      %parallel_loop3A_406 = arith.constant 0 : i32
      %parallel_loop3A_407 = vector.broadcast %parallel_loop3A_406 : i32 to vector<16xi32>
      %parallel_loop3A_408 = arith.cmpi slt, %xor3A_219, %parallel_loop3A_407 : vector<16xi32>
      %parallel_loop3A_409 = arith.constant 16 : i32
      %parallel_loop3A_410 = vector.broadcast %parallel_loop3A_409 : i32 to vector<16xi32>
      %parallel_loop3A_411 = arith.addi %xor3A_219, %parallel_loop3A_410 : vector<16xi32>
      %parallel_loop3A_412 = arith.select %parallel_loop3A_408, %parallel_loop3A_411, %xor3A_219 : vector<16xi1>, vector<16xi32>
      %parallel_loop3A_413 = vector.shape_cast %parallel_loop3A_412 : vector<16xi32> to vector<16x1xi32>
      %parallel_loop3A_414 = vector.shape_cast %parallel_loop3A_413 : vector<16x1xi32> to vector<16xi32>
      %parallel_loop3A_415 = tpu.dynamic_gather %parallel_loop3A_405[%parallel_loop3A_414] in [0] : vector<16xf32>, vector<16xi32> -> vector<16xf32>
      %parallel_loop3A_416 = arith.maximumf %parallel_loop3A_405, %parallel_loop3A_415 : vector<16xf32>
      %parallel_loop3A_417 = arith.constant 0 : i32
      %parallel_loop3A_418 = vector.broadcast %parallel_loop3A_417 : i32 to vector<16xi32>
      %parallel_loop3A_419 = arith.cmpi slt, %xor3A_223, %parallel_loop3A_418 : vector<16xi32>
      %parallel_loop3A_420 = arith.constant 16 : i32
      %parallel_loop3A_421 = vector.broadcast %parallel_loop3A_420 : i32 to vector<16xi32>
      %parallel_loop3A_422 = arith.addi %xor3A_223, %parallel_loop3A_421 : vector<16xi32>
      %parallel_loop3A_423 = arith.select %parallel_loop3A_419, %parallel_loop3A_422, %xor3A_223 : vector<16xi1>, vector<16xi32>
      %parallel_loop3A_424 = vector.shape_cast %parallel_loop3A_423 : vector<16xi32> to vector<16x1xi32>
      %parallel_loop3A_425 = vector.shape_cast %parallel_loop3A_424 : vector<16x1xi32> to vector<16xi32>
      %parallel_loop3A_426 = tpu.dynamic_gather %parallel_loop3A_416[%parallel_loop3A_425] in [0] : vector<16xf32>, vector<16xi32> -> vector<16xf32>
      %parallel_loop3A_427 = arith.maximumf %parallel_loop3A_416, %parallel_loop3A_426 : vector<16xf32>
      %parallel_loop3A_428 = arith.constant 0 : i32
      %parallel_loop3A_429 = vector.broadcast %parallel_loop3A_428 : i32 to vector<16xi32>
      %parallel_loop3A_430 = arith.cmpi slt, %xor3A_227, %parallel_loop3A_429 : vector<16xi32>
      %parallel_loop3A_431 = arith.constant 16 : i32
      %parallel_loop3A_432 = vector.broadcast %parallel_loop3A_431 : i32 to vector<16xi32>
      %parallel_loop3A_433 = arith.addi %xor3A_227, %parallel_loop3A_432 : vector<16xi32>
      %parallel_loop3A_434 = arith.select %parallel_loop3A_430, %parallel_loop3A_433, %xor3A_227 : vector<16xi1>, vector<16xi32>
      %parallel_loop3A_435 = vector.shape_cast %parallel_loop3A_434 : vector<16xi32> to vector<16x1xi32>
      %parallel_loop3A_436 = vector.shape_cast %parallel_loop3A_435 : vector<16x1xi32> to vector<16xi32>
      %parallel_loop3A_437 = tpu.dynamic_gather %parallel_loop3A_427[%parallel_loop3A_436] in [0] : vector<16xf32>, vector<16xi32> -> vector<16xf32>
      %parallel_loop3A_438 = arith.maximumf %parallel_loop3A_427, %parallel_loop3A_437 : vector<16xf32>
      %parallel_loop3A_439 = arith.constant 0 : i32
      %parallel_loop3A_440 = vector.broadcast %parallel_loop3A_439 : i32 to vector<16xi32>
      %parallel_loop3A_441 = arith.cmpi slt, %xor3A_231, %parallel_loop3A_440 : vector<16xi32>
      %parallel_loop3A_442 = arith.constant 16 : i32
      %parallel_loop3A_443 = vector.broadcast %parallel_loop3A_442 : i32 to vector<16xi32>
      %parallel_loop3A_444 = arith.addi %xor3A_231, %parallel_loop3A_443 : vector<16xi32>
      %parallel_loop3A_445 = arith.select %parallel_loop3A_441, %parallel_loop3A_444, %xor3A_231 : vector<16xi1>, vector<16xi32>
      %parallel_loop3A_446 = vector.shape_cast %parallel_loop3A_445 : vector<16xi32> to vector<16x1xi32>
      %parallel_loop3A_447 = vector.shape_cast %parallel_loop3A_446 : vector<16x1xi32> to vector<16xi32>
      %parallel_loop3A_448 = tpu.dynamic_gather %parallel_loop3A_438[%parallel_loop3A_447] in [0] : vector<16xf32>, vector<16xi32> -> vector<16xf32>
      %parallel_loop3A_449 = arith.maximumf %parallel_loop3A_438, %parallel_loop3A_448 : vector<16xf32>
      %parallel_loop3A_450 = arith.subf %parallel_loop3A_378, %parallel_loop3A_449 : vector<16xf32>
      %parallel_loop3A_451 = math.exp %parallel_loop3A_450 : vector<16xf32>
      %parallel_loop3A_452 = arith.subf %parallel_loop3A_386, %parallel_loop3A_449 : vector<16xf32>
      %parallel_loop3A_453 = math.exp %parallel_loop3A_452 : vector<16xf32>
      %parallel_loop3A_454 = arith.subf %parallel_loop3A_394, %parallel_loop3A_449 : vector<16xf32>
      %parallel_loop3A_455 = math.exp %parallel_loop3A_454 : vector<16xf32>
      %parallel_loop3A_456 = arith.subf %parallel_loop3A_402, %parallel_loop3A_449 : vector<16xf32>
      %parallel_loop3A_457 = math.exp %parallel_loop3A_456 : vector<16xf32>
      %parallel_loop3A_458 = arith.addf %parallel_loop3A_451, %parallel_loop3A_453 : vector<16xf32>
      %parallel_loop3A_459 = arith.addf %parallel_loop3A_455, %parallel_loop3A_457 : vector<16xf32>
      %parallel_loop3A_460 = arith.addf %parallel_loop3A_458, %parallel_loop3A_459 : vector<16xf32>
      %parallel_loop3A_461 = arith.constant 0 : i32
      %parallel_loop3A_462 = vector.broadcast %parallel_loop3A_461 : i32 to vector<16xi32>
      %parallel_loop3A_463 = arith.cmpi slt, %xor3A_219, %parallel_loop3A_462 : vector<16xi32>
      %parallel_loop3A_464 = arith.constant 16 : i32
      %parallel_loop3A_465 = vector.broadcast %parallel_loop3A_464 : i32 to vector<16xi32>
      %parallel_loop3A_466 = arith.addi %xor3A_219, %parallel_loop3A_465 : vector<16xi32>
      %parallel_loop3A_467 = arith.select %parallel_loop3A_463, %parallel_loop3A_466, %xor3A_219 : vector<16xi1>, vector<16xi32>
      %parallel_loop3A_468 = vector.shape_cast %parallel_loop3A_467 : vector<16xi32> to vector<16x1xi32>
      %parallel_loop3A_469 = vector.shape_cast %parallel_loop3A_468 : vector<16x1xi32> to vector<16xi32>
      %parallel_loop3A_470 = tpu.dynamic_gather %parallel_loop3A_460[%parallel_loop3A_469] in [0] : vector<16xf32>, vector<16xi32> -> vector<16xf32>
      %parallel_loop3A_471 = arith.addf %parallel_loop3A_460, %parallel_loop3A_470 : vector<16xf32>
      %parallel_loop3A_472 = arith.constant 0 : i32
      %parallel_loop3A_473 = vector.broadcast %parallel_loop3A_472 : i32 to vector<16xi32>
      %parallel_loop3A_474 = arith.cmpi slt, %xor3A_223, %parallel_loop3A_473 : vector<16xi32>
      %parallel_loop3A_475 = arith.constant 16 : i32
      %parallel_loop3A_476 = vector.broadcast %parallel_loop3A_475 : i32 to vector<16xi32>
      %parallel_loop3A_477 = arith.addi %xor3A_223, %parallel_loop3A_476 : vector<16xi32>
      %parallel_loop3A_478 = arith.select %parallel_loop3A_474, %parallel_loop3A_477, %xor3A_223 : vector<16xi1>, vector<16xi32>
      %parallel_loop3A_479 = vector.shape_cast %parallel_loop3A_478 : vector<16xi32> to vector<16x1xi32>
      %parallel_loop3A_480 = vector.shape_cast %parallel_loop3A_479 : vector<16x1xi32> to vector<16xi32>
      %parallel_loop3A_481 = tpu.dynamic_gather %parallel_loop3A_471[%parallel_loop3A_480] in [0] : vector<16xf32>, vector<16xi32> -> vector<16xf32>
      %parallel_loop3A_482 = arith.addf %parallel_loop3A_471, %parallel_loop3A_481 : vector<16xf32>
      %parallel_loop3A_483 = arith.constant 0 : i32
      %parallel_loop3A_484 = vector.broadcast %parallel_loop3A_483 : i32 to vector<16xi32>
      %parallel_loop3A_485 = arith.cmpi slt, %xor3A_227, %parallel_loop3A_484 : vector<16xi32>
      %parallel_loop3A_486 = arith.constant 16 : i32
      %parallel_loop3A_487 = vector.broadcast %parallel_loop3A_486 : i32 to vector<16xi32>
      %parallel_loop3A_488 = arith.addi %xor3A_227, %parallel_loop3A_487 : vector<16xi32>
      %parallel_loop3A_489 = arith.select %parallel_loop3A_485, %parallel_loop3A_488, %xor3A_227 : vector<16xi1>, vector<16xi32>
      %parallel_loop3A_490 = vector.shape_cast %parallel_loop3A_489 : vector<16xi32> to vector<16x1xi32>
      %parallel_loop3A_491 = vector.shape_cast %parallel_loop3A_490 : vector<16x1xi32> to vector<16xi32>
      %parallel_loop3A_492 = tpu.dynamic_gather %parallel_loop3A_482[%parallel_loop3A_491] in [0] : vector<16xf32>, vector<16xi32> -> vector<16xf32>
      %parallel_loop3A_493 = arith.addf %parallel_loop3A_482, %parallel_loop3A_492 : vector<16xf32>
      %parallel_loop3A_494 = arith.constant 0 : i32
      %parallel_loop3A_495 = vector.broadcast %parallel_loop3A_494 : i32 to vector<16xi32>
      %parallel_loop3A_496 = arith.cmpi slt, %xor3A_231, %parallel_loop3A_495 : vector<16xi32>
      %parallel_loop3A_497 = arith.constant 16 : i32
      %parallel_loop3A_498 = vector.broadcast %parallel_loop3A_497 : i32 to vector<16xi32>
      %parallel_loop3A_499 = arith.addi %xor3A_231, %parallel_loop3A_498 : vector<16xi32>
      %parallel_loop3A_500 = arith.select %parallel_loop3A_496, %parallel_loop3A_499, %xor3A_231 : vector<16xi1>, vector<16xi32>
      %parallel_loop3A_501 = vector.shape_cast %parallel_loop3A_500 : vector<16xi32> to vector<16x1xi32>
      %parallel_loop3A_502 = vector.shape_cast %parallel_loop3A_501 : vector<16x1xi32> to vector<16xi32>
      %parallel_loop3A_503 = tpu.dynamic_gather %parallel_loop3A_493[%parallel_loop3A_502] in [0] : vector<16xf32>, vector<16xi32> -> vector<16xf32>
      %parallel_loop3A_504 = arith.addf %parallel_loop3A_493, %parallel_loop3A_503 : vector<16xf32>
      %parallel_loop3A_505 = arith.constant 1.000000e+00 : f32
      %parallel_loop3A_506 = vector.broadcast %parallel_loop3A_505 : f32 to vector<16xf32>
      %parallel_loop3A_507 = arith.divf %parallel_loop3A_506, %parallel_loop3A_504 : vector<16xf32>
      %parallel_loop3A_508 = arith.constant 768 : i32
      %parallel_loop3A_509 = arith.addi %parallel_loop3A_508, %parallel_loop3A_370 : i32
      %parallel_loop3A_510 = arith.index_cast %parallel_loop3A_509 : i32 to index
      %parallel_loop3A_511 = tpu.vector_load %arg6[%parallel_loop3A_510] {strides = array<i32>} : memref<1040xi32, #tpu.memory_space<vmem>>, vector<16xi32>,
      %parallel_loop3A_512 = vector.shape_cast %parallel_loop3A_511 : vector<16xi32> to vector<16xi32>
      %parallel_loop3A_513 = vector.extract_strided_slice %parallel_loop3A_512 {offsets = [0], sizes = [1], strides = [1]} : vector<16xi32> to vector<1xi32>
      %parallel_loop3A_514 = vector.extract %parallel_loop3A_513[0] : i32 from vector<1xi32>
      %parallel_loop3A_515 = arith.mulf %parallel_loop3A_451, %parallel_loop3A_507 : vector<16xf32>
      %parallel_loop3A_516 = arith.index_cast %parallel_loop3A_514 : i32 to index
      %parallel_loop3A_517 = arith.constant 0 : index
      %parallel_loop3A_518 = tpu.vector_load %arg7[%parallel_loop3A_516, %parallel_loop3A_517] {strides = array<i32>} : memref<8x64xf32, #tpu.memory_space<vmem>>, vector<1x16xf32>,
      %parallel_loop3A_519 = vector.shape_cast %parallel_loop3A_518 : vector<1x16xf32> to vector<16xf32>
      %parallel_loop3A_520 = vector.shape_cast %parallel_loop3A_515 : vector<16xf32> to vector<1x16xf32>
      tpu.vector_store %arg7[%parallel_loop3A_516, %parallel_loop3A_517], %parallel_loop3A_520 {add = true, strides = array<i32>} : memref<8x64xf32, #tpu.memory_space<vmem>>, vector<1x16xf32>,
      %parallel_loop3A_521 = arith.mulf %parallel_loop3A_453, %parallel_loop3A_507 : vector<16xf32>
      %parallel_loop3A_522 = arith.index_cast %parallel_loop3A_514 : i32 to index
      %parallel_loop3A_523 = arith.constant 16 : index
      %parallel_loop3A_524 = tpu.vector_load %arg7[%parallel_loop3A_522, %parallel_loop3A_523] {strides = array<i32>} : memref<8x64xf32, #tpu.memory_space<vmem>>, vector<1x16xf32>,
      %parallel_loop3A_525 = vector.shape_cast %parallel_loop3A_524 : vector<1x16xf32> to vector<16xf32>
      %parallel_loop3A_526 = vector.shape_cast %parallel_loop3A_521 : vector<16xf32> to vector<1x16xf32>
      tpu.vector_store %arg7[%parallel_loop3A_522, %parallel_loop3A_523], %parallel_loop3A_526 {add = true, strides = array<i32>} : memref<8x64xf32, #tpu.memory_space<vmem>>, vector<1x16xf32>,
      %parallel_loop3A_527 = arith.mulf %parallel_loop3A_455, %parallel_loop3A_507 : vector<16xf32>
      %parallel_loop3A_528 = arith.index_cast %parallel_loop3A_514 : i32 to index
      %parallel_loop3A_529 = arith.constant 32 : index
      %parallel_loop3A_530 = tpu.vector_load %arg7[%parallel_loop3A_528, %parallel_loop3A_529] {strides = array<i32>} : memref<8x64xf32, #tpu.memory_space<vmem>>, vector<1x16xf32>,
      %parallel_loop3A_531 = vector.shape_cast %parallel_loop3A_530 : vector<1x16xf32> to vector<16xf32>
      %parallel_loop3A_532 = vector.shape_cast %parallel_loop3A_527 : vector<16xf32> to vector<1x16xf32>
      tpu.vector_store %arg7[%parallel_loop3A_528, %parallel_loop3A_529], %parallel_loop3A_532 {add = true, strides = array<i32>} : memref<8x64xf32, #tpu.memory_space<vmem>>, vector<1x16xf32>,
      %parallel_loop3A_533 = arith.mulf %parallel_loop3A_457, %parallel_loop3A_507 : vector<16xf32>
      %parallel_loop3A_534 = arith.index_cast %parallel_loop3A_514 : i32 to index
      %parallel_loop3A_535 = arith.constant 48 : index
      %parallel_loop3A_536 = tpu.vector_load %arg7[%parallel_loop3A_534, %parallel_loop3A_535] {strides = array<i32>} : memref<8x64xf32, #tpu.memory_space<vmem>>, vector<1x16xf32>,
      %parallel_loop3A_537 = vector.shape_cast %parallel_loop3A_536 : vector<1x16xf32> to vector<16xf32>
      %parallel_loop3A_538 = vector.shape_cast %parallel_loop3A_533 : vector<16xf32> to vector<1x16xf32>
      tpu.vector_store %arg7[%parallel_loop3A_534, %parallel_loop3A_535], %parallel_loop3A_538 {add = true, strides = array<i32>} : memref<8x64xf32, #tpu.memory_space<vmem>>, vector<1x16xf32>,
    } {sc.loop_unroll_factor = 2 : i64, sc.parallel_access}
    "tpu.region"() ({
      %run_scoped3A = tpu.sem_alloc : memref<!tpu.dma_semaphore, #tpu.memory_space<semaphore_mem>>
      %dma_start3A_370 = arith.constant 0 : i32
      %dma_start3A_371 = arith.constant 0 : i32
      %dma_start3A_372 = tpu.memref_slice %arg4[%add3A, %dma_start3A_370, %dma_start3A_371] : memref<32x8x64xf32, #tpu.memory_space<hbm>> -> memref<1x8x64xf32, #tpu.memory_space<hbm>>
      %dma_start3A_373 = tpu.memref_squeeze %dma_start3A_372 : memref<1x8x64xf32, #tpu.memory_space<hbm>> -> memref<8x64xf32, #tpu.memory_space<hbm>>
      %dma_start3A_374 = arith.constant 0 : i32
      %dma_start3A_375 = arith.constant 0 : i32
      %dma_start3A_376 = tpu.memref_slice %arg4[%add3A, %dma_start3A_374, %dma_start3A_375] : memref<32x8x64xf32, #tpu.memory_space<hbm>> -> memref<1x8x64xf32, #tpu.memory_space<hbm>>
      %dma_start3A_377 = tpu.memref_squeeze %dma_start3A_376 : memref<1x8x64xf32, #tpu.memory_space<hbm>> -> memref<8x64xf32, #tpu.memory_space<hbm>>
      tpu.enqueue_dma source(%arg7 : memref<8x64xf32, #tpu.memory_space<vmem>>) target(%dma_start3A_377 : memref<8x64xf32, #tpu.memory_space<hbm>>) target_semaphore(%run_scoped3A : memref<!tpu.dma_semaphore, #tpu.memory_space<semaphore_mem>>)
      %dma_wait3A_378 = arith.constant 0 : i32
      %dma_wait3A_379 = arith.constant 0 : i32
      %dma_wait3A_380 = tpu.memref_slice %arg4[%add3A, %dma_wait3A_378, %dma_wait3A_379] : memref<32x8x64xf32, #tpu.memory_space<hbm>> -> memref<1x8x64xf32, #tpu.memory_space<hbm>>
      %dma_wait3A_381 = tpu.memref_squeeze %dma_wait3A_380 : memref<1x8x64xf32, #tpu.memory_space<hbm>> -> memref<8x64xf32, #tpu.memory_space<hbm>>
      %dma_wait3A_382 = arith.constant 0 : i32
      %dma_wait3A_383 = arith.constant 0 : i32
      %dma_wait3A_384 = tpu.memref_slice %arg4[%add3A, %dma_wait3A_382, %dma_wait3A_383] : memref<32x8x64xf32, #tpu.memory_space<hbm>> -> memref<1x8x64xf32, #tpu.memory_space<hbm>>
      %dma_wait3A_385 = tpu.memref_squeeze %dma_wait3A_384 : memref<1x8x64xf32, #tpu.memory_space<hbm>> -> memref<8x64xf32, #tpu.memory_space<hbm>>
      tpu.wait_dma2 semaphore(%run_scoped3A : memref<!tpu.dma_semaphore, #tpu.memory_space<semaphore_mem>>) src(%arg7 : memref<8x64xf32, #tpu.memory_space<vmem>>) dst(%dma_wait3A_385 : memref<8x64xf32, #tpu.memory_space<hbm>>)
      tpu.yield
    }) : () -> ()
    return
  }
}

module attributes {stable_mosaic.version = 14 : i64} {
  func.func @_fin_body(%arg0: memref<32x8x64xf32, #tpu.memory_space<vmem>>, %arg1: memref<1x1xf32, #tpu.memory_space<vmem>>) attributes {dimension_semantics = [], scalar_prefetch = 0 : i64, scratch_operands = 0 : i64, tpu.core_type = #tpu.core_type<tc>} {
    %get3A = arith.constant 0 : index
    %get3A_0 = arith.constant 0 : index
    %get3A_1 = arith.constant 0 : index
    %get3A_2 = vector.load %arg0[%get3A, %get3A_0, %get3A_1] : memref<32x8x64xf32, #tpu.memory_space<vmem>>, vector<32x8x64xf32>
    %reduce_sum3A = arith.constant dense<0.000000e+00> : vector<8x64xf32>
    %reduce_sum3A_3 = vector.multi_reduction <add>, %get3A_2, %reduce_sum3A [0] : vector<32x8x64xf32> to vector<8x64xf32>
    %reduce_sum3A_4 = arith.constant dense<0.000000e+00> : vector<8xf32>
    %reduce_sum3A_5 = vector.multi_reduction <add>, %reduce_sum3A_3, %reduce_sum3A_4 [1] : vector<8x64xf32> to vector<8xf32>
    %broadcast_in_dim3A = vector.shape_cast %reduce_sum3A_5 : vector<8xf32> to vector<8x1xf32>
    %mul3A = vector.broadcast %broadcast_in_dim3A : vector<8x1xf32> to vector<8x64xf32>
    %mul3A_6 = arith.mulf %mul3A, %reduce_sum3A_3 : vector<8x64xf32>
    %reduce_sum3A_7 = vector.shape_cast %mul3A_6 : vector<8x64xf32> to vector<1x8x64xf32>
    %reduce_sum3A_8 = arith.constant dense<0.000000e+00> : vector<1xf32>
    %reduce_sum3A_9 = vector.multi_reduction <add>, %reduce_sum3A_7, %reduce_sum3A_8 [1, 2] : vector<1x8x64xf32> to vector<1xf32>
    %reduce_sum3A_10 = vector.shape_cast %reduce_sum3A_9 : vector<1xf32> to vector<1x1x1xf32>
    %reduce_sum3A_11 = vector.extract %reduce_sum3A_10[0, 0, 0] : f32 from vector<1x1x1xf32>
    %div3A = arith.constant 2.000000e+00 : f32
    %div3A_12 = arith.divf %reduce_sum3A_11, %div3A : f32
    %add3A = arith.constant 9.99999974E-5 : f32
    %add3A_13 = arith.addf %div3A_12, %add3A : f32
    %div3A_14 = vector.broadcast %add3A_13 : f32 to vector<8x64xf32>
    %div3A_15 = arith.divf %mul3A_6, %div3A_14 : vector<8x64xf32>
    %reduce_sum3A_16 = arith.constant dense<0.000000e+00> : vector<8xf32>
    %reduce_sum3A_17 = vector.multi_reduction <add>, %div3A_15, %reduce_sum3A_16 [1] : vector<8x64xf32> to vector<8xf32>
    %broadcast_in_dim3A_18 = vector.shape_cast %reduce_sum3A_17 : vector<8xf32> to vector<8x1xf32>
    %add3A_19 = arith.constant 9.99999974E-5 : f32
    %add3A_20 = vector.broadcast %add3A_19 : f32 to vector<8x1xf32>
    %add3A_21 = arith.addf %broadcast_in_dim3A_18, %add3A_20 : vector<8x1xf32>
    %reduce_sum3A_22 = arith.constant dense<0.000000e+00> : vector<64xf32>
    %reduce_sum3A_23 = vector.multi_reduction <add>, %div3A_15, %reduce_sum3A_22 [0] : vector<8x64xf32> to vector<64xf32>
    %broadcast_in_dim3A_24 = vector.shape_cast %reduce_sum3A_23 : vector<64xf32> to vector<1x64xf32>
    %add3A_25 = arith.constant 9.99999974E-5 : f32
    %add3A_26 = vector.broadcast %add3A_25 : f32 to vector<1x64xf32>
    %add3A_27 = arith.addf %broadcast_in_dim3A_24, %add3A_26 : vector<1x64xf32>
    %div3A_28 = vector.broadcast %add3A_21 : vector<8x1xf32> to vector<8x64xf32>
    %div3A_29 = arith.divf %div3A_15, %div3A_28 : vector<8x64xf32>
    %div3A_30 = vector.broadcast %add3A_27 : vector<1x64xf32> to vector<8x64xf32>
    %div3A_31 = arith.divf %div3A_29, %div3A_30 : vector<8x64xf32>
    %add3A_32 = arith.constant 9.99999974E-5 : f32
    %add3A_33 = vector.broadcast %add3A_32 : f32 to vector<8x64xf32>
    %add3A_34 = arith.addf %div3A_31, %add3A_33 : vector<8x64xf32>
    %log3A = math.log %add3A_34 : vector<8x64xf32>
    %mul3A_35 = arith.mulf %div3A_15, %log3A : vector<8x64xf32>
    %reduce_sum3A_36 = vector.shape_cast %mul3A_35 : vector<8x64xf32> to vector<1x8x64xf32>
    %reduce_sum3A_37 = arith.constant dense<0.000000e+00> : vector<1xf32>
    %reduce_sum3A_38 = vector.multi_reduction <add>, %reduce_sum3A_36, %reduce_sum3A_37 [1, 2] : vector<1x8x64xf32> to vector<1xf32>
    %reduce_sum3A_39 = vector.shape_cast %reduce_sum3A_38 : vector<1xf32> to vector<1x1x1xf32>
    %reduce_sum3A_40 = vector.extract %reduce_sum3A_39[0, 0, 0] : f32 from vector<1x1x1xf32>
    %neg3A = arith.constant 0.000000e+00 : f32
    %neg3A_41 = arith.subf %neg3A, %reduce_sum3A_40 : f32
    %mul3A_42 = arith.constant 0.00999999977 : f32
    %mul3A_43 = arith.mulf %mul3A_42, %neg3A_41 : f32
    %reshape3A = vector.broadcast %mul3A_43 : f32 to vector<1x1xf32>
    %swap3A = arith.constant 0 : index
    %swap3A_44 = arith.constant 0 : index
    %swap3A_45 = vector.load %arg1[%swap3A, %swap3A_44] : memref<1x1xf32, #tpu.memory_space<vmem>>, vector<1x1xf32>
    tpu.vector_store %arg1[%swap3A, %swap3A_44], %reshape3A {strides = array<i32>} : memref<1x1xf32, #tpu.memory_space<vmem>>, vector<1x1xf32>,
    return
  }
}

</mosaic_0001>

<sc_bundles>
// kernel: kernel.4.cloned.1.call-start
scs
__scs_entry_jumppad:
0x0: {  	(pc) =	sbr.rel $0x88, $3  }
0x1: {  	(tag) =	ssettag $0x0;
	lr =	simm.s32 $0x1  }
0x2: {  	[smem:$0x3F9F] =	sst lr;
	_ =	strace $0xD0000000  }
0x3: {  	_ = 	snop  }
0x4: {  	_ = 	snop  }
0x5: {  	_ = 	snop  }
0x6: {  	_ = 	snop  }
0x7: {  	_ = 	snop  }
__scs_overlays_trampoline_lowered:
0x8: {  	[smem:$0x3FAE] =	sst s0  }
0x9: {  	[smem:$0x3FAF] =	sst s1  }
0xa: {  	[smem:$0x3FB0] =	sst s2  }
0xb: {  	[smem:$0x3FB1] =	sst s3  }
0xc: {  	[smem:$0x3FB2] =	sst s4  }
0xd: {  	[smem:$0x3FB3] =	sst s5  }
0xe: {  	[smem:$0x3FB4] =	sst s6  }
0xf: {  	[smem:$0x3FB5] =	sst s7  }
0x10: {  	[smem:$0x3FB6] =	sst s8  }
0x11: {  	[smem:$0x3FB7] =	sst s9;
	s0 =	simm.s32 @!p0 $0x0  }
0x12: {  	s1 =	sld [smem:$0x3F9D];
	s0 =	simm.s32 @p0 $0x1  }
0x13: {  	[smem:$0x3FB8] =	sst s0;
	s0 =	simm.s32 @!p1 $0x0  }
0x14: {  	s2 =	sld [smem:$0x3F9C];
	s0 =	simm.s32 @p1 $0x1  }
0x15: {  	[smem:$0x3FB9] =	sst s0;
	s0 =	simm.s32 @!p2 $0x0  }
0x16: {  	s3 =	sld [smem:$0x3FDB];
	s0 =	simm.s32 @p2 $0x1  }
0x17: {  	s4 =	simm.s32 $0x1BF5;
	[smem:$0x3FBB] =	sst s0  }
0x18: {  	s0 =	sld [smem:$0x3F9E];
	_ =	swait.ge [sflag:s4], $0x0  }
0x19: {  	s7 =	sld [smem:$0x3F9F]  }
0x1a: {  	s8 =	sadd.s32 $0xFFFFE003, lr  }
0x1b: {  	s9 =	sadd.s32 $0xFFFFFEF7, lr;
	s5 =	simm.s32 $0xFFFFFFFF;
	p2 =	slt.u32 s8, $0xFFFFF086  }
0x1c: {  	p1 =	slt.u32 s9, $0xF7A;
	s5 =	simm.s32 @!p2 $0x0  }
0x1d: {  	s5 =	simm.s32 @p1 $0x1;
	p0 =	seq.s32 s7, s2  }
0x1e: {  	s7 =	smul.u32 @!p0 $0xF7A, s2;
	p2 =	seq.s32 @!p0 s5, $0x0  }
0x1f: {  	s9 =	smul.u32 $0xF7A, s1;
	s8 =	simm.s32 @!p0 $0x1BF5;
	p2 =	por !p2, p0  }
0x20: {  	[sflag:s8] =	ssyncset.s32 @!p0 $0xFFFFF086;
	s6 =	sadd.s32 @!p0 s3, s7;
	s7 =	simm.s32 @!p0 $0x108  }
0x21: {  	s3 =	sadd.s32 s3, s9;
	s6 =	sadd.s32 @!p0 $0x88, s6;
	s7 =	simm.s32 @p2 $0x1082  }
0x22: {  	[simem:s7], [sflag:s8] =	dma.local @!p0 [hbm:s6], $0xF7A  }
0x23: {  	s9 =	sor.u32 $0xD0000000, s2;
	s6 =	simm.s32 $0x108;
	_ =	swait.ge @!p0 [sflag:s8], $0x0  }
0x24: {  	s3 =	sadd.s32 $0x88, s3;
	s6 =	simm.s32 @!p1 $0x1082;
	[sflag:s4] =	ssyncset.s32 $0xFFFFF086  }
0x25: {  	[simem:s6], [sflag:s4] =	dma.local [hbm:s3], $0xF7A  }
0x26: {  	[smem:$0x3F9F] =	sst s1;
	(tag) =	ssettag s2;
	_ =	strace s9  }
0x27: {  	s1 =	sld [smem:$0x3FAF]  }
0x28: {  	s2 =	sld [smem:$0x3FB0]  }
0x29: {  	s4 =	sld [smem:$0x3FB2]  }
0x2a: {  	p0 =	seq.s32 s5, $0x0;
	s5 =	sld [smem:$0x3FB3]  }
0x2b: {  	s6 =	sld [smem:$0x3FB4]  }
0x2c: {  	s7 =	sld [smem:$0x3FB5]  }
0x2d: {  	s3 =	simm.s32 $0x108;
	s8 =	sld [smem:$0x3FB6]  }
0x2e: {  	s3 =	simm.s32 @!p0 $0x1082;
	s9 =	sld [smem:$0x3FB7]  }
0x2f: {  	lr =	sadd.s32 s0, s3;
	s0 =	sld [smem:$0x3FAE]  }
0x30: {  	s3 =	sld [smem:$0x3FB1]  }
0x31: {  	[smem:$0x3FBA] =	sst s10  }
0x32: {  	s10 =	sld [smem:$0x3FB8];
	_ =	sdelay $0x3  }
0x33: {  	p0 =	seq.s32 s10, $0x1;
	s10 =	sld [smem:$0x3FBA];
	_ =	sdelay $0x3  }
0x34: {  	[smem:$0x3FBA] =	sst s10  }
0x35: {  	s10 =	sld [smem:$0x3FB9];
	_ =	sdelay $0x3  }
0x36: {  	p1 =	seq.s32 s10, $0x1;
	s10 =	sld [smem:$0x3FBA];
	_ =	sdelay $0x3  }
0x37: {  	[smem:$0x3FBA] =	sst s10  }
0x38: {  	s10 =	sld [smem:$0x3FBB]  }
0x39: {  	_ = 	snop;
	(pc) =	sbr.ind lr, $3  }
0x3a: {  	_ = 	snop  }
0x3b: {  	_ = 	snop  }
0x3c: {  	p2 =	seq.s32 s10, $0x1;
	s10 =	sld [smem:$0x3FBA]  }
0x3d: {  	_ =	shalt  }
0x3e: {  	_ =	shalt  }
0x3f: {  	_ =	shalt  }
0x40: {  	_ =	shalt  }
0x41: {  	_ =	shalt  }
0x42: {  	_ =	shalt  }
0x43: {  	_ =	shalt  }
0x44: {  	_ =	shalt  }
0x45: {  	_ =	shalt  }
0x46: {  	_ =	shalt  }
0x47: {  	_ =	shalt  }
0x48: {  	_ =	shalt  }
0x49: {  	_ =	shalt  }
0x4a: {  	_ =	shalt  }
0x4b: {  	_ =	shalt  }
0x4c: {  	_ =	shalt  }
0x4d: {  	_ =	shalt  }
0x4e: {  	_ =	shalt  }
0x4f: {  	_ =	shalt  }
0x50: {  	_ =	shalt  }
0x51: {  	_ =	shalt  }
0x52: {  	_ =	shalt  }
0x53: {  	_ =	shalt  }
0x54: {  	_ =	shalt  }
0x55: {  	_ =	shalt  }
0x56: {  	_ =	shalt  }
0x57: {  	_ =	shalt  }
0x58: {  	_ =	shalt  }
0x59: {  	_ =	shalt  }
0x5a: {  	_ =	shalt  }
0x5b: {  	_ =	shalt  }
0x5c: {  	_ =	shalt  }
0x5d: {  	_ =	shalt  }
0x5e: {  	_ =	shalt  }
0x5f: {  	_ =	shalt  }
0x60: {  	_ =	shalt  }
0x61: {  	_ =	shalt  }
0x62: {  	_ =	shalt  }
0x63: {  	_ =	shalt  }
0x64: {  	_ =	shalt  }
0x65: {  	_ =	shalt  }
0x66: {  	_ =	shalt  }
0x67: {  	_ =	shalt  }
0x68: {  	_ =	shalt  }
0x69: {  	_ =	shalt  }
0x6a: {  	_ =	shalt  }
0x6b: {  	_ =	shalt  }
0x6c: {  	_ =	shalt  }
0x6d: {  	_ =	shalt  }
0x6e: {  	_ =	shalt  }
0x6f: {  	_ =	shalt  }
0x70: {  	_ =	shalt  }
0x71: {  	_ =	shalt  }
0x72: {  	_ =	shalt  }
0x73: {  	_ =	shalt  }
0x74: {  	_ =	shalt  }
0x75: {  	_ =	shalt  }
0x76: {  	_ =	shalt  }
0x77: {  	_ =	shalt  }
0x78: {  	_ =	shalt  }
0x79: {  	_ =	shalt  }
0x7a: {  	_ =	shalt  }
0x7b: {  	_ =	shalt  }
0x7c: {  	_ =	shalt  }
0x7d: {  	_ =	shalt  }
0x7e: {  	_ =	shalt  }
0x7f: {  	_ =	shalt  }
0x80: {  	_ =	shalt  }
0x81: {  	_ =	shalt  }
0x82: {  	_ =	shalt  }
0x83: {  	_ =	shalt  }
0x84: {  	_ =	shalt  }
0x85: {  	_ =	shalt  }
0x86: {  	_ =	shalt  }
0x87: {  	_ =	shalt  }
.Lfunc_end0:
.L_simem_size_0:
called_computation_lowered:
.L_overlay_start_0:
0x88: {  	s2 =	sld [smem:$0x3FD9]  }
0x89: {  	s3 =	sld [smem:$0x3FFE];
	_ =	sdelay $0x1  }
0x8a: {  	s1 =	srdreg.scid  }
0x8b: {  	s0 =	sand.u32 $0x1, s1  }
0x8c: {  	s17 =	sshll.u32 s0, $0xA;
	s2 =	sadd.s32 s3, s2  }
0x8d: {  	s2 =	sadd.s32 s2, s17  }
0x8e: {  	[smem:$0x3FC6] =	sst s2  }
0x8f: {  	_ = 	snop  }
0x90: {  	s2 =	sld [smem:$0x3FC8];
	(tm) =	ssettm $0x1  }
0x91: {  	s18 =	sld [smem:$0x3FFB];
	_ =	sdelay $0x3  }
0x92: {  	_ =	strace s18  }
0x93: {  	s3 =	sld [smem:$0x3FFC];
	_ =	sdelay $0x3  }
0x94: {  	_ =	strace s3  }
0x95: {  	s3 =	sld [smem:$0x3FFD];
	_ =	sdelay $0x3  }
0x96: {  	_ =	strace s3  }
0x97: {  	_ =	strace $0x8FFFFFFF  }
0x98: {  	s19 =	sld [smem:$0x3FDB];
	_ =	sdelay $0x1  }
0x99: {  	s4 =	simm.s32 $_scs_section_size  }
0x9a: {  	s5 =	simm.s32 $_size__tile_overlayer_lowered;
	s6 =	simm.s32 $_tile_overlayer_lowered  }
0x9b: {  	s22 =	simm.s32 $0x1BFF;
	s21 =	sshll.u32 s6, $0x1;
	s3 =	sadd.s32 s4, s19  }
0x9c: {  	s7 =	simm.s32 $0x0;
	s20 =	sshll.u32 s5, $0x1;
	s5 =	sadd.s32 s21, s3  }
0x9d: {  	[timem:s7], [sflag:s22] =	dma.local [hbm:s5], s20  }
0x9e: {  	_ =	swait.ge [sflag:s22], s20  }
0x9f: {  	s4 =	ssub.s32 $0x0, s20;
	[sflag:s22] =	ssyncset.done $0x0  }
0xa0: {  	[sflag:s22] =	ssyncadd.s32 s4;
	_ =	sdelay $0x1  }
0xa1: {  	s23 =	simm.s32 $0x1B8B  }
0xa2: {  	_ =	swait.ge [sflag:s23], $0x1  }
0xa3: {  	[sflag:s23] =	ssyncset.done $0x0  }
0xa4: {  	s25 =	simm.s32 $0x1B8E;
	s24 =	sld [smem:$0x3FFE];
	[sflag:s23] =	ssyncadd.s32 $0xFFFFFFFF  }
0xa5: {  	s26 =	simm.s32 $execute0_lowered;
	[smem:$0x3FD2] =	sst s25  }
0xa6: {  	s5 =	sshll.u32 s26, $0x1;
	_ =	strace $0x80000046;
	[dreg:$0x1] =	wrdreg $0xFFFFFFFF  }
0xa7: {  	s28 =	simm.s32 $_size_execute0_lowered;
	s3 =	sadd.s32 s3, s5;
	[dreg:$0x0] =	wrdreg $0x0  }
0xa8: {  	s5 =	sshll.u32 s28, $0x1;
	[dreg:$0x2] =	wrdreg s3  }
0xa9: {  	[dreg:$0x3] =	wrdreg s5  }
0xaa: {  	[dreg:$0x4] =	wrdreg $0xC0  }
0xab: {  	_ =	task [dreg:s7], $0x5FFFF  }
0xac: {  	[dreg:$0x1] =	wrdreg $0xFFFFFFFF  }
0xad: {  	[dreg:$0x0] =	wrdreg $0x60  }
0xae: {  	[dreg:$0x2] =	wrdreg s24  }
0xaf: {  	[dreg:$0x3] =	wrdreg s2  }
0xb0: {  	[dreg:$0x4] =	wrdreg $0x9  }
0xb1: {  	_ =	task.clear_ibuf [dreg:s7], $0x5FFFF;
	_ =	strace $0x90000046  }
0xb2: {  	s29 =	simm.s32 $0x9;
	_ =	strace $0x80000048  }
0xb3: {  	_ =	swait.ge [sflag:s29], $0x1  }
0xb4: {  	[sflag:s29] =	ssyncadd.s32 $0xFFFFFFFF  }
0xb5: {  	_ =	strace $0x90000048  }
0xb6: {  	_ =	sfence  }
0xb7: {  	s30 =	sld [smem:$0x0];
	_ =	sdelay $0x2  }
0xb8: {  	s31 =	sshll.u32 s1, $0xD;
	s1 =	sshrl.u32 s1, $0x2  }
0xb9: {  	s3 =	sand.u32 $0x4000, s31;
	s1 =	sadd.s32 s1, s30  }
0xba: {  	s0 =	sor.u32 s3, s0;
	s1 =	sshll.u32 s1, $0x11  }
0xbb: {  	s0 =	sor.u32 s1, s0  }
0xbc: {  	s0 =	sadd.s32 $0x8F2B, s0  }
0xbd: {  	[sflag:s0] =	ssyncadd.remote.s32 $0x1  }
0xbe: {  	_ =	sfence.sel $0xFFFF  }
0xbf: {  	[dreg:$0x0] =	wrdreg $0xFFFFFFFF;
	(pc) =	sbr.abs _section_cstart, $3  }
0xc0: {  	[dreg:$0x1] =	wrdreg $0xFFFFFFFF  }
0xc1: {  	_ =	task.clear_ibuf [dreg:s7], $0x2FFFF;
	_ =	strace $0x9FFFFFFF  }
0xc2: {  	(tm) =	ssettm $0x7FFFFFFF  }
0xc3: {  	_ =	shalt  }
tec
execute0_lowered:
.L_overlay_start_1:
0x0: {  	(tag) =	ssettag $0x1  }
0x1: {  	v0 =	vimm.s32 $0xFEDCBA98;
	s0 =	rddreg [dreg:$0x0];
	v1 =	vimm.s32 $0x76543210;
	v2 =	vimm.s32 $0xBA98FEDC  }
0x2: {  	s2 =	rddreg [dreg:$0x1];
	s1 =	simm.s32 $0x0;
	v3 =	vimm.s32 $0x32107654;
	v4 =	vimm.s32 $0xDCFE98BA;
	v5 =	vimm.s32 $0x54761032  }
0x3: {  	s3 =	srdreg.scid;
	s4 =	stileid.u32;
	v6 =	vimm.s32 $0xEFCDAB89;
	v7 =	vimm.s32 $0x67452301;
	s10 =	simm.s32 $0x10000  }
0x4: {  	s11 =	simm.s32 $0x3;
	s12 =	simm.s32 $0x1;
	s13 =	simm.s32 $0x8000;
	v0 =	vunpack.c.l.s4.s8 v0;
	v1 =	vunpack.c.l.s4.s8 v1;
	v2 =	vunpack.c.l.s4.s8 v2  }
0x5: {  	s14 =	simm.s32 $0x2;
	s15 =	simm.s32 $0x10480;
	s16 =	simm.s32 $0x4;
	v3 =	vunpack.c.l.s4.s8 v3;
	v4 =	vunpack.c.l.s4.s8 v4;
	v5 =	vunpack.c.l.s4.s8 v5  }
0x6: {  	s17 =	simm.s32 $0x0;
	[smem:$0x7FF] =	sst s1;
	s3 =	sand.u32 $0x1, s3;
	v6 =	vunpack.c.l.s4.s8 v6;
	v7 =	vunpack.c.l.s4.s8 v7;
	v0 =	vunpack.c.0.s8.s32 v0  }
0x7: {  	s4 =	sshll.u32 s4, $0xB;
	s5 =	sshll.u32 s3, $0xA;
	s3 =	ssub.s32 $0x2, s3;
	v2 =	vunpack.c.0.s8.s32 v2;
	v3 =	vunpack.c.0.s8.s32 v3;
	v4 =	vunpack.c.0.s8.s32 v4  }
0x8: {  	_ =	strace $0x80000047;
	s4 =	sor.u32 s5, s4;
	s6 =	sshrl.u32 s3, $0x1;
	v5 =	vunpack.c.0.s8.s32 v5;
	v6 =	vunpack.c.0.s8.s32 v6;
	v7 =	vunpack.c.0.s8.s32 v7  }
0x9: {  	v1 =	vunpack.c.0.s8.s32 v1;
	s5 =	sshll.u32 s4, $0x4;
	s4 =	sshrl.u32 s4, $0x3;
	s9 =	ssub.s32 s3, s6;
	v2 =	vcombine.low v3, v2  }
0xa: {  	s7 =	sadd.s32 s5, s0;
	s0 =	sadd.s32 s4, s0;
	s3 =	sadd.s32 s2, s4;
	v3 =	vcombine.low v5, v4;
	v4 =	vand.u32 $0xF, v0;
	v5 =	vcombine.low v7, v6  }
0xb: {  	s9 =	smax.u32 s9, $0x1;
	s4 =	sadd.s32 $0x600, s7;
	s5 =	sadd.s32 $0x1600, s7;
	v1 =	vcombine.low v4, v1  }
0xc: {  	s6 =	sadd.s32 $0x2600, s7;
	s7 =	sadd.s32 $0x3600, s7;
	s8 =	sadd.s32 $0x80600, s0;
	v2 =	vand.u32 $0xF, v2;
	v3 =	vand.u32 $0xF, v3;
	v4 =	vand.u32 $0xF, v5  }
.LBB2_1:
0xd: {  	[tilespmem:s10], [sflag:$0x3] =	stream.linear.gather [hbm4b:s3+s1], $0x400, $0x38;
	[tilespmem:$0x10880] =	vst v63  }
0xe: {  	_ = 	snop  }
0xf: {  	v0 =	vimm.f32 $0.0e+00;
	[tilespmem:s1], [sflag:$0x1] =	stream.linear.gather [hbm4b:s4+s1], $0x8000, $0x38;
	[tilespmem:$0x10880] =	vst v63  }
0x10: {  	[tilespmem:$0x10480] =	vst v0  }
0x11: {  	[tilespmem:$0x10490] =	vst v0  }
0x12: {  	[tilespmem:$0x104A0] =	vst v0  }
0x13: {  	[tilespmem:$0x104B0] =	vst v0  }
0x14: {  	[tilespmem:$0x10500] =	vst v0  }
0x15: {  	[tilespmem:$0x10510] =	vst v0  }
0x16: {  	[tilespmem:$0x10520] =	vst v0  }
0x17: {  	[tilespmem:$0x10530] =	vst v0  }
0x18: {  	[tilespmem:$0x10580] =	vst v0  }
0x19: {  	[tilespmem:$0x10590] =	vst v0  }
0x1a: {  	[tilespmem:$0x105A0] =	vst v0  }
0x1b: {  	[tilespmem:$0x105B0] =	vst v0  }
0x1c: {  	[tilespmem:$0x10600] =	vst v0  }
0x1d: {  	[tilespmem:$0x10610] =	vst v0  }
0x1e: {  	[tilespmem:$0x10620] =	vst v0  }
0x1f: {  	[tilespmem:$0x10630] =	vst v0  }
0x20: {  	[tilespmem:$0x10680] =	vst v0  }
0x21: {  	[tilespmem:$0x10690] =	vst v0  }
0x22: {  	[tilespmem:$0x106A0] =	vst v0  }
0x23: {  	[tilespmem:$0x106B0] =	vst v0  }
0x24: {  	[tilespmem:$0x10700] =	vst v0  }
0x25: {  	[tilespmem:$0x10710] =	vst v0  }
0x26: {  	[tilespmem:$0x10720] =	vst v0  }
0x27: {  	[tilespmem:$0x10730] =	vst v0  }
0x28: {  	[tilespmem:$0x10780] =	vst v0  }
0x29: {  	[tilespmem:$0x10790] =	vst v0  }
0x2a: {  	[tilespmem:$0x107A0] =	vst v0  }
0x2b: {  	[tilespmem:$0x107B0] =	vst v0  }
0x2c: {  	[tilespmem:$0x10800] =	vst v0  }
0x2d: {  	[tilespmem:$0x10810] =	vst v0  }
0x2e: {  	[tilespmem:$0x10820] =	vst v0  }
0x2f: {  	[tilespmem:$0x10830] =	vst v0  }
0x30: {  	_ =	swait.ge [sflag:s11], $0x400  }
0x31: {  	[sflag:s11] =	ssyncset.done $0x0  }
0x32: {  	[sflag:s11] =	ssyncadd.s32 $0xFFFFFC00  }
0x33: {  	_ =	swait.ge [sflag:s12], $0x8000  }
0x34: {  	[sflag:s12] =	ssyncset.done $0x0  }
0x35: {  	s0 =	simm.s32 $0x80;
	[sflag:s12] =	ssyncadd.s32 $0xFFFF8000  }
0x36: {  	[tilespmem:s13], [sflag:$0x2] =	stream.linear.gather [hbm4b:s5+s1], $0x8000, $0x38;
	[tilespmem:$0x10880] =	vst v63  }
0x37: {  	v5 =	vld [tilespmem:s0+$0x0]  }
0x38: {  	v6 =	vld [tilespmem:s0+$0x10]  }
0x39: {  	v7 =	vld [tilespmem:s0+$0x20]  }
0x3a: {  	v8 =	vld [tilespmem:s0+$0x30];
	_ =	sdelay $0x4  }
0x3b: {  	v9 =	vmax.f32 v5, v6;
	v10 =	vmax.f32 v7, v8  }
0x3c: {  	v11 =	vld [tilespmem:s0+$0xFFFFFF90];
	v9 =	vmax.f32 v9, v10  }
0x3d: {  	v13 =	vld [tilespmem:s0+$0xFFFFFFB0];
	v12 =	vperm.xlane v9, v1  }
0x3e: {  	v14 =	vld [tilespmem:s0+$0xFFFFFF80]  }
0x3f: {  	v10 =	vld [tilespmem:s0+$0xFFFFFFA0];
	v9 =	vmax.f32 v9, v12  }
0x40: {  	v12 =	vperm.xlane v9, v2;
	_ =	sdelay $0x1  }
0x41: {  	v9 =	vmax.f32 v9, v12  }
0x42: {  	v12 =	vperm.xlane v9, v3  }
0x43: {  	v16 =	vmax.f32 v14, v11;
	v15 =	vmax.f32 v10, v13  }
0x44: {  	v15 =	vmax.f32 v16, v15;
	v9 =	vmax.f32 v9, v12  }
0x45: {  	v12 =	vperm.xlane v15, v1;
	v16 =	vperm.xlane v9, v4;
	_ =	sdelay $0x1  }
0x46: {  	v12 =	vmax.f32 v15, v12;
	v9 =	vmax.f32 v9, v16  }
0x47: {  	v15 =	vperm.xlane v12, v2;
	v5 =	vsub.f32 v5, v9  }
0x48: {  	v6 =	vsub.f32 v6, v9  }
0x49: {  	v7 =	vsub.f32 v7, v9;
	v12 =	vmax.f32 v12, v15;
	v5 =	vmul.f32 $1.442695020e+00, v5  }
0x4a: {  	v8 =	vsub.f32 v8, v9;
	v15 =	vperm.xlane v12, v3;
	v6 =	vmul.f32 $1.442695020e+00, v6  }
0x4b: {  	v7 =	vmul.f32 $1.442695020e+00, v7;
	(erf) = vpow2.f32 v5  }
0x4c: {  	v5 =	vmul.f32 $1.442695020e+00, v8;
	(erf) = vpow2.f32 v6  }
0x4d: {  	s28 =	simm.s32 $0x180;
	(erf) = vpow2.f32 v7  }
0x4e: {  	v16 =	vld [tilespmem:s28+$0x30];
	v6 =	vmax.f32 v12, v15;
	(erf) = vpow2.f32 v5  }
0x4f: {  	v9 =	vld [tilespmem:s28+$0x0];
	v5 =	vperm.xlane v6, v4  }
0x50: {  	v15 =	vld [tilespmem:s28+$0x20]  }
0x51: {  	v12 =	vld [tilespmem:s28+$0x10];
	v5 =	vmax.f32 v6, v5  }
0x52: {  	v6 =	vsub.f32 v14, v5  }
0x53: {  	v7 =	vsub.f32 v11, v5;
	v8 =	vsub.f32 v10, v5;
	v10 =	vld [tilespmem:s28+$0xFFFFFF90]  }
0x54: {  	v11 =	vld [tilespmem:s28+$0xFFFFFFA0];
	v5 =	vsub.f32 v13, v5;
	v6 =	vmul.f32 $1.442695020e+00, v6;
	v21 =	vpop (erf)  }
0x55: {  	v13 =	vld [tilespmem:s28+$0xFFFFFFB0];
	v17 =	vmax.f32 v15, v16;
	v7 =	vmul.f32 $1.442695020e+00, v7;
	v8 =	vmul.f32 $1.442695020e+00, v8;
	v19 =	vpop (erf)  }
0x56: {  	v14 =	vld [tilespmem:s28+$0xFFFFFF80];
	v5 =	vmul.f32 $1.442695020e+00, v5;
	(erf) = vpow2.f32 v6;
	v6 =	vmax.f32 v9, v12;
	v20 =	vpop (erf)  }
0x57: {  	(erf) = vpow2.f32 v7;
	v6 =	vmax.f32 v6, v17;
	v17 =	vadd.f32 v19, v21;
	v22 =	vpop (erf)  }
0x58: {  	v7 =	vperm.xlane v6, v1;
	(erf) = vpow2.f32 v8;
	v18 =	vadd.f32 v22, v20  }
0x59: {  	(erf) = vpow2.f32 v5  }
0x5a: {  	v5 =	vmax.f32 v6, v7;
	v6 =	vadd.f32 v18, v17  }
0x5b: {  	v8 =	vmax.f32 v14, v10;
	v7 =	vmax.f32 v11, v13;
	v17 =	vperm.xlane v5, v2  }
0x5c: {  	v7 =	vmax.f32 v8, v7;
	v8 =	vperm.xlane v6, v1  }
0x5d: {  	v18 =	vperm.xlane v7, v1;
	v17 =	vmax.f32 v5, v17  }
0x5e: {  	v23 =	vperm.xlane v17, v3;
	v8 =	vadd.f32 v6, v8  }
0x5f: {  	v18 =	vmax.f32 v7, v18;
	v5 =	vpop (erf)  }
0x60: {  	v24 =	vperm.xlane v18, v2;
	v17 =	vmax.f32 v17, v23;
	v6 =	vpop (erf);
	v23 =	vperm.xlane v8, v2  }
0x61: {  	v25 =	vperm.xlane v17, v4;
	v7 =	vpop (erf)  }
0x62: {  	v18 =	vmax.f32 v18, v24;
	v24 =	vadd.f32 v6, v5;
	v23 =	vadd.f32 v8, v23;
	v8 =	vpop (erf)  }
0x63: {  	v26 =	vperm.xlane v18, v3;
	v17 =	vmax.f32 v17, v25;
	v25 =	vadd.f32 v8, v7  }
0x64: {  	v9 =	vsub.f32 v9, v17;
	v12 =	vsub.f32 v12, v17;
	v27 =	vperm.xlane v23, v3  }
0x65: {  	v18 =	vmax.f32 v18, v26;
	v15 =	vsub.f32 v15, v17;
	v16 =	vsub.f32 v16, v17  }
0x66: {  	v26 =	vperm.xlane v18, v4;
	v9 =	vmul.f32 $1.442695020e+00, v9;
	v23 =	vadd.f32 v23, v27  }
0x67: {  	v12 =	vmul.f32 $1.442695020e+00, v12;
	v15 =	vmul.f32 $1.442695020e+00, v15;
	v17 =	vadd.f32 v25, v24  }
0x68: {  	v18 =	vmax.f32 v18, v26;
	(erf) = vpow2.f32 v9;
	v9 =	vperm.xlane v23, v4  }
0x69: {  	s30 =	simm.s32 $0x280;
	v16 =	vmul.f32 $1.442695020e+00, v16;
	v14 =	vsub.f32 v14, v18;
	(erf) = vpow2.f32 v12  }
0x6a: {  	s29 =	simm.s32 $0x10001;
	v28 =	vld [tilespmem:s30+$0x30];
	v10 =	vsub.f32 v10, v18;
	(erf) = vpow2.f32 v15;
	v9 =	vadd.f32 v23, v9  }
0x6b: {  	v24 =	vld [tilespmem:s29+$0x0];
	v11 =	vsub.f32 v11, v18;
	v15 =	vperm.xlane v17, v1;
	(erf) = vpow2.f32 v16  }
0x6c: {  	v25 =	vld [tilespmem:s30+$0x0];
	(erf) = vrcp.f32 v9;
	v9 =	vsub.f32 v13, v18;
	v13 =	vmul.f32 $1.442695020e+00, v14  }
0x6d: {  	v26 =	vld [tilespmem:s30+$0x10];
	v10 =	vmul.f32 $1.442695020e+00, v10;
	v14 =	vadd.f32 v17, v15  }
0x6e: {  	v27 =	vld [tilespmem:s30+$0x20];
	v11 =	vmul.f32 $1.442695020e+00, v11;
	(erf) = vpow2.f32 v13  }
0x6f: {  	(erf) = vpow2.f32 v10;
	v10 =	vperm.xlane v14, v2  }
0x70: {  	v12 =	vld [tilespmem:s29+$0xFFFFFFFF];
	v9 =	vmul.f32 $1.442695020e+00, v9  }
0x71: {  	v29 =	vld [tilespmem:s30+$0xFFFFFF90];
	(v2sf) =	vpush v24, $0x0  }
0x72: {  	v17 =	vld [tilespmem:s30+$0xFFFFFFA0];
	(erf) = vpow2.f32 v11;
	v11 =	vpop (erf);
	v13 =	vadd.f32 v14, v10;
	v14 =	vmax.f32 v25, v26  }
0x73: {  	v18 =	vld [tilespmem:s30+$0xFFFFFFB0];
	v15 =	vmax.f32 v27, v28;
	v10 =	vpop (erf)  }
0x74: {  	v30 =	vld [tilespmem:s30+$0xFFFFFF80];
	(erf) = vpow2.f32 v9;
	v15 =	vmax.f32 v14, v15;
	v9 =	vpop (erf)  }
0x75: {  	(v2sf) =	vpush v12, $0x0;
	v12 =	vperm.xlane v13, v3;
	v16 =	vperm.xlane v15, v1;
	v14 =	vpop (erf)  }
0x76: {  	v23 =	vadd.f32 v10, v11;
	v24 =	vadd.f32 v14, v9  }
0x77: {  	v33 =	vadd.f32 v13, v12;
	v13 =	vmax.f32 v15, v16  }
0x78: {  	v32 =	vmax.f32 v17, v18;
	v31 =	vpop (erf);
	v15 =	vperm.xlane v13, v2;
	v23 =	vadd.f32 v24, v23  }
0x79: {  	v12 =	vmax.f32 v30, v29;
	v22 =	vmul.f32 v31, v22;
	v51 =	vperm.xlane v33, v4  }
0x7a: {  	s18 =	simm.s32 $0x10003;
	v54 =	vmul.f32 v31, v21;
	v24 =	vmax.f32 v12, v32;
	v35 =	vperm.xlane v23, v1  }
0x7b: {  	v57 =	vld [tilespmem:s18+$0x0];
	v16 =	vpop (erf);
	v19 =	vmul.f32 v31, v19;
	v37 =	vmax.f32 v13, v15;
	v34 =	vperm.xlane v24, v1  }
0x7c: {  	v20 =	vmul.f32 v31, v20;
	v12 =	vpop (erf);
	v52 =	vperm.xlane v37, v3;
	v23 =	vadd.f32 v23, v35  }
0x7d: {  	v36 =	vadd.f32 v12, v16;
	v13 =	vpop (erf);
	v32 =	vadd.f32 v33, v51;
	v24 =	vmax.f32 v24, v34  }
0x7e: {  	v15 =	vpop (erf);
	v33 =	vmax.f32 v37, v52;
	v34 =	vperm.xlane v24, v2;
	v55 =	vperm.xlane v23, v2  }
0x7f: {  	(erf) = vrcp.f32 v32;
	v53 =	vadd.f32 v15, v13;
	v56 =	vperm.xlane v33, v4  }
0x80: {  	s31 =	spop (v2sf);
	(v2sf) =	vpush v57, $0x0;
	v24 =	vmax.f32 v24, v34;
	v58 =	vadd.f32 v23, v55  }
0x81: {  	v21 =	vadd.f32 v53, v36;
	v60 =	vmax.f32 v33, v56;
	v59 =	vperm.xlane v24, v3  }
0x82: {  	s0 =	sshll.u32 s31, $0x9;
	v25 =	vsub.f32 v25, v60;
	v26 =	vsub.f32 v26, v60;
	v61 =	vperm.xlane v58, v3  }
0x83: {  	s0 =	sshra.s32 s0, $0x2;
	v27 =	vsub.f32 v27, v60;
	v23 =	vperm.xlane v21, v1;
	v24 =	vmax.f32 v24, v59  }
0x84: {  	[tilespmem:s0+$0x104B0] =	vst.add.f32.msk $0xffff, v22;
	v25 =	vmul.f32 $1.442695020e+00, v25;
	v62 =	vperm.xlane v24, v4;
	v33 =	vadd.f32 v58, v61  }
0x85: {  	[tilespmem:s0+$0x10480] =	vst.add.f32.msk $0xffff, v54;
	v63 =	vmul.f32 $1.442695020e+00, v26;
	v27 =	vmul.f32 $1.442695020e+00, v27;
	v26 =	vsub.f32 v28, v60  }
0x86: {  	s2 =	spop (v2sf);
	v22 =	vld [tilespmem:s18+$0xFFFFFFFF];
	(erf) = vpow2.f32 v25;
	v24 =	vmax.f32 v24, v62;
	v28 =	vperm.xlane v33, v4  }
0x87: {  	[tilespmem:s0+$0x10490] =	vst.add.f32.msk $0xffff, v19;
	s2 =	sshll.u32 s2, $0x9;
	v26 =	vmul.f32 $1.442695020e+00, v26;
	(erf) = vpow2.f32 v63;
	v25 =	vsub.f32 v30, v24  }
0x88: {  	s20 =	simm.s32 $0x4;
	s21 =	simm.s32 $0x380;
	[tilespmem:s0+$0x104A0] =	vst.add.f32.msk $0xffff, v20;
	s19 =	sshra.s32 s2, $0x2;
	v20 =	vpop (erf);
	v19 =	vsub.f32 v29, v24;
	(erf) = vpow2.f32 v27;
	v27 =	vadd.f32 v33, v28  }
.LBB2_2:
0x89: {  	v28 =	vld [tilespmem:s21+$0x0];
	v17 =	vsub.f32 v17, v24;
	v18 =	vsub.f32 v18, v24;
	(erf) = vpow2.f32 v26  }
0x8a: {  	v25 =	vmul.f32 $1.442695020e+00, v25;
	v21 =	vadd.f32 v21, v23;
	v24 =	vld [tilespmem:s21+$0x10];
	(erf) = vrcp.f32 v27  }
0x8b: {  	v23 =	vmul.f32 $1.442695020e+00, v19;
	v26 =	vld [tilespmem:s21+$0x20];
	v27 =	vmul.f32 $1.442695020e+00, v17;
	(v2sf) =	vpush v22, $0x0  }
0x8c: {  	v0 =	vmul.f32 $1.442695020e+00, v18;
	v29 =	vld [tilespmem:s21+$0x30];
	(erf) = vpow2.f32 v25  }
0x8d: {  	v30 =	vperm.xlane v21, v2;
	v19 =	vld [tilespmem:s21+$0xFFFFFF90];
	(erf) = vpow2.f32 v23  }
0x8e: {  	v25 =	vmul.f32 v20, v5;
	v5 =	vmov v16;
	v17 =	vld [tilespmem:s21+$0xFFFFFFA0];
	(erf) = vpow2.f32 v27  }
0x8f: {  	s20 =	sadd.s32 $0x2, s20;
	v16 =	vadd.f32 v21, v30;
	v21 =	vmul.f32 v20, v6;
	v18 =	vld [tilespmem:s21+$0xFFFFFFB0];
	(erf) = vpow2.f32 v0;
	v22 =	vpop (erf)  }
0x90: {  	p0 =	slt.u32 s20, $0xFE;
	v30 =	vmul.f32 v20, v7;
	v20 =	vmul.f32 v20, v8;
	v6 =	vmov v12;
	v27 =	vld [tilespmem:s21+$0xFFFFFF80];
	v23 =	vpop (erf)  }
0x91: {  	v0 =	vmax.f32 v28, v24;
	v12 =	vperm.xlane v16, v3;
	v34 =	vmax.f32 v26, v29;
	v31 =	vpop (erf);
	[tilespmem:s19+$0x10480] =	vst.add.f32.msk $0xffff, v25  }
0x92: {  	v7 =	vmov v13;
	v8 =	vmov v15;
	v25 =	vmax.f32 v0, v34;
	v32 =	vpop (erf);
	[tilespmem:s19+$0x10490] =	vst.add.f32.msk $0xffff, v21  }
0x93: {  	v15 =	vadd.f32 v23, v22;
	v13 =	vperm.xlane v25, v1;
	v21 =	vadd.f32 v32, v31;
	v33 =	vpop (erf);
	s0 =	spop (v2sf);
	[tilespmem:s19+$0x104A0] =	vst.add.f32.msk $0xffff, v30  }
0x94: {  	v34 =	vadd.f32 v16, v12;
	v30 =	vmax.f32 v17, v18;
	s0 =	sshll.u32 s0, $0x9;
	v14 =	vmul.f32 v33, v14;
	[tilespmem:s19+$0x104B0] =	vst.add.f32.msk $0xffff, v20  }
0x95: {  	v0 =	vmax.f32 v27, v19;
	v20 =	vmax.f32 v25, v13;
	v21 =	vadd.f32 v21, v15;
	v16 =	vpop (erf);
	s0 =	sshra.s32 s0, $0x2  }
0x96: {  	v25 =	vmax.f32 v0, v30;
	v0 =	vperm.xlane v20, v2;
	v12 =	vpop (erf);
	v30 =	vperm.xlane v34, v4;
	[tilespmem:s0+$0x104B0] =	vst.add.f32.msk $0xffff, v14  }
0x97: {  	v38 =	vperm.xlane v25, v1;
	v35 =	vadd.f32 v12, v16;
	v36 =	vperm.xlane v21, v1;
	v13 =	vpop (erf)  }
0x98: {  	v20 =	vmax.f32 v20, v0;
	v15 =	vpop (erf);
	v30 =	vadd.f32 v34, v30;
	v34 =	vmul.f32 v33, v11  }
0x99: {  	v11 =	vmovc v22;
	v25 =	vmax.f32 v25, v38;
	v37 =	vperm.xlane v20, v3;
	v36 =	vadd.f32 v21, v36  }
0x9a: {  	v14 =	vmovc v32;
	v22 =	vadd.f32 v15, v13;
	v21 =	vperm.xlane v25, v2;
	[tilespmem:s0+$0x10480] =	vst.add.f32.msk $0xffff, v34;
	(erf) = vrcp.f32 v30;
	s2 =	spop (v2sf)  }
0x9b: {  	s18 =	sadd.s32 $0x2, s18;
	v32 =	vmul.f32 v33, v10;
	v10 =	vmovc v23;
	v20 =	vmax.f32 v20, v37;
	v30 =	vperm.xlane v36, v2;
	s2 =	sshll.u32 s2, $0x9  }
0x9c: {  	v25 =	vmax.f32 v25, v21;
	v23 =	vperm.xlane v20, v4;
	v21 =	vadd.f32 v22, v35;
	v34 =	vld [tilespmem:s18+$0x0];
	s19 =	sshra.s32 s2, $0x2  }
0x9d: {  	v33 =	vmul.f32 v33, v9;
	v9 =	vmovc v31;
	v35 =	vperm.xlane v25, v3;
	v22 =	vld [tilespmem:s18+$0xFFFFFFFF];
	v30 =	vadd.f32 v36, v30  }
0x9e: {  	v20 =	vmax.f32 v20, v23;
	v23 =	vperm.xlane v21, v1;
	[tilespmem:s0+$0x10490] =	vst.add.f32.msk $0xffff, v32  }
0x9f: {  	v25 =	vmax.f32 v25, v35;
	v28 =	vsub.f32 v28, v20;
	v31 =	vperm.xlane v30, v3;
	[tilespmem:s0+$0x104A0] =	vst.add.f32.msk $0xffff, v33  }
0xa0: {  	v24 =	vsub.f32 v24, v20;
	v26 =	vsub.f32 v26, v20;
	v32 =	vperm.xlane v25, v4  }
.Ltmp0:
0xa1: {  	v28 =	vmul.f32 $1.442695020e+00, v28;
	v30 =	vadd.f32 v30, v31;
	(v2sf) =	vpush v34, $0x0;
	(pc) =	sbr.rel @p0 .LBB2_2-.Ltmp0, $4  }
0xa2: {  	v31 =	vmul.f32 $1.442695020e+00, v24;
	v33 =	vmul.f32 $1.442695020e+00, v26;
	v26 =	vsub.f32 v29, v20  }
0xa3: {  	v24 =	vmax.f32 v25, v32;
	(erf) = vpow2.f32 v28;
	v28 =	vperm.xlane v30, v4;
	v20 =	vpop (erf)  }
0xa4: {  	v25 =	vsub.f32 v27, v24;
	v26 =	vmul.f32 $1.442695020e+00, v26;
	(erf) = vpow2.f32 v31  }
0xa5: {  	s21 =	sadd.s32 $0x100, s21;
	v19 =	vsub.f32 v19, v24;
	(erf) = vpow2.f32 v33;
	v27 =	vadd.f32 v30, v28  }
0xa6: {  	v17 =	vsub.f32 v17, v24;
	(erf) = vpow2.f32 v26  }
0xa7: {  	v25 =	vmul.f32 $1.442695020e+00, v25;
	v18 =	vsub.f32 v18, v24;
	(erf) = vrcp.f32 v27  }
0xa8: {  	v19 =	vmul.f32 $1.442695020e+00, v19;
	v17 =	vmul.f32 $1.442695020e+00, v17  }
0xa9: {  	(erf) = vpow2.f32 v25;
	v18 =	vmul.f32 $1.442695020e+00, v18  }
0xaa: {  	(erf) = vpow2.f32 v19  }
0xab: {  	(erf) = vpow2.f32 v17  }
0xac: {  	(erf) = vpow2.f32 v18;
	v17 =	vpop (erf)  }
0xad: {  	v18 =	vpop (erf)  }
0xae: {  	v19 =	vpop (erf)  }
0xaf: {  	v25 =	vadd.f32 v18, v17;
	v24 =	vpop (erf)  }
0xb0: {  	v26 =	vadd.f32 v24, v19  }
0xb1: {  	v27 =	vpop (erf)  }
0xb2: {  	v28 =	vpop (erf)  }
0xb3: {  	v21 =	vadd.f32 v21, v23;
	v23 =	vadd.f32 v26, v25;
	v25 =	vpop (erf)  }
0xb4: {  	v26 =	vpop (erf)  }
0xb5: {  	v31 =	vpop (erf)  }
0xb6: {  	v29 =	vperm.xlane v21, v2;
	v32 =	vadd.f32 v25, v28;
	v33 =	vadd.f32 v31, v26  }
0xb7: {  	v30 =	vperm.xlane v23, v1  }
0xb8: {  	v21 =	vadd.f32 v21, v29;
	v29 =	vadd.f32 v33, v32  }
0xb9: {  	v23 =	vadd.f32 v23, v30  }
0xba: {  	v30 =	vperm.xlane v21, v3;
	v33 =	vperm.xlane v29, v1  }
0xbb: {  	(v2sf) =	vpush v22, $0x0;
	v52 =	vperm.xlane v23, v2  }
0xbc: {  	s0 =	sadd.s32 $0x2, s18;
	v21 =	vadd.f32 v21, v30;
	v22 =	vadd.f32 v29, v33  }
0xbd: {  	v30 =	vld [tilespmem:s0+$0x0];
	v23 =	vadd.f32 v23, v52  }
0xbe: {  	v29 =	vperm.xlane v21, v4;
	v33 =	vperm.xlane v22, v2  }
0xbf: {  	v32 =	vperm.xlane v23, v3  }
0xc0: {  	v21 =	vadd.f32 v21, v29;
	v22 =	vadd.f32 v22, v33  }
0xc1: {  	v29 =	vld [tilespmem:s0+$0xFFFFFFFF];
	v23 =	vadd.f32 v23, v32  }
0xc2: {  	(v2sf) =	vpush v30, $0x0;
	(erf) = vrcp.f32 v21;
	v21 =	vperm.xlane v22, v3  }
0xc3: {  	v30 =	vperm.xlane v23, v4  }
0xc4: {  	v5 =	vmul.f32 v20, v5;
	v21 =	vadd.f32 v22, v21  }
0xc5: {  	v7 =	vmul.f32 v20, v7;
	v23 =	vadd.f32 v23, v30  }
0xc6: {  	v6 =	vmul.f32 v20, v6;
	[tilespmem:s19+$0x10480] =	vst.add.f32.msk $0xffff, v5;
	(v2sf) =	vpush v29, $0x0;
	v5 =	vperm.xlane v21, v4  }
0xc7: {  	[tilespmem:s19+$0x104A0] =	vst.add.f32.msk $0xffff, v7;
	s2 =	spop (v2sf);
	v7 =	vmul.f32 v27, v11;
	(erf) = vrcp.f32 v23  }
0xc8: {  	[tilespmem:s19+$0x10490] =	vst.add.f32.msk $0xffff, v6;
	v6 =	vmul.f32 v27, v14;
	s0 =	sshll.u32 s2, $0x9;
	v5 =	vadd.f32 v21, v5  }
0xc9: {  	s0 =	sshra.s32 s0, $0x2  }
0xca: {  	[tilespmem:s0+$0x104B0] =	vst.add.f32.msk $0xffff, v6;
	(erf) = vrcp.f32 v5;
	v5 =	vmul.f32 v27, v9  }
0xcb: {  	v6 =	vmul.f32 v27, v10;
	[tilespmem:s0+$0x10480] =	vst.add.f32.msk $0xffff, v7;
	v7 =	vpop (erf)  }
0xcc: {  	v8 =	vmul.f32 v20, v8;
	s2 =	spop (v2sf);
	[tilespmem:s0+$0x104A0] =	vst.add.f32.msk $0xffff, v5;
	v5 =	vmul.f32 v7, v12  }
0xcd: {  	s2 =	sshll.u32 s2, $0x9;
	[tilespmem:s0+$0x10490] =	vst.add.f32.msk $0xffff, v6;
	v6 =	vmul.f32 v7, v16  }
0xce: {  	[tilespmem:s19+$0x104B0] =	vst.add.f32.msk $0xffff, v8;
	s2 =	sshra.s32 s2, $0x2  }
0xcf: {  	[tilespmem:s2+$0x10480] =	vst.add.f32.msk $0xffff, v6;
	v6 =	vmul.f32 v7, v15  }
0xd0: {  	[tilespmem:s2+$0x10490] =	vst.add.f32.msk $0xffff, v5;
	v5 =	vpop (erf)  }
0xd1: {  	v8 =	vmul.f32 v7, v13;
	s18 =	spop (v2sf);
	[tilespmem:s2+$0x104B0] =	vst.add.f32.msk $0xffff, v6;
	v6 =	vmul.f32 v5, v17  }
0xd2: {  	s0 =	sshll.u32 s18, $0x9;
	v7 =	vmul.f32 v5, v24  }
0xd3: {  	[tilespmem:s2+$0x104A0] =	vst.add.f32.msk $0xffff, v8;
	s0 =	sshra.s32 s0, $0x2  }
0xd4: {  	[tilespmem:s0+$0x104B0] =	vst.add.f32.msk $0xffff, v7;
	v7 =	vmul.f32 v5, v18  }
0xd5: {  	s19 =	spop (v2sf);
	[tilespmem:s0+$0x10480] =	vst.add.f32.msk $0xffff, v6;
	v5 =	vmul.f32 v5, v19;
	v6 =	vpop (erf)  }
0xd6: {  	s2 =	sshll.u32 s19, $0x9;
	[tilespmem:s0+$0x10490] =	vst.add.f32.msk $0xffff, v7;
	v7 =	vmul.f32 v6, v28  }
0xd7: {  	s2 =	sshra.s32 s2, $0x2;
	[tilespmem:s0+$0x104A0] =	vst.add.f32.msk $0xffff, v5;
	v5 =	vmul.f32 v6, v25  }
0xd8: {  	v8 =	vmul.f32 v6, v26;
	[tilespmem:s2+$0x10480] =	vst.add.f32.msk $0xffff, v7  }
0xd9: {  	v6 =	vmul.f32 v6, v31;
	[tilespmem:s2+$0x10490] =	vst.add.f32.msk $0xffff, v5  }
0xda: {  	[tilespmem:s2+$0x104A0] =	vst.add.f32.msk $0xffff, v8  }
0xdb: {  	[tilespmem:s2+$0x104B0] =	vst.add.f32.msk $0xffff, v6  }
0xdc: {  	_ =	swait.ge [sflag:s14], $0x8000  }
0xdd: {  	[sflag:s14] =	ssyncset.done $0x0  }
0xde: {  	s20 =	simm.s32 $0x8000;
	[sflag:s14] =	ssyncadd.s32 $0xFFFF8000  }
0xdf: {  	[tilespmem:s1], [sflag:$0x1] =	stream.linear.gather [hbm4b:s6+s1], $0x8000, $0x38;
	[tilespmem:$0x10880] =	vst v63  }
0xe0: {  	v5 =	vld [tilespmem:s20+$0xA0]  }
0xe1: {  	v6 =	vld [tilespmem:s20+$0x90]  }
0xe2: {  	v10 =	vld [tilespmem:s20+$0xB0]  }
0xe3: {  	v14 =	vld [tilespmem:s20+$0x80]  }
0xe4: {  	s21 =	simm.s32 $0x8100  }
0xe5: {  	v15 =	vld [tilespmem:s21+$0xA0]  }
0xe6: {  	v17 =	vld [tilespmem:s21+$0x90]  }
0xe7: {  	v18 =	vld [tilespmem:s21+$0xB0]  }
0xe8: {  	v20 =	vld [tilespmem:s21+$0x80];
	v7 =	vmax.f32 v5, v10;
	v8 =	vmax.f32 v14, v6  }
0xe9: {  	v7 =	vmax.f32 v8, v7  }
0xea: {  	v8 =	vperm.xlane v7, v1;
	_ =	sdelay $0x1  }
0xeb: {  	v11 =	vld [tilespmem:s20+$0x10];
	v9 =	vmax.f32 v7, v8  }
0xec: {  	s22 =	simm.s32 $0x8200;
	v24 =	vld [tilespmem:s21+$0x0];
	v13 =	vmax.f32 v20, v17;
	v8 =	vmax.f32 v15, v18;
	v12 =	vperm.xlane v9, v2  }
0xed: {  	v26 =	vld [tilespmem:s22+$0xA0];
	v13 =	vmax.f32 v13, v8  }
0xee: {  	v30 =	vld [tilespmem:s22+$0xB0];
	v19 =	vperm.xlane v13, v1;
	v16 =	vmax.f32 v9, v12  }
0xef: {  	v7 =	vld [tilespmem:s20+$0x30];
	v21 =	vperm.xlane v16, v3  }
0xf0: {  	v9 =	vld [tilespmem:s20+$0x20];
	v13 =	vmax.f32 v13, v19  }
0xf1: {  	v8 =	vld [tilespmem:s20+$0x0];
	v22 =	vperm.xlane v13, v2;
	v21 =	vmax.f32 v16, v21  }
0xf2: {  	v29 =	vld [tilespmem:s22+$0x90];
	v23 =	vperm.xlane v21, v4  }
0xf3: {  	v0 =	vld [tilespmem:s22+$0x30];
	v13 =	vmax.f32 v13, v22  }
0xf4: {  	v12 =	vld [tilespmem:s21+$0x30];
	v22 =	vperm.xlane v13, v3;
	v21 =	vmax.f32 v21, v23  }
0xf5: {  	v31 =	vmax.f32 v26, v30;
	v16 =	vld [tilespmem:s21+$0x20];
	v25 =	vmax.f32 v9, v7;
	v6 =	vsub.f32 v6, v21  }
0xf6: {  	v19 =	vld [tilespmem:s21+$0x10];
	v23 =	vmax.f32 v8, v11;
	v10 =	vsub.f32 v10, v21;
	v22 =	vmax.f32 v13, v22  }
0xf7: {  	v25 =	vmax.f32 v23, v25;
	v13 =	vld [tilespmem:s22+$0x80];
	v23 =	vperm.xlane v22, v4;
	v6 =	vmul.f32 $1.442695020e+00, v6  }
0xf8: {  	v5 =	vsub.f32 v5, v21;
	v14 =	vsub.f32 v14, v21;
	v10 =	vmul.f32 $1.442695020e+00, v10  }
0xf9: {  	s23 =	simm.s32 $0x10101;
	s24 =	simm.s32 $0x0;
	v27 =	vperm.xlane v25, v1;
	(erf) = vpow2.f32 v6;
	v6 =	vmax.f32 v22, v23  }
0xfa: {  	s18 =	sand.u32 $0xFE, s24;
	v21 =	vld [tilespmem:s23+$0x0];
	v28 =	vmax.f32 v16, v12;
	(erf) = vpow2.f32 v10;
	v10 =	vsub.f32 v17, v6  }
0xfb: {  	v5 =	vmul.f32 $1.442695020e+00, v5;
	v14 =	vmul.f32 $1.442695020e+00, v14;
	v22 =	vld [tilespmem:s18+$0x10100];
	[tilespmem:$0x1FFE0] =	vst v0;
	v18 =	vsub.f32 v18, v6  }
0xfc: {  	v17 =	vmax.f32 v24, v19;
	v23 =	vld [tilespmem:s22+$0x10];
	v53 =	vmax.f32 v13, v29;
	v10 =	vmul.f32 $1.442695020e+00, v10  }
0xfd: {  	v47 =	vld [tilespmem:s22+$0x20];
	(erf) = vpow2.f32 v14;
	v14 =	vmul.f32 $1.442695020e+00, v18;
	v18 =	vmax.f32 v53, v31  }
0xfe: {  	v40 =	vld [tilespmem:s22+$0x0];
	v17 =	vmax.f32 v17, v28;
	(erf) = vpow2.f32 v10;
	v10 =	vperm.xlane v18, v1  }
0xff: {  	v28 =	vperm.xlane v17, v1;
	(erf) = vpow2.f32 v14  }
0x100: {  	(v2sf) =	vpush v21, $0x0;
	(erf) = vpow2.f32 v5;
	v5 =	vmax.f32 v18, v10  }
0x101: {  	v14 =	vmax.f32 v17, v28;
	v10 =	vmax.f32 v25, v27;
	v17 =	vperm.xlane v5, v2  }
0x102: {  	s26 =	simm.s32 $0x10103;
	(v2sf) =	vpush v22, $0x0;
	v28 =	vmax.f32 v47, v0;
	v18 =	vperm.xlane v10, v2  }
0x103: {  	s25 =	simm.s32 $0x2;
	v21 =	vld [tilespmem:s26+$0x0];
	v22 =	vperm.xlane v14, v2;
	v25 =	vmax.f32 v40, v23;
	v5 =	vmax.f32 v5, v17  }
0x104: {  	s0 =	sand.u32 $0xFE, s25;
	v27 =	vpop (erf);
	v55 =	vmax.f32 v10, v18;
	v17 =	vmax.f32 v25, v28;
	v18 =	vperm.xlane v5, v3  }
0x105: {  	s19 =	simm.s32 $0x8300;
	v54 =	vld [tilespmem:s0+$0x10100];
	v14 =	vmax.f32 v14, v22;
	v34 =	vpop (erf);
	v22 =	vperm.xlane v17, v1  }
0x106: {  	v38 =	vld [tilespmem:s19+$0xA0];
	v20 =	vsub.f32 v20, v6;
	v25 =	vpop (erf);
	v18 =	vmax.f32 v5, v18  }
0x107: {  	v15 =	vsub.f32 v15, v6;
	v39 =	vld [tilespmem:s19+$0x90];
	v22 =	vmax.f32 v17, v22;
	v5 =	vpop (erf);
	v31 =	vperm.xlane v18, v4  }
0x108: {  	v45 =	vld [tilespmem:s19+$0xB0];
	v20 =	vmul.f32 $1.442695020e+00, v20;
	(v2sf) =	vpush v21, $0x0;
	v21 =	vperm.xlane v22, v2;
	v6 =	vpop (erf)  }
0x109: {  	v36 =	vperm.xlane v55, v3;
	v42 =	vadd.f32 v27, v25;
	v17 =	vld [tilespmem:s19+$0x10];
	v28 =	vpop (erf);
	v44 =	vmax.f32 v18, v31  }
0x10a: {  	v18 =	vld [tilespmem:s19+$0x0];
	v31 =	vmax.f32 v22, v21;
	v21 =	vsub.f32 v29, v44;
	v22 =	vadd.f32 v34, v28  }
0x10b: {  	v15 =	vmul.f32 $1.442695020e+00, v15;
	(erf) = vpow2.f32 v20;
	v29 =	vsub.f32 v30, v44;
	v30 =	vld [tilespmem:s19+$0x80]  }
0x10c: {  	v33 =	vmax.f32 v55, v36;
	v20 =	vmul.f32 $1.442695020e+00, v21;
	v21 =	vadd.f32 v22, v42  }
0x10d: {  	v37 =	vperm.xlane v14, v3;
	v56 =	vperm.xlane v33, v4;
	v26 =	vsub.f32 v26, v44  }
0x10e: {  	(v2sf) =	vpush v54, $0x0;
	(erf) = vpow2.f32 v20;
	v20 =	vperm.xlane v21, v1  }
0x10f: {  	v10 =	vld [tilespmem:s19+$0x30];
	v29 =	vmul.f32 $1.442695020e+00, v29;
	v42 =	vmul.f32 $1.442695020e+00, v26;
	v58 =	vmax.f32 v18, v17  }
0x110: {  	v22 =	vld [tilespmem:s19+$0x20];
	v57 =	vmax.f32 v30, v39;
	v20 =	vadd.f32 v21, v20;
	v21 =	vmax.f32 v38, v45  }
0x111: {  	(erf) = vpow2.f32 v29;
	v29 =	vmax.f32 v33, v56;
	v21 =	vmax.f32 v57, v21  }
0x112: {  	v11 =	vsub.f32 v11, v29;
	v60 =	vperm.xlane v20, v2;
	v61 =	vperm.xlane v21, v1  }
0x113: {  	s18 =	simm.s32 $0x10105;
	(erf) = vpow2.f32 v15;
	v8 =	vsub.f32 v8, v29;
	v9 =	vsub.f32 v9, v29  }
0x114: {  	v35 =	vld [tilespmem:s18+$0x0];
	v11 =	vmul.f32 $1.442695020e+00, v11;
	v15 =	vadd.f32 v20, v60;
	v20 =	vmax.f32 v21, v61  }
0x115: {  	v7 =	vsub.f32 v7, v29;
	v59 =	vmax.f32 v22, v10;
	v63 =	vperm.xlane v20, v2  }
0x116: {  	s20 =	simm.s32 $0x4;
	v26 =	vmax.f32 v58, v59;
	(erf) = vpow2.f32 v11;
	v11 =	vperm.xlane v15, v3  }
0x117: {  	s0 =	sand.u32 $0xFE, s20;
	v8 =	vmul.f32 $1.442695020e+00, v8;
	v9 =	vmul.f32 $1.442695020e+00, v9;
	v20 =	vmax.f32 v20, v63  }
0x118: {  	v7 =	vmul.f32 $1.442695020e+00, v7;
	v21 =	vld [tilespmem:s0+$0x10100];
	v33 =	vperm.xlane v20, v3;
	v11 =	vadd.f32 v15, v11  }
0x119: {  	s22 =	simm.s32 $0x10107;
	(v2sf) =	vpush v35, $0x0;
	v62 =	vperm.xlane v26, v1;
	(erf) = vpow2.f32 v8  }
0x11a: {  	v29 =	vld [tilespmem:s22+$0x0];
	(erf) = vpow2.f32 v9;
	v8 =	vperm.xlane v11, v4;
	v9 =	vmax.f32 v20, v33  }
0x11b: {  	s23 =	simm.s32 $0x8400;
	v37 =	vmax.f32 v14, v37;
	(erf) = vpow2.f32 v7;
	v7 =	vperm.xlane v9, v4  }
0x11c: {  	v32 =	vld [tilespmem:s23+$0xA0];
	v13 =	vsub.f32 v13, v44;
	v60 =	vperm.xlane v37, v4;
	v20 =	vmax.f32 v26, v62  }
0x11d: {  	s24 =	simm.s32 $0x10109;
	s21 =	simm.s32 $0x6;
	v35 =	vld [tilespmem:s23+$0x90];
	v49 =	vpop (erf);
	(v2sf) =	vpush v21, $0x0;
	v21 =	vperm.xlane v20, v2;
	v11 =	vadd.f32 v11, v8  }
0x11e: {  	v13 =	vmul.f32 $1.442695020e+00, v13;
	v56 =	vld [tilespmem:s24+$0x0];
	s0 =	sand.u32 $0xFE, s21;
	v37 =	vmax.f32 v37, v60;
	v26 =	vmax.f32 v9, v7;
	v8 =	vpop (erf)  }
0x11f: {  	v36 =	vld [tilespmem:s0+$0x10100];
	(v2sf) =	vpush v29, $0x0;
	v29 =	vmax.f32 v20, v21;
	v21 =	vsub.f32 v39, v26;
	v7 =	vpop (erf)  }
0x120: {  	v50 =	vadd.f32 v5, v49;
	v19 =	vsub.f32 v19, v37;
	v15 =	vld [tilespmem:s23+$0x30];
	(erf) = vrcp.f32 v11;
	v9 =	vpop (erf)  }
0x121: {  	v20 =	vld [tilespmem:s23+$0x10];
	v38 =	vsub.f32 v38, v26;
	(erf) = vpow2.f32 v13;
	v13 =	vmul.f32 $1.442695020e+00, v21;
	v11 =	vpop (erf)  }
0x122: {  	v30 =	vsub.f32 v30, v26;
	v57 =	vsub.f32 v45, v26;
	v26 =	vld [tilespmem:s23+$0x0];
	v0 =	vpop (erf)  }
0x123: {  	v24 =	vsub.f32 v24, v37;
	v21 =	vld [tilespmem:s23+$0x20];
	v58 =	vadd.f32 v6, v9;
	[tilespmem:$0x1FFF0] =	vst v0  }
0x124: {  	v16 =	vsub.f32 v16, v37;
	v19 =	vmul.f32 $1.442695020e+00, v19;
	v46 =	vld [tilespmem:s23+$0xB0]  }
0x125: {  	v24 =	vmul.f32 $1.442695020e+00, v24;
	(erf) = vpow2.f32 v13;
	v33 =	vadd.f32 v58, v50;
	v13 =	vpop (erf);
	v48 =	vld [tilespmem:s23+$0x80]  }
0x126: {  	(v2sf) =	vpush v36, $0x0;
	v59 =	vmul.f32 $1.442695020e+00, v57;
	v53 =	vmul.f32 $1.442695020e+00, v30;
	v14 =	vpop (erf)  }
0x127: {  	v30 =	vadd.f32 v11, v0;
	v61 =	vperm.xlane v33, v1;
	v62 =	vadd.f32 v14, v13  }
0x128: {  	v16 =	vmul.f32 $1.442695020e+00, v16;
	(v2sf) =	vpush v56, $0x0;
	v52 =	vmul.f32 $1.442695020e+00, v38  }
0x129: {  	(erf) = vpow2.f32 v59;
	v33 =	vadd.f32 v33, v61;
	v54 =	vpop (erf);
	v30 =	vadd.f32 v62, v30  }
0x12a: {  	v0 =	vmul.f32 v54, v25;
	v25 =	vmax.f32 v32, v46;
	v50 =	vmax.f32 v48, v35  }
0x12b: {  	v63 =	vmax.f32 v26, v20;
	v51 =	vperm.xlane v33, v2;
	v25 =	vmax.f32 v50, v25  }
0x12c: {  	v45 =	vmax.f32 v21, v15;
	v55 =	vperm.xlane v30, v1;
	v56 =	vperm.xlane v25, v1  }
0x12d: {  	(erf) = vpow2.f32 v42;
	v38 =	vmax.f32 v63, v45;
	v33 =	vadd.f32 v33, v51  }
0x12e: {  	v57 =	vperm.xlane v38, v1;
	v30 =	vadd.f32 v30, v55;
	v25 =	vmax.f32 v25, v56  }
0x12f: {  	v12 =	vsub.f32 v12, v37;
	v60 =	vperm.xlane v33, v3;
	v58 =	vperm.xlane v25, v2  }
0x130: {  	s25 =	simm.s32 $0x8;
	(erf) = vpow2.f32 v19;
	v38 =	vmax.f32 v38, v57;
	v59 =	vperm.xlane v30, v2  }
0x131: {  	s0 =	sand.u32 $0xFE, s25;
	[tilespmem:$0x1FFD0] =	vst v0;
	v19 =	vperm.xlane v38, v2;
	v33 =	vadd.f32 v33, v60;
	v25 =	vmax.f32 v25, v58  }
0x132: {  	v12 =	vmul.f32 $1.442695020e+00, v12;
	v61 =	vld [tilespmem:s0+$0x10100];
	v42 =	vadd.f32 v30, v59;
	v62 =	vperm.xlane v25, v3  }
0x133: {  	v38 =	vmax.f32 v38, v19;
	v30 =	vpop (erf);
	(erf) = vpow2.f32 v24;
	v50 =	vperm.xlane v33, v4  }
0x134: {  	(erf) = vpow2.f32 v16;
	v63 =	vperm.xlane v42, v3;
	v24 =	vmax.f32 v25, v62  }
0x135: {  	s26 =	simm.s32 $0x8500;
	(erf) = vpow2.f32 v12;
	v19 =	vadd.f32 v33, v50;
	v51 =	vperm.xlane v24, v4  }
0x136: {  	s28 =	simm.s32 $0x1010B;
	v41 =	vperm.xlane v31, v3;
	v39 =	vld [tilespmem:s26+$0xA0]  }
0x137: {  	v57 =	vld [tilespmem:s28+$0x0];
	(v2sf) =	vpush v61, $0x0;
	v16 =	vpop (erf);
	v56 =	vadd.f32 v42, v63;
	v24 =	vmax.f32 v24, v51  }
0x138: {  	v45 =	vld [tilespmem:s26+$0x90];
	v55 =	vadd.f32 v8, v30;
	v12 =	vpop (erf);
	(erf) = vrcp.f32 v19;
	v60 =	vsub.f32 v35, v24  }
0x139: {  	v25 =	vld [tilespmem:s26+$0x30];
	v44 =	vperm.xlane v56, v4;
	v32 =	vsub.f32 v32, v24;
	v19 =	vpop (erf);
	v61 =	vsub.f32 v48, v24  }
0x13a: {  	v33 =	vld [tilespmem:s26+$0x10];
	v51 =	vmul.f32 v54, v28;
	v62 =	vsub.f32 v46, v24;
	v58 =	vadd.f32 v7, v19  }
0x13b: {  	(erf) = vpow2.f32 v53;
	v35 =	vld [tilespmem:s26+$0x20];
	v56 =	vadd.f32 v56, v44;
	v63 =	vmul.f32 $1.442695020e+00, v60;
	v24 =	vpop (erf)  }
0x13c: {  	v44 =	vld [tilespmem:s26+$0x80];
	v48 =	vmul.f32 $1.442695020e+00, v62;
	v53 =	vadd.f32 v58, v55;
	v55 =	vmul.f32 v54, v27;
	v27 =	vpop (erf)  }
0x13d: {  	v41 =	vmax.f32 v31, v41;
	v42 =	vmul.f32 $1.442695020e+00, v32;
	v32 =	vld [tilespmem:s26+$0x0];
	(erf) = vpow2.f32 v63;
	v28 =	vpop (erf)  }
0x13e: {  	v59 =	vperm.xlane v41, v4;
	(erf) = vpow2.f32 v48;
	v48 =	vld [tilespmem:s26+$0xB0];
	v31 =	vpop (erf)  }
0x13f: {  	v46 =	vmul.f32 $1.442695020e+00, v61;
	v60 =	vadd.f32 v24, v27;
	v61 =	vadd.f32 v31, v28  }
0x140: {  	(v2sf) =	vpush v57, $0x0;
	(erf) = vrcp.f32 v56  }
0x141: {  	v56 =	vmul.f32 v54, v34;
	v54 =	vmax.f32 v41, v59;
	v59 =	vadd.f32 v61, v60;
	v60 =	vld [tilespmem:$0x1FFD0]  }
0x142: {  	v50 =	vperm.xlane v53, v1;
	v43 =	vmax.f32 v35, v25;
	v63 =	vmax.f32 v32, v33  }
0x143: {  	s2 =	spop (v2sf);
	v57 =	vmax.f32 v63, v43;
	v43 =	vmax.f32 v44, v45;
	v58 =	vmax.f32 v39, v48  }
0x144: {  	s0 =	sshll.u32 s2, $0x9;
	v53 =	vadd.f32 v53, v50;
	v62 =	vmax.f32 v43, v58  }
0x145: {  	s30 =	simm.s32 $0xA;
	s0 =	sshra.s32 s0, $0x2;
	v34 =	vpop (erf);
	(erf) = vpow2.f32 v52;
	v0 =	vperm.xlane v62, v1  }
0x146: {  	s22 =	sand.u32 $0xFE, s30;
	v52 =	vperm.xlane v53, v2;
	v61 =	vperm.xlane v59, v1;
	v58 =	vsub.f32 v23, v54;
	[tilespmem:s0+$0x10480] =	vst.add.f32.msk $0xffff, v60  }
0x147: {  	s18 =	spop (v2sf);
	v43 =	vperm.xlane v57, v1;
	v0 =	vmax.f32 v62, v0;
	v62 =	vld [tilespmem:s22+$0x10100]  }
0x148: {  	s19 =	spop (v2sf);
	v52 =	vadd.f32 v53, v52;
	v53 =	vadd.f32 v59, v61;
	v59 =	vmul.f32 $1.442695020e+00, v58;
	v58 =	vld [tilespmem:$0x1FFE0]  }
0x149: {  	v36 =	vperm.xlane v29, v3;
	s23 =	spop (v2sf);
	v37 =	vperm.xlane v38, v3;
	v61 =	vsub.f32 v47, v54;
	v60 =	vld [tilespmem:$0x1FFF0]  }
0x14a: {  	s20 =	spop (v2sf);
	v50 =	vmul.f32 v34, v49;
	v41 =	vpop (erf);
	v43 =	vmax.f32 v57, v43;
	[tilespmem:s0+$0x104A0] =	vst.add.f32.msk $0xffff, v51;
	v57 =	vperm.xlane v0, v2  }
0x14b: {  	s21 =	spop (v2sf);
	v63 =	vsub.f32 v40, v54;
	v23 =	vpop (erf);
	v51 =	vperm.xlane v43, v2;
	[tilespmem:s0+$0x10490] =	vst.add.f32.msk $0xffff, v55;
	v55 =	vmul.f32 $1.442695020e+00, v61  }
0x14c: {  	s31 =	simm.s32 $0x8600;
	s25 =	sshll.u32 s20, $0x9;
	s24 =	spop (v2sf);
	v40 =	vpop (erf);
	(erf) = vpow2.f32 v59;
	v0 =	vmax.f32 v0, v57;
	(v2sf) =	vpush v62, $0x0  }
0x14d: {  	s2 =	sshll.u32 s18, $0x9;
	s18 =	sshll.u32 s19, $0x9;
	s26 =	spop (v2sf);
	v47 =	vpop (erf);
	v57 =	vperm.xlane v52, v3;
	v58 =	vsub.f32 v58, v54;
	v54 =	vperm.xlane v53, v2  }
0x14e: {  	s29 =	spop (v2sf);
	s19 =	sshll.u32 s26, $0x9;
	s26 =	sshra.s32 s18, $0x2;
	v59 =	vmul.f32 $1.442695020e+00, v63;
	v51 =	vmax.f32 v43, v51;
	v60 =	vmul.f32 v47, v60  }
0x14f: {  	s20 =	sshll.u32 s29, $0x9;
	s29 =	sshra.s32 s2, $0x2;
	[tilespmem:s0+$0x104B0] =	vst.add.f32.msk $0xffff, v56;
	s0 =	spop (v2sf);
	v56 =	vadd.f32 v52, v57;
	v54 =	vadd.f32 v53, v54;
	v53 =	vperm.xlane v0, v3  }
0x150: {  	v49 =	vadd.f32 v16, v41;
	s22 =	sshll.u32 s21, $0x9;
	s21 =	sshll.u32 s24, $0x9;
	[tilespmem:s26+$0x10480] =	vst.add.f32.msk $0xffff, v50;
	s24 =	spop (v2sf);
	v50 =	vperm.xlane v51, v3;
	v58 =	vmul.f32 $1.442695020e+00, v58  }
0x151: {  	s23 =	sshll.u32 s23, $0x9;
	s18 =	sshll.u32 s0, $0x9;
	v43 =	vpop (erf);
	s24 =	sshll.u32 s24, $0x9;
	[tilespmem:s29+$0x10480] =	vst.add.f32.msk $0xffff, v60;
	v60 =	vperm.xlane v56, v4;
	v57 =	vmax.f32 v0, v53;
	v61 =	vperm.xlane v54, v3  }
.LBB2_4:
0x152: {  	(erf) = vpow2.f32 v59;
	v0 =	vmul.f32 v47, v11;
	v11 =	vmovc v24;
	v52 =	vmovc v41;
	v41 =	vmov v7  }
0x153: {  	s30 =	sadd.s32 $0x2, s30;
	v53 =	vld [tilespmem:s31+$0x30];
	v7 =	vmovc v12;
	v12 =	vmovc v40;
	v40 =	vmov v9;
	v9 =	vmov v19;
	v19 =	vmov v43  }
0x154: {  	v59 =	vperm.xlane v57, v4;
	s2 =	sand.u32 $0xFE, s30;
	v43 =	vld [tilespmem:s31+$0xA0];
	p0 =	slt.u32 s30, $0xFE;
	(erf) = vpow2.f32 v55;
	v54 =	vadd.f32 v54, v61;
	v55 =	vmovc v29;
	v29 =	vmovc v38  }
0x155: {  	s28 =	sadd.s32 $0x2, s28;
	v60 =	vadd.f32 v56, v60;
	v61 =	vmul.f32 v47, v13;
	v24 =	vpop (erf);
	(erf) = vpow2.f32 v58;
	[tilespmem:s29+$0x10490] =	vst.add.f32.msk $0xffff, v0  }
0x156: {  	v47 =	vmul.f32 v47, v14;
	v13 =	vmovc v28;
	v57 =	vmax.f32 v57, v59;
	v56 =	vld [tilespmem:s28+$0x0];
	v58 =	vperm.xlane v54, v4  }
0x157: {  	v14 =	vmovc v31;
	v38 =	vmovc v51;
	v28 =	vsub.f32 v45, v57;
	v59 =	vsub.f32 v39, v57;
	v45 =	vld [tilespmem:s31+$0x90];
	(erf) = vrcp.f32 v60  }
0x158: {  	v31 =	vsub.f32 v44, v57;
	v44 =	vsub.f32 v48, v57;
	v0 =	vmovc v36;
	(erf) = vpow2.f32 v46;
	[tilespmem:s29+$0x104A0] =	vst.add.f32.msk $0xffff, v61  }
0x159: {  	v48 =	vadd.f32 v7, v19;
	v36 =	vmovc v37;
	v28 =	vmul.f32 $1.442695020e+00, v28;
	v51 =	vmul.f32 $1.442695020e+00, v59;
	[tilespmem:s29+$0x104B0] =	vst.add.f32.msk $0xffff, v47;
	v39 =	vmovc v43  }
0x15a: {  	v37 =	vmovc v50;
	v46 =	vmul.f32 $1.442695020e+00, v31;
	v31 =	vmul.f32 $1.442695020e+00, v44;
	v47 =	vadd.f32 v54, v58;
	v43 =	vld [tilespmem:s31+$0x10]  }
0x15b: {  	v49 =	vadd.f32 v48, v49;
	v54 =	vmul.f32 v34, v5;
	v5 =	vmovc v8;
	v8 =	vmovc v16;
	v50 =	vld [tilespmem:s31+$0x0];
	s0 =	spop (v2sf);
	(erf) = vpow2.f32 v28  }
0x15c: {  	v40 =	vmul.f32 v34, v40;
	v0 =	vmax.f32 v55, v0;
	v62 =	vld [tilespmem:s31+$0x20];
	s0 =	sshll.u32 s0, $0x9;
	(erf) = vpow2.f32 v31;
	v63 =	vpop (erf)  }
0x15d: {  	v55 =	vperm.xlane v0, v4;
	v58 =	vmul.f32 v34, v6;
	v48 =	vld [tilespmem:s31+$0xB0];
	v57 =	vadd.f32 v24, v63;
	v28 =	vpop (erf)  }
0x15e: {  	v16 =	vmov v23;
	v59 =	vperm.xlane v49, v1;
	v44 =	vld [tilespmem:s31+$0x80];
	(v2sf) =	vpush v56, $0x0;
	v31 =	vpop (erf)  }
0x15f: {  	v6 =	vmovc v41;
	v0 =	vmax.f32 v0, v55;
	v23 =	vadd.f32 v31, v28;
	[tilespmem:s26+$0x104A0] =	vst.add.f32.msk $0xffff, v40;
	(erf) = vrcp.f32 v47  }
0x160: {  	v56 =	vsub.f32 v18, v0;
	v47 =	vadd.f32 v49, v59;
	v40 =	vmax.f32 v50, v43;
	v34 =	vpop (erf);
	[tilespmem:s26+$0x10490] =	vst.add.f32.msk $0xffff, v54  }
0x161: {  	v55 =	vmax.f32 v62, v53;
	v41 =	vpop (erf);
	v49 =	vadd.f32 v23, v57;
	v59 =	vmul.f32 v34, v30;
	[tilespmem:s26+$0x104B0] =	vst.add.f32.msk $0xffff, v58  }
0x162: {  	v18 =	vmovc v26;
	s26 =	sshra.s32 s25, $0x2;
	s25 =	smov.u32 s21;
	s21 =	smov.u32 s20;
	v30 =	vmax.f32 v40, v55;
	v54 =	vld [tilespmem:s2+$0x10100];
	v40 =	vmax.f32 v39, v48;
	(erf) = vpow2.f32 v42;
	v42 =	vmovc v51  }
0x163: {  	s20 =	smov.u32 s24;
	v51 =	vperm.xlane v47, v2;
	v26 =	vmax.f32 v44, v45;
	v55 =	vperm.xlane v49, v1;
	[tilespmem:s26+$0x10480] =	vst.add.f32.msk $0xffff, v59  }
0x164: {  	v57 =	vperm.xlane v30, v1;
	v59 =	vsub.f32 v17, v0;
	v26 =	vmax.f32 v26, v40;
	v23 =	vpop (erf)  }
0x165: {  	v60 =	vadd.f32 v47, v51;
	v58 =	vperm.xlane v26, v1;
	v40 =	vpop (erf);
	v51 =	vadd.f32 v49, v55  }
0x166: {  	v22 =	vsub.f32 v22, v0;
	v17 =	vmovc v20;
	v20 =	vmovc v33;
	v49 =	vadd.f32 v16, v41;
	v59 =	vmul.f32 $1.442695020e+00, v59  }
0x167: {  	v33 =	vmovc v43;
	v30 =	vmax.f32 v30, v57;
	v26 =	vmax.f32 v26, v58;
	v55 =	vperm.xlane v51, v2  }
0x168: {  	v61 =	vperm.xlane v26, v2;
	(v2sf) =	vpush v54, $0x0;
	(erf) = vpow2.f32 v59;
	v47 =	vpop (erf)  }
0x169: {  	v0 =	vsub.f32 v10, v0;
	v10 =	vmovc v15;
	v54 =	vadd.f32 v51, v55;
	v27 =	vmul.f32 v47, v27  }
.Ltmp1:
0x16a: {  	s29 =	sshra.s32 s23, $0x2;
	s23 =	smov.u32 s22;
	v15 =	vmovc v25;
	v51 =	vperm.xlane v30, v2;
	v57 =	vmax.f32 v26, v61;
	v61 =	vperm.xlane v60, v3;
	(pc) =	sbr.rel @p0 .LBB2_4-.Ltmp1, $4  }
0x16b: {  	s22 =	smov.u32 s19;
	s19 =	smov.u32 s18;
	s18 =	smov.u32 s0;
	v25 =	vmov v53;
	v55 =	vmul.f32 $1.442695020e+00, v22;
	v58 =	vperm.xlane v57, v3;
	v43 =	vpop (erf);
	[tilespmem:s29+$0x10480] =	vst.add.f32.msk $0xffff, v27  }
0x16c: {  	v59 =	vmul.f32 $1.442695020e+00, v56;
	v26 =	vmovc v32;
	v32 =	vmovc v50;
	v51 =	vmax.f32 v30, v51;
	v56 =	vadd.f32 v60, v61  }
0x16d: {  	v22 =	vmovc v21;
	v21 =	vmovc v35;
	v50 =	vperm.xlane v51, v3;
	v57 =	vmax.f32 v57, v58;
	s0 =	spop (v2sf);
	v58 =	vmul.f32 $1.442695020e+00, v0  }
0x16e: {  	s31 =	sadd.s32 $0x100, s31;
	v35 =	vmovc v62;
	v30 =	vmovc v52;
	v61 =	vperm.xlane v54, v3;
	v27 =	vmov v63;
	s24 =	sshll.u32 s0, $0x9;
	v60 =	vperm.xlane v56, v4  }
0x16f: {  	(erf) = vpow2.f32 v59  }
0x170: {  	(erf) = vpow2.f32 v55  }
0x171: {  	(erf) = vpow2.f32 v58;
	_ =	sdelay $0x1  }
0x172: {  	v0 =	vperm.xlane v57, v4  }
0x173: {  	v63 =	vadd.f32 v12, v43;
	v52 =	vadd.f32 v54, v61  }
0x174: {  	v53 =	vadd.f32 v56, v60;
	v61 =	vmax.f32 v29, v36;
	v0 =	vmax.f32 v57, v0  }
0x175: {  	v57 =	vperm.xlane v61, v4;
	v49 =	vadd.f32 v63, v49;
	v45 =	vsub.f32 v45, v0  }
0x176: {  	v29 =	vpop (erf);
	v54 =	vperm.xlane v52, v4;
	(erf) = vrcp.f32 v53;
	v48 =	vsub.f32 v48, v0  }
0x177: {  	(erf) = vpow2.f32 v46;
	v53 =	vmax.f32 v61, v57;
	v62 =	vmul.f32 $1.442695020e+00, v45;
	v46 =	vpop (erf)  }
0x178: {  	v59 =	vperm.xlane v49, v1;
	v48 =	vmul.f32 $1.442695020e+00, v48;
	v52 =	vadd.f32 v52, v54;
	v36 =	vpop (erf)  }
0x179: {  	v17 =	vsub.f32 v17, v53;
	v18 =	vsub.f32 v18, v53;
	(erf) = vpow2.f32 v62;
	v45 =	vpop (erf)  }
0x17a: {  	(erf) = vpow2.f32 v48;
	v58 =	vadd.f32 v29, v46;
	v60 =	vadd.f32 v45, v36  }
0x17b: {  	v22 =	vsub.f32 v22, v53;
	v17 =	vmul.f32 $1.442695020e+00, v17;
	(erf) = vrcp.f32 v52  }
0x17c: {  	v18 =	vmul.f32 $1.442695020e+00, v18;
	(erf) = vpow2.f32 v42;
	v61 =	vadd.f32 v60, v58  }
0x17d: {  	v10 =	vsub.f32 v10, v53;
	(erf) = vpow2.f32 v17;
	v17 =	vmul.f32 $1.442695020e+00, v22  }
0x17e: {  	(erf) = vpow2.f32 v18;
	v18 =	vadd.f32 v49, v59;
	v48 =	vperm.xlane v61, v1  }
0x17f: {  	v10 =	vmul.f32 $1.442695020e+00, v10  }
0x180: {  	(erf) = vpow2.f32 v17;
	v49 =	vperm.xlane v18, v2;
	v42 =	vadd.f32 v61, v48  }
0x181: {  	v53 =	vpop (erf);
	(erf) = vpow2.f32 v10  }
0x182: {  	v22 =	vpop (erf);
	v62 =	vadd.f32 v18, v49;
	v18 =	vperm.xlane v42, v2  }
0x183: {  	v17 =	vpop (erf)  }
0x184: {  	v10 =	vpop (erf)  }
0x185: {  	v54 =	vpop (erf)  }
0x186: {  	v63 =	vadd.f32 v42, v18;
	v18 =	vpop (erf)  }
0x187: {  	v59 =	vperm.xlane v62, v3;
	v42 =	vpop (erf)  }
0x188: {  	v60 =	vperm.xlane v63, v3;
	v52 =	vpop (erf)  }
0x189: {  	v57 =	vadd.f32 v23, v22;
	v55 =	vadd.f32 v62, v59;
	v48 =	vpop (erf)  }
0x18a: {  	v59 =	vadd.f32 v40, v18;
	v56 =	vadd.f32 v63, v60;
	v49 =	vpop (erf)  }
0x18b: {  	v58 =	vperm.xlane v55, v4;
	v60 =	vadd.f32 v42, v52;
	v61 =	vadd.f32 v49, v48  }
0x18c: {  	v39 =	vsub.f32 v39, v0;
	v57 =	vadd.f32 v59, v57  }
0x18d: {  	v37 =	vmax.f32 v38, v37;
	v55 =	vadd.f32 v55, v58;
	v58 =	vadd.f32 v61, v60  }
0x18e: {  	v62 =	vperm.xlane v37, v4;
	v61 =	vperm.xlane v57, v1  }
0x18f: {  	v0 =	vsub.f32 v44, v0;
	v39 =	vmul.f32 $1.442695020e+00, v39;
	v63 =	vperm.xlane v58, v1  }
0x190: {  	v37 =	vmax.f32 v37, v62;
	v60 =	vperm.xlane v56, v4;
	v38 =	vadd.f32 v57, v61  }
0x191: {  	v0 =	vmul.f32 $1.442695020e+00, v0;
	v20 =	vsub.f32 v20, v37;
	v61 =	vadd.f32 v58, v63  }
0x192: {  	(erf) = vrcp.f32 v55;
	v62 =	vadd.f32 v56, v60;
	v63 =	vperm.xlane v38, v2  }
0x193: {  	(erf) = vpow2.f32 v0;
	v0 =	vperm.xlane v61, v2  }
0x194: {  	v20 =	vmul.f32 $1.442695020e+00, v20;
	(erf) = vrcp.f32 v62;
	v38 =	vadd.f32 v38, v63  }
0x195: {  	v21 =	vsub.f32 v21, v37;
	(erf) = vpow2.f32 v39;
	v0 =	vadd.f32 v61, v0  }
0x196: {  	v26 =	vsub.f32 v26, v37;
	(erf) = vpow2.f32 v20;
	v20 =	vperm.xlane v38, v3  }
0x197: {  	v15 =	vsub.f32 v15, v37;
	v21 =	vmul.f32 $1.442695020e+00, v21;
	v58 =	vperm.xlane v0, v3  }
0x198: {  	v26 =	vmul.f32 $1.442695020e+00, v26;
	v59 =	vmax.f32 v51, v50;
	v20 =	vadd.f32 v38, v20  }
0x199: {  	v15 =	vmul.f32 $1.442695020e+00, v15;
	v60 =	vperm.xlane v59, v4;
	v0 =	vadd.f32 v0, v58  }
0x19a: {  	(erf) = vpow2.f32 v26;
	v61 =	vperm.xlane v20, v4  }
0x19b: {  	v26 =	vmax.f32 v59, v60;
	(erf) = vpow2.f32 v21;
	v21 =	vperm.xlane v0, v4  }
0x19c: {  	(erf) = vpow2.f32 v15;
	v15 =	vsub.f32 v33, v26;
	v20 =	vadd.f32 v20, v61  }
0x19d: {  	v0 =	vadd.f32 v0, v21;
	v21 =	vsub.f32 v32, v26  }
0x19e: {  	v62 =	vpop (erf);
	v15 =	vmul.f32 $1.442695020e+00, v15;
	(erf) = vrcp.f32 v20;
	v20 =	vsub.f32 v35, v26  }
0x19f: {  	v63 =	vpop (erf);
	(erf) = vrcp.f32 v0;
	v0 =	vsub.f32 v25, v26;
	v21 =	vmul.f32 $1.442695020e+00, v21  }
0x1a0: {  	v20 =	vmul.f32 $1.442695020e+00, v20  }
0x1a1: {  	v25 =	vpop (erf);
	(erf) = vpow2.f32 v15;
	v0 =	vmul.f32 $1.442695020e+00, v0  }
0x1a2: {  	v15 =	vpop (erf);
	(erf) = vpow2.f32 v21  }
0x1a3: {  	v21 =	vpop (erf);
	(erf) = vpow2.f32 v20  }
0x1a4: {  	v11 =	vmul.f32 v47, v11;
	v26 =	vadd.f32 v17, v63;
	v20 =	vpop (erf);
	(erf) = vpow2.f32 v0  }
0x1a5: {  	v13 =	vmul.f32 v47, v13;
	v0 =	vpop (erf)  }
0x1a6: {  	v9 =	vmul.f32 v34, v9;
	[tilespmem:s29+$0x10490] =	vst.add.f32.msk $0xffff, v11;
	v44 =	vadd.f32 v10, v15;
	v50 =	vpop (erf)  }
0x1a7: {  	v5 =	vmul.f32 v34, v5;
	[tilespmem:s29+$0x104A0] =	vst.add.f32.msk $0xffff, v13;
	v51 =	vadd.f32 v21, v20;
	v55 =	vadd.f32 v50, v0  }
0x1a8: {  	v11 =	vmul.f32 v47, v14;
	[tilespmem:s26+$0x104A0] =	vst.add.f32.msk $0xffff, v9;
	v14 =	vadd.f32 v44, v26;
	v26 =	vpop (erf)  }
0x1a9: {  	v6 =	vmul.f32 v34, v6;
	[tilespmem:s26+$0x10490] =	vst.add.f32.msk $0xffff, v5;
	v56 =	vpop (erf);
	v13 =	vadd.f32 v55, v51  }
0x1aa: {  	[tilespmem:s29+$0x104B0] =	vst.add.f32.msk $0xffff, v11;
	v5 =	vmul.f32 v53, v30;
	v11 =	vperm.xlane v14, v1;
	v57 =	vpop (erf)  }
0x1ab: {  	s0 =	sshra.s32 s25, $0x2;
	[tilespmem:s26+$0x104B0] =	vst.add.f32.msk $0xffff, v6;
	v6 =	vmul.f32 v54, v27;
	v58 =	vpop (erf);
	v9 =	vperm.xlane v13, v1  }
0x1ac: {  	s2 =	sshra.s32 s23, $0x2;
	[tilespmem:s0+$0x10480] =	vst.add.f32.msk $0xffff, v5;
	v24 =	vmul.f32 v54, v24;
	v11 =	vadd.f32 v14, v11;
	v14 =	vpop (erf)  }
0x1ad: {  	v7 =	vmul.f32 v53, v7;
	[tilespmem:s2+$0x10480] =	vst.add.f32.msk $0xffff, v6;
	v6 =	vmul.f32 v54, v28;
	v9 =	vadd.f32 v13, v9;
	v13 =	vpop (erf)  }
0x1ae: {  	[tilespmem:s2+$0x10490] =	vst.add.f32.msk $0xffff, v24;
	v5 =	vperm.xlane v11, v2;
	v27 =	vadd.f32 v57, v58;
	v30 =	vadd.f32 v13, v14  }
0x1af: {  	v24 =	vmul.f32 v54, v31;
	[tilespmem:s2+$0x104A0] =	vst.add.f32.msk $0xffff, v6;
	v6 =	vmul.f32 v53, v8  }
0x1b0: {  	[tilespmem:s0+$0x104B0] =	vst.add.f32.msk $0xffff, v7;
	v5 =	vadd.f32 v11, v5;
	v28 =	vperm.xlane v9, v2;
	v11 =	vadd.f32 v30, v27  }
0x1b1: {  	v8 =	vmul.f32 v53, v19;
	[tilespmem:s2+$0x104B0] =	vst.add.f32.msk $0xffff, v24;
	v7 =	vmul.f32 v25, v46  }
0x1b2: {  	s22 =	sshra.s32 s22, $0x2;
	[tilespmem:s0+$0x10490] =	vst.add.f32.msk $0xffff, v6;
	v19 =	vperm.xlane v5, v3;
	v9 =	vadd.f32 v9, v28;
	v24 =	vperm.xlane v11, v1  }
0x1b3: {  	v6 =	vmul.f32 v62, v41;
	[tilespmem:s22+$0x10480] =	vst.add.f32.msk $0xffff, v7;
	v7 =	vmul.f32 v25, v36  }
0x1b4: {  	[tilespmem:s0+$0x104A0] =	vst.add.f32.msk $0xffff, v8;
	v5 =	vadd.f32 v5, v19;
	v8 =	vperm.xlane v9, v3;
	v11 =	vadd.f32 v11, v24  }
0x1b5: {  	s21 =	sshra.s32 s21, $0x2;
	[tilespmem:s22+$0x104A0] =	vst.add.f32.msk $0xffff, v7;
	v7 =	vmul.f32 v62, v16  }
0x1b6: {  	[tilespmem:s21+$0x10480] =	vst.add.f32.msk $0xffff, v6;
	v6 =	vperm.xlane v5, v4;
	v8 =	vadd.f32 v9, v8;
	v9 =	vperm.xlane v11, v2  }
0x1b7: {  	[tilespmem:s21+$0x10490] =	vst.add.f32.msk $0xffff, v7;
	v7 =	vmul.f32 v26, v22  }
0x1b8: {  	s23 =	sshra.s32 s20, $0x2;
	v5 =	vadd.f32 v5, v6;
	v24 =	vperm.xlane v8, v4;
	v6 =	vadd.f32 v11, v9  }
0x1b9: {  	[tilespmem:s23+$0x10480] =	vst.add.f32.msk $0xffff, v7;
	v7 =	vmul.f32 v56, v42  }
0x1ba: {  	s25 =	sshra.s32 s19, $0x2;
	(erf) = vrcp.f32 v5;
	v8 =	vadd.f32 v8, v24;
	v5 =	vperm.xlane v6, v3  }
0x1bb: {  	[tilespmem:s25+$0x10490] =	vst.add.f32.msk $0xffff, v7;
	v7 =	vmul.f32 v56, v49  }
0x1bc: {  	(erf) = vrcp.f32 v8;
	v5 =	vadd.f32 v6, v5;
	v6 =	vmul.f32 v56, v52  }
0x1bd: {  	[tilespmem:s25+$0x104B0] =	vst.add.f32.msk $0xffff, v7;
	v19 =	vmul.f32 v25, v29  }
0x1be: {  	[tilespmem:s25+$0x10480] =	vst.add.f32.msk $0xffff, v6;
	v6 =	vmul.f32 v56, v48  }
0x1bf: {  	v7 =	vmul.f32 v26, v23;
	[tilespmem:s22+$0x10490] =	vst.add.f32.msk $0xffff, v19;
	v8 =	vperm.xlane v5, v4  }
0x1c0: {  	v19 =	vmul.f32 v25, v45;
	[tilespmem:s25+$0x104A0] =	vst.add.f32.msk $0xffff, v6;
	v6 =	vmul.f32 v26, v18  }
0x1c1: {  	[tilespmem:s23+$0x10490] =	vst.add.f32.msk $0xffff, v7;
	v9 =	vmul.f32 v62, v43;
	v5 =	vadd.f32 v5, v8  }
0x1c2: {  	[tilespmem:s22+$0x104B0] =	vst.add.f32.msk $0xffff, v19  }
0x1c3: {  	v11 =	vmul.f32 v62, v12;
	[tilespmem:s21+$0x104A0] =	vst.add.f32.msk $0xffff, v9;
	(erf) = vrcp.f32 v5  }
0x1c4: {  	v5 =	vmul.f32 v26, v40;
	[tilespmem:s23+$0x104A0] =	vst.add.f32.msk $0xffff, v6;
	v6 =	vpop (erf)  }
0x1c5: {  	[tilespmem:s21+$0x104B0] =	vst.add.f32.msk $0xffff, v11;
	v7 =	vmul.f32 v6, v63;
	v8 =	vpop (erf)  }
0x1c6: {  	s26 =	sshra.s32 s24, $0x2;
	[tilespmem:s23+$0x104B0] =	vst.add.f32.msk $0xffff, v5;
	v0 =	vmul.f32 v8, v0  }
0x1c7: {  	s28 =	sshra.s32 s18, $0x2;
	v5 =	vmul.f32 v8, v20;
	[tilespmem:s26+$0x10480] =	vst.add.f32.msk $0xffff, v7  }
0x1c8: {  	v7 =	vmul.f32 v8, v21;
	[tilespmem:s28+$0x104A0] =	vst.add.f32.msk $0xffff, v0;
	v0 =	vmul.f32 v6, v15  }
0x1c9: {  	[tilespmem:s28+$0x10480] =	vst.add.f32.msk $0xffff, v5;
	v5 =	vmul.f32 v8, v50  }
0x1ca: {  	[tilespmem:s28+$0x10490] =	vst.add.f32.msk $0xffff, v7  }
0x1cb: {  	[tilespmem:s28+$0x104B0] =	vst.add.f32.msk $0xffff, v5;
	v5 =	vmul.f32 v6, v17  }
0x1cc: {  	s29 =	spop (v2sf);
	v6 =	vmul.f32 v6, v10;
	[tilespmem:s26+$0x104A0] =	vst.add.f32.msk $0xffff, v0;
	v0 =	vpop (erf)  }
0x1cd: {  	s2 =	sshll.u32 s29, $0x9;
	[tilespmem:s26+$0x10490] =	vst.add.f32.msk $0xffff, v5;
	v5 =	vmul.f32 v0, v58  }
0x1ce: {  	s30 =	sshra.s32 s2, $0x2;
	[tilespmem:s26+$0x104B0] =	vst.add.f32.msk $0xffff, v6;
	v6 =	vmul.f32 v0, v57  }
0x1cf: {  	[tilespmem:s30+$0x10480] =	vst.add.f32.msk $0xffff, v5;
	v5 =	vmul.f32 v0, v14  }
0x1d0: {  	[tilespmem:s30+$0x10490] =	vst.add.f32.msk $0xffff, v6;
	v0 =	vmul.f32 v0, v13  }
0x1d1: {  	[tilespmem:s30+$0x104A0] =	vst.add.f32.msk $0xffff, v5  }
0x1d2: {  	[tilespmem:s30+$0x104B0] =	vst.add.f32.msk $0xffff, v0  }
0x1d3: {  	_ =	swait.ge [sflag:s12], $0x8000  }
0x1d4: {  	[sflag:s12] =	ssyncset.done $0x0  }
0x1d5: {  	s31 =	simm.s32 $0x0;
	s22 =	simm.s32 $0x80;
	[sflag:s12] =	ssyncadd.s32 $0xFFFF8000  }
0x1d6: {  	[tilespmem:s13], [sflag:$0x2] =	stream.linear.gather [hbm4b:s7+s31], $0x8000, $0x38;
	[tilespmem:$0x10880] =	vst v63  }
0x1d7: {  	v0 =	vld [tilespmem:s22+$0x20]  }
0x1d8: {  	v5 =	vld [tilespmem:s22+$0x30]  }
0x1d9: {  	v6 =	vld [tilespmem:s22+$0x0]  }
0x1da: {  	v7 =	vld [tilespmem:s22+$0x10];
	_ =	sdelay $0x4  }
0x1db: {  	v8 =	vld [tilespmem:s22+$0xFFFFFFA0];
	v9 =	vmax.f32 v0, v5;
	v10 =	vmax.f32 v6, v7  }
0x1dc: {  	v11 =	vld [tilespmem:s22+$0xFFFFFF80];
	v9 =	vmax.f32 v10, v9  }
0x1dd: {  	v13 =	vld [tilespmem:s22+$0xFFFFFFB0];
	v12 =	vperm.xlane v9, v1  }
0x1de: {  	v10 =	vld [tilespmem:s22+$0xFFFFFF90]  }
0x1df: {  	v9 =	vmax.f32 v9, v12  }
0x1e0: {  	v12 =	vperm.xlane v9, v2;
	_ =	sdelay $0x1  }
0x1e1: {  	v9 =	vmax.f32 v9, v12  }
0x1e2: {  	v14 =	vmax.f32 v8, v13;
	v12 =	vmax.f32 v11, v10;
	v15 =	vperm.xlane v9, v3  }
0x1e3: {  	v12 =	vmax.f32 v12, v14  }
0x1e4: {  	s23 =	simm.s32 $0x180;
	v14 =	vperm.xlane v12, v1;
	v9 =	vmax.f32 v9, v15  }
0x1e5: {  	v16 =	vld [tilespmem:s23+$0x20];
	v15 =	vperm.xlane v9, v4  }
0x1e6: {  	v20 =	vld [tilespmem:s23+$0x10];
	v12 =	vmax.f32 v12, v14  }
0x1e7: {  	v14 =	vld [tilespmem:s23+$0x30];
	v17 =	vperm.xlane v12, v2;
	v9 =	vmax.f32 v9, v15  }
0x1e8: {  	v15 =	vld [tilespmem:s23+$0x0];
	v6 =	vsub.f32 v6, v9  }
0x1e9: {  	v19 =	vld [tilespmem:s23+$0xFFFFFFA0];
	v12 =	vmax.f32 v12, v17;
	v7 =	vsub.f32 v7, v9;
	v0 =	vsub.f32 v0, v9  }
0x1ea: {  	v21 =	vld [tilespmem:s23+$0xFFFFFF90];
	v5 =	vsub.f32 v5, v9;
	v18 =	vperm.xlane v12, v3;
	v6 =	vmul.f32 $1.442695020e+00, v6  }
0x1eb: {  	v17 =	vld [tilespmem:s23+$0xFFFFFF80];
	v7 =	vmul.f32 $1.442695020e+00, v7;
	v0 =	vmul.f32 $1.442695020e+00, v0  }
0x1ec: {  	v9 =	vld [tilespmem:s23+$0xFFFFFFB0];
	v5 =	vmul.f32 $1.442695020e+00, v5;
	v12 =	vmax.f32 v12, v18;
	(erf) = vpow2.f32 v6  }
0x1ed: {  	v6 =	vmax.f32 v16, v14;
	(erf) = vpow2.f32 v7;
	v7 =	vmax.f32 v15, v20  }
0x1ee: {  	v18 =	vperm.xlane v12, v4;
	(erf) = vpow2.f32 v5;
	v5 =	vmax.f32 v7, v6  }
0x1ef: {  	(erf) = vpow2.f32 v0;
	v0 =	vperm.xlane v5, v1  }
0x1f0: {  	v6 =	vmax.f32 v12, v18;
	v7 =	vmax.f32 v17, v21  }
0x1f1: {  	s24 =	simm.s32 $0x10201;
	v12 =	vmax.f32 v19, v9;
	v8 =	vsub.f32 v8, v6;
	v0 =	vmax.f32 v5, v0  }
0x1f2: {  	v18 =	vld [tilespmem:s24+$0x0];
	v7 =	vmax.f32 v7, v12;
	v5 =	vsub.f32 v13, v6;
	v13 =	vperm.xlane v0, v2  }
0x1f3: {  	v11 =	vsub.f32 v11, v6;
	v10 =	vsub.f32 v10, v6;
	v12 =	vperm.xlane v7, v1  }
0x1f4: {  	v8 =	vmul.f32 $1.442695020e+00, v8;
	v22 =	vmul.f32 $1.442695020e+00, v5;
	v0 =	vmax.f32 v0, v13  }
0x1f5: {  	s25 =	simm.s32 $0x10203;
	v11 =	vmul.f32 $1.442695020e+00, v11;
	v7 =	vmax.f32 v7, v12;
	v13 =	vperm.xlane v0, v3  }
0x1f6: {  	v12 =	vperm.xlane v7, v2;
	v5 =	vpop (erf);
	(erf) = vpow2.f32 v22;
	v22 =	vld [tilespmem:s25+$0x0]  }
0x1f7: {  	v10 =	vmul.f32 $1.442695020e+00, v10;
	(v2sf) =	vpush v18, $0x0;
	v6 =	vpop (erf);
	v0 =	vmax.f32 v0, v13  }
0x1f8: {  	s26 =	simm.s32 $0x280;
	v12 =	vmax.f32 v7, v12;
	(erf) = vpow2.f32 v8;
	v8 =	vpop (erf);
	v23 =	vperm.xlane v0, v4  }
0x1f9: {  	v27 =	vld [tilespmem:s26+$0x30];
	v13 =	vperm.xlane v12, v3;
	v24 =	vadd.f32 v6, v5;
	(erf) = vpow2.f32 v11;
	v7 =	vpop (erf)  }
0x1fa: {  	v31 =	vld [tilespmem:s26+$0xFFFFFF90];
	(erf) = vpow2.f32 v10;
	v25 =	vadd.f32 v8, v7;
	v0 =	vmax.f32 v0, v23  }
0x1fb: {  	v29 =	vld [tilespmem:s26+$0xFFFFFFB0];
	v12 =	vmax.f32 v12, v13;
	(v2sf) =	vpush v22, $0x0;
	v10 =	vsub.f32 v15, v0  }
0x1fc: {  	s19 =	simm.s32 $0x10205;
	v59 =	vld [tilespmem:s26+$0x0];
	v11 =	vperm.xlane v12, v4;
	v23 =	vadd.f32 v25, v24;
	v20 =	vsub.f32 v20, v0  }
0x1fd: {  	v13 =	vld [tilespmem:s19+$0x0];
	v14 =	vsub.f32 v14, v0;
	v0 =	vsub.f32 v16, v0;
	v10 =	vmul.f32 $1.442695020e+00, v10  }
0x1fe: {  	v22 =	vld [tilespmem:s26+$0xFFFFFF80];
	v12 =	vmax.f32 v12, v11;
	v24 =	vperm.xlane v23, v1;
	v16 =	vmul.f32 $1.442695020e+00, v20  }
0x1ff: {  	v15 =	vld [tilespmem:s26+$0xFFFFFFA0];
	v14 =	vmul.f32 $1.442695020e+00, v14;
	(erf) = vpow2.f32 v10;
	v10 =	vsub.f32 v19, v12  }
0x200: {  	v60 =	vld [tilespmem:s26+$0x10];
	v9 =	vsub.f32 v9, v12;
	v0 =	vmul.f32 $1.442695020e+00, v0;
	v11 =	vpop (erf);
	(erf) = vpow2.f32 v16  }
0x201: {  	v18 =	vld [tilespmem:s26+$0x20];
	v16 =	vadd.f32 v23, v24;
	(erf) = vpow2.f32 v14  }
0x202: {  	v20 =	vsub.f32 v17, v12;
	v17 =	vpop (erf);
	v19 =	vmul.f32 $1.442695020e+00, v9;
	(erf) = vpow2.f32 v0  }
0x203: {  	(v2sf) =	vpush v13, $0x0;
	v0 =	vmul.f32 $1.442695020e+00, v10;
	v13 =	vperm.xlane v16, v2;
	v10 =	vpop (erf)  }
0x204: {  	v23 =	vmax.f32 v22, v31;
	v24 =	vmax.f32 v15, v29;
	v14 =	vadd.f32 v11, v17;
	v9 =	vpop (erf)  }
0x205: {  	v13 =	vadd.f32 v16, v13;
	v16 =	vmax.f32 v23, v24;
	v25 =	vadd.f32 v9, v10  }
0x206: {  	v26 =	vmax.f32 v59, v60;
	v23 =	vmax.f32 v18, v27;
	v24 =	vperm.xlane v16, v1  }
0x207: {  	(erf) = vpow2.f32 v19;
	v19 =	vmax.f32 v26, v23;
	v25 =	vadd.f32 v14, v25  }
0x208: {  	v23 =	vperm.xlane v13, v3;
	v16 =	vmax.f32 v16, v24;
	v24 =	vperm.xlane v19, v1  }
0x209: {  	v21 =	vsub.f32 v21, v12;
	v14 =	vpop (erf);
	v28 =	vperm.xlane v16, v2;
	v26 =	vperm.xlane v25, v1  }
0x20a: {  	(erf) = vpow2.f32 v0;
	v0 =	vadd.f32 v13, v23;
	v12 =	vpop (erf);
	v23 =	vmax.f32 v19, v24  }
0x20b: {  	v13 =	vpop (erf);
	v16 =	vmax.f32 v16, v28;
	v24 =	vadd.f32 v25, v26;
	v25 =	vperm.xlane v23, v2  }
0x20c: {  	v19 =	vpop (erf);
	v28 =	vperm.xlane v16, v3  }
0x20d: {  	v26 =	vadd.f32 v12, v14;
	v30 =	vadd.f32 v13, v19;
	v25 =	vmax.f32 v23, v25  }
0x20e: {  	v16 =	vmax.f32 v16, v28;
	v28 =	vperm.xlane v25, v3  }
0x20f: {  	v61 =	vperm.xlane v24, v2;
	v23 =	vadd.f32 v30, v26;
	v26 =	vperm.xlane v16, v4  }
0x210: {  	v62 =	vperm.xlane v0, v4;
	v30 =	vmax.f32 v25, v28  }
0x211: {  	v34 =	vadd.f32 v24, v61;
	v26 =	vmax.f32 v16, v26;
	v16 =	vperm.xlane v30, v4  }
0x212: {  	v20 =	vmul.f32 $1.442695020e+00, v20;
	v0 =	vadd.f32 v0, v62  }
0x213: {  	s30 =	sand.u32 $0xFE, s31;
	v63 =	vmul.f32 $1.442695020e+00, v21;
	v21 =	vperm.xlane v34, v3;
	v30 =	vmax.f32 v30, v16  }
0x214: {  	s21 =	simm.s32 $0x4;
	s28 =	spop (v2sf);
	(erf) = vrcp.f32 v0;
	v25 =	vsub.f32 v22, v26;
	v22 =	vsub.f32 v27, v30;
	v27 =	vld [tilespmem:s30+$0x10200]  }
0x215: {  	s22 =	simm.s32 $0x2;
	s24 =	simm.s32 $0x6;
	s29 =	spop (v2sf);
	(erf) = vpow2.f32 v20;
	v24 =	vsub.f32 v29, v26;
	v29 =	vadd.f32 v34, v21  }
0x216: {  	s25 =	simm.s32 $0x380;
	s0 =	sshll.u32 s28, $0x9;
	s31 =	spop (v2sf);
	v20 =	vpop (erf);
	v28 =	vperm.xlane v23, v1;
	(erf) = vpow2.f32 v63;
	v21 =	vsub.f32 v31, v26  }
0x217: {  	s23 =	sshra.s32 s0, $0x2;
	s18 =	sshll.u32 s29, $0x9;
	s20 =	sshll.u32 s31, $0x9;
	v31 =	vsub.f32 v59, v30;
	v32 =	vsub.f32 v60, v30;
	v16 =	vpop (erf);
	v33 =	vperm.xlane v29, v4  }
.LBB2_6:
0x218: {  	p0 =	slt.u32 s24, $0xFE  }
0x219: {  	v0 =	vsub.f32 v18, v30;
	v18 =	vld [tilespmem:s25+$0x20];
	s19 =	sadd.s32 $0x2, s19;
	(v2sf) =	vpush v27, $0x0;
	s26 =	smov.u32 s24;
	s24 =	sadd.s32 $0x2, s24  }
0x21a: {  	v27 =	vld [tilespmem:s19+$0x0];
	v30 =	vmul.f32 $1.442695020e+00, v31;
	v31 =	vmul.f32 $1.442695020e+00, v32;
	v29 =	vadd.f32 v29, v33  }
0x21b: {  	v34 =	vsub.f32 v15, v26;
	v23 =	vadd.f32 v23, v28;
	v15 =	vld [tilespmem:s25+$0xFFFFFFA0];
	v0 =	vmul.f32 $1.442695020e+00, v0  }
0x21c: {  	v28 =	vmul.f32 $1.442695020e+00, v22;
	v32 =	vld [tilespmem:s25+$0xFFFFFF80];
	(erf) = vpow2.f32 v30;
	v30 =	vadd.f32 v20, v16  }
0x21d: {  	v33 =	vmul.f32 $1.442695020e+00, v25;
	v22 =	vld [tilespmem:s25+$0x30];
	(erf) = vpow2.f32 v31  }
0x21e: {  	v25 =	vmul.f32 $1.442695020e+00, v34;
	v31 =	vld [tilespmem:s25+$0xFFFFFF90];
	(erf) = vrcp.f32 v29;
	v26 =	vpop (erf)  }
0x21f: {  	v24 =	vmul.f32 $1.442695020e+00, v24;
	v29 =	vld [tilespmem:s25+$0xFFFFFFB0];
	(v2sf) =	vpush v27, $0x0;
	(erf) = vpow2.f32 v28;
	v27 =	vpop (erf)  }
0x220: {  	v34 =	vld [tilespmem:s25+$0x0];
	(erf) = vpow2.f32 v0;
	v0 =	vperm.xlane v23, v2;
	v28 =	vpop (erf)  }
0x221: {  	v37 =	vmul.f32 v26, v5;
	v38 =	vmul.f32 v26, v6;
	v5 =	vmovc v14;
	v35 =	vld [tilespmem:s25+$0x10];
	v36 =	vadd.f32 v28, v27  }
0x222: {  	v39 =	vmul.f32 v26, v7;
	v6 =	vmovc v12;
	v7 =	vmovc v19;
	(erf) = vpow2.f32 v24;
	v0 =	vadd.f32 v23, v0  }
0x223: {  	v19 =	vmax.f32 v18, v22;
	v12 =	vmax.f32 v32, v31;
	[tilespmem:s23+$0x10480] =	vst.add.f32.msk $0xffff, v37;
	v37 =	vmul.f32 v26, v8  }
0x224: {  	v24 =	vadd.f32 v30, v36;
	v23 =	vmax.f32 v15, v29;
	v26 =	vperm.xlane v0, v3;
	[tilespmem:s23+$0x104A0] =	vst.add.f32.msk $0xffff, v39  }
0x225: {  	v8 =	vmov v13;
	v23 =	vmax.f32 v12, v23;
	v14 =	vpop (erf);
	[tilespmem:s23+$0x104B0] =	vst.add.f32.msk $0xffff, v37  }
0x226: {  	v36 =	vperm.xlane v24, v1;
	v37 =	vperm.xlane v23, v1;
	v30 =	vmax.f32 v34, v35;
	v12 =	vpop (erf);
	[tilespmem:s23+$0x10490] =	vst.add.f32.msk $0xffff, v38  }
0x227: {  	v0 =	vadd.f32 v0, v26;
	v30 =	vmax.f32 v30, v19;
	(erf) = vpow2.f32 v25;
	v25 =	vpop (erf)  }
0x228: {  	v23 =	vmax.f32 v23, v37;
	v26 =	vperm.xlane v30, v1;
	v13 =	vpop (erf);
	v17 =	vmul.f32 v25, v17;
	s0 =	spop (v2sf)  }
0x229: {  	v24 =	vadd.f32 v24, v36;
	v11 =	vmul.f32 v25, v11;
	v38 =	vperm.xlane v23, v2;
	v19 =	vpop (erf);
	s0 =	sshll.u32 s0, $0x9  }
0x22a: {  	s2 =	sand.u32 $0xFE, s22;
	s22 =	smov.u32 s21;
	v36 =	vmul.f32 v25, v9;
	v9 =	vmovc v28;
	v26 =	vmax.f32 v30, v26;
	v30 =	vadd.f32 v12, v14;
	s0 =	sshra.s32 s0, $0x2  }
0x22b: {  	s21 =	smov.u32 s26;
	s23 =	sshra.s32 s18, $0x2;
	s18 =	smov.u32 s20;
	v25 =	vmul.f32 v25, v10;
	v23 =	vmax.f32 v23, v38;
	v28 =	vperm.xlane v26, v2;
	v37 =	vpop (erf);
	[tilespmem:s0+$0x104B0] =	vst.add.f32.msk $0xffff, v11  }
0x22c: {  	v40 =	vperm.xlane v24, v2;
	v39 =	vadd.f32 v13, v19;
	v38 =	vperm.xlane v23, v3;
	[tilespmem:s0+$0x10490] =	vst.add.f32.msk $0xffff, v36  }
0x22d: {  	v10 =	vmovc v27;
	v11 =	vmov v20;
	v26 =	vmax.f32 v26, v28;
	v28 =	vperm.xlane v0, v4;
	[tilespmem:s0+$0x104A0] =	vst.add.f32.msk $0xffff, v17  }
0x22e: {  	v17 =	vmax.f32 v23, v38;
	v27 =	vperm.xlane v26, v3;
	s20 =	spop (v2sf);
	v23 =	vadd.f32 v39, v30;
	[tilespmem:s0+$0x10480] =	vst.add.f32.msk $0xffff, v25  }
0x22f: {  	v36 =	vadd.f32 v24, v40;
	v20 =	vmovc v37;
	v25 =	vperm.xlane v17, v4;
	s20 =	sshll.u32 s20, $0x9;
	v0 =	vadd.f32 v0, v28  }
0x230: {  	v37 =	vmul.f32 $1.442695020e+00, v21;
	v30 =	vmax.f32 v26, v27;
	v28 =	vperm.xlane v23, v1;
	v21 =	vpop (erf)  }
.Ltmp2:
0x231: {  	v39 =	vperm.xlane v36, v3;
	v26 =	vmax.f32 v17, v25;
	v38 =	vperm.xlane v30, v4;
	v27 =	vld [tilespmem:s2+$0x10200];
	v17 =	vmovc v16;
	(pc) =	sbr.rel @p0 .LBB2_6-.Ltmp2, $4  }
0x232: {  	v16 =	vmovc v21;
	v25 =	vsub.f32 v32, v26;
	v24 =	vsub.f32 v29, v26;
	(erf) = vrcp.f32 v0  }
0x233: {  	v29 =	vadd.f32 v36, v39;
	v30 =	vmax.f32 v30, v38;
	(erf) = vpow2.f32 v33  }
0x234: {  	v21 =	vsub.f32 v31, v26;
	v22 =	vsub.f32 v22, v30;
	(erf) = vpow2.f32 v37  }
0x235: {  	s25 =	sadd.s32 $0x100, s25;
	v31 =	vsub.f32 v34, v30;
	v32 =	vsub.f32 v35, v30;
	v33 =	vperm.xlane v29, v4  }
0x236: {  	v0 =	vadd.f32 v23, v28;
	_ =	sdelay $0x1  }
0x237: {  	v23 =	vperm.xlane v0, v2;
	_ =	sdelay $0x1  }
0x238: {  	v0 =	vadd.f32 v0, v23  }
0x239: {  	v23 =	vmul.f32 $1.442695020e+00, v31  }
0x23a: {  	v18 =	vsub.f32 v18, v30;
	v28 =	vmul.f32 $1.442695020e+00, v32;
	v30 =	vperm.xlane v0, v3  }
0x23b: {  	v29 =	vadd.f32 v29, v33;
	(erf) = vpow2.f32 v23  }
0x23c: {  	v22 =	vmul.f32 $1.442695020e+00, v22;
	(erf) = vpow2.f32 v28;
	v0 =	vadd.f32 v0, v30  }
0x23d: {  	v15 =	vsub.f32 v15, v26;
	(erf) = vrcp.f32 v29  }
0x23e: {  	(erf) = vpow2.f32 v22;
	v22 =	vperm.xlane v0, v4  }
0x23f: {  	v18 =	vmul.f32 $1.442695020e+00, v18;
	v15 =	vmul.f32 $1.442695020e+00, v15  }
0x240: {  	v23 =	vmul.f32 $1.442695020e+00, v24;
	v0 =	vadd.f32 v0, v22  }
0x241: {  	(erf) = vpow2.f32 v18  }
0x242: {  	v18 =	vmul.f32 $1.442695020e+00, v25;
	(erf) = vpow2.f32 v23;
	v22 =	vpop (erf)  }
0x243: {  	v21 =	vmul.f32 $1.442695020e+00, v21;
	(erf) = vpow2.f32 v15;
	v15 =	vpop (erf)  }
0x244: {  	(erf) = vrcp.f32 v0;
	v0 =	vpop (erf)  }
0x245: {  	(erf) = vpow2.f32 v18;
	v24 =	vadd.f32 v0, v15  }
0x246: {  	v23 =	vadd.f32 v20, v16;
	v18 =	vpop (erf);
	(erf) = vpow2.f32 v21  }
0x247: {  	v21 =	vpop (erf)  }
0x248: {  	v25 =	vpop (erf);
	v23 =	vadd.f32 v23, v24  }
0x249: {  	v29 =	vadd.f32 v21, v18;
	v24 =	vpop (erf)  }
0x24a: {  	v28 =	vperm.xlane v23, v1;
	v26 =	vpop (erf)  }
0x24b: {  	v30 =	vpop (erf);
	v31 =	vadd.f32 v24, v26  }
0x24c: {  	v23 =	vadd.f32 v23, v28;
	v41 =	vpop (erf)  }
0x24d: {  	v28 =	vadd.f32 v31, v29;
	v29 =	vpop (erf)  }
0x24e: {  	(v2sf) =	vpush v27, $0x0;
	v31 =	vperm.xlane v23, v2;
	v27 =	vpop (erf)  }
0x24f: {  	s0 =	sand.u32 $0xFE, s22;
	v35 =	vadd.f32 v30, v41;
	v34 =	vpop (erf)  }
0x250: {  	v42 =	vperm.xlane v28, v1;
	v23 =	vadd.f32 v23, v31;
	v31 =	vld [tilespmem:s0+$0x10200];
	v36 =	vadd.f32 v34, v27;
	_ =	sdelay $0x1  }
0x251: {  	v28 =	vadd.f32 v28, v42;
	v43 =	vadd.f32 v35, v36;
	_ =	sdelay $0x1  }
0x252: {  	v45 =	vperm.xlane v28, v2;
	v37 =	vperm.xlane v43, v1  }
0x253: {  	v44 =	vperm.xlane v23, v3;
	(v2sf) =	vpush v31, $0x0  }
0x254: {  	v28 =	vadd.f32 v28, v45;
	v31 =	vadd.f32 v43, v37  }
0x255: {  	v23 =	vadd.f32 v23, v44  }
0x256: {  	v46 =	vperm.xlane v28, v3;
	v47 =	vperm.xlane v31, v2  }
0x257: {  	v35 =	vperm.xlane v23, v4  }
0x258: {  	s24 =	sand.u32 $0xFE, s21;
	v5 =	vmul.f32 v22, v5;
	v28 =	vadd.f32 v28, v46;
	v31 =	vadd.f32 v31, v47  }
0x259: {  	v48 =	vld [tilespmem:s24+$0x10200];
	v7 =	vmul.f32 v22, v7;
	v23 =	vadd.f32 v23, v35  }
0x25a: {  	[tilespmem:s23+$0x10480] =	vst.add.f32.msk $0xffff, v5;
	v49 =	vperm.xlane v28, v4;
	v5 =	vperm.xlane v31, v3  }
0x25b: {  	v8 =	vmul.f32 v22, v8;
	(erf) = vrcp.f32 v23  }
0x25c: {  	[tilespmem:s23+$0x104A0] =	vst.add.f32.msk $0xffff, v7;
	v7 =	vadd.f32 v28, v49;
	v5 =	vadd.f32 v31, v5  }
0x25d: {  	v6 =	vmul.f32 v22, v6;
	s25 =	spop (v2sf);
	[tilespmem:s23+$0x104B0] =	vst.add.f32.msk $0xffff, v8;
	v8 =	vmul.f32 v25, v11  }
0x25e: {  	s0 =	sshll.u32 s25, $0x9;
	(erf) = vrcp.f32 v7;
	v7 =	vperm.xlane v5, v4  }
0x25f: {  	[tilespmem:s23+$0x10490] =	vst.add.f32.msk $0xffff, v6;
	v6 =	vmul.f32 v25, v17;
	s0 =	sshra.s32 s0, $0x2;
	(v2sf) =	vpush v48, $0x0  }
0x260: {  	v9 =	vmul.f32 v25, v9;
	[tilespmem:s0+$0x104B0] =	vst.add.f32.msk $0xffff, v8;
	v5 =	vadd.f32 v5, v7;
	v7 =	vmul.f32 v29, v19  }
0x261: {  	[tilespmem:s0+$0x104A0] =	vst.add.f32.msk $0xffff, v6;
	v6 =	vmul.f32 v29, v14  }
0x262: {  	s2 =	sshra.s32 s18, $0x2;
	[tilespmem:s0+$0x10490] =	vst.add.f32.msk $0xffff, v9  }
0x263: {  	v8 =	vmul.f32 v25, v10;
	[tilespmem:s2+$0x10480] =	vst.add.f32.msk $0xffff, v6  }
0x264: {  	v6 =	vmul.f32 v29, v13;
	(erf) = vrcp.f32 v5;
	[tilespmem:s2+$0x104A0] =	vst.add.f32.msk $0xffff, v7;
	v7 =	vpop (erf)  }
0x265: {  	[tilespmem:s0+$0x10480] =	vst.add.f32.msk $0xffff, v8;
	s26 =	spop (v2sf);
	v5 =	vmul.f32 v29, v12;
	v0 =	vmul.f32 v7, v0  }
0x266: {  	[tilespmem:s2+$0x104B0] =	vst.add.f32.msk $0xffff, v6;
	s0 =	sshll.u32 s26, $0x9;
	v6 =	vmul.f32 v7, v20  }
0x267: {  	s0 =	sshra.s32 s0, $0x2;
	[tilespmem:s2+$0x10490] =	vst.add.f32.msk $0xffff, v5  }
0x268: {  	[tilespmem:s0+$0x104B0] =	vst.add.f32.msk $0xffff, v6;
	v6 =	vmul.f32 v7, v15  }
0x269: {  	v5 =	vmul.f32 v7, v16;
	[tilespmem:s0+$0x10490] =	vst.add.f32.msk $0xffff, v0;
	v0 =	vpop (erf)  }
0x26a: {  	[tilespmem:s0+$0x10480] =	vst.add.f32.msk $0xffff, v6;
	v6 =	vmul.f32 v0, v26  }
0x26b: {  	[tilespmem:s0+$0x104A0] =	vst.add.f32.msk $0xffff, v5;
	v5 =	vmul.f32 v0, v18  }
0x26c: {  	s18 =	sshra.s32 s20, $0x2  }
0x26d: {  	[tilespmem:s18+$0x10480] =	vst.add.f32.msk $0xffff, v5;
	v5 =	vmul.f32 v0, v24  }
0x26e: {  	s19 =	spop (v2sf);
	v0 =	vmul.f32 v0, v21;
	[tilespmem:s18+$0x104A0] =	vst.add.f32.msk $0xffff, v6;
	v6 =	vpop (erf)  }
0x26f: {  	s0 =	sshll.u32 s19, $0x9;
	[tilespmem:s18+$0x104B0] =	vst.add.f32.msk $0xffff, v5;
	v5 =	vmul.f32 v6, v30  }
0x270: {  	s0 =	sshra.s32 s0, $0x2;
	[tilespmem:s18+$0x10490] =	vst.add.f32.msk $0xffff, v0;
	v0 =	vmul.f32 v6, v34  }
0x271: {  	v7 =	vmul.f32 v6, v41;
	[tilespmem:s0+$0x104B0] =	vst.add.f32.msk $0xffff, v5  }
0x272: {  	v5 =	vmul.f32 v6, v27;
	[tilespmem:s0+$0x10490] =	vst.add.f32.msk $0xffff, v0  }
0x273: {  	[tilespmem:s0+$0x104A0] =	vst.add.f32.msk $0xffff, v7  }
0x274: {  	[tilespmem:s0+$0x10480] =	vst.add.f32.msk $0xffff, v5  }
0x275: {  	_ =	swait.ge [sflag:s14], $0x8000  }
0x276: {  	[sflag:s14] =	ssyncset.done $0x0  }
0x277: {  	s20 =	simm.s32 $0x8000;
	[sflag:s14] =	ssyncadd.s32 $0xFFFF8000  }
0x278: {  	v0 =	vld [tilespmem:s20+$0xA0]  }
0x279: {  	v5 =	vld [tilespmem:s20+$0x90]  }
0x27a: {  	v6 =	vld [tilespmem:s20+$0xB0]  }
0x27b: {  	v10 =	vld [tilespmem:s20+$0x80]  }
0x27c: {  	s21 =	simm.s32 $0x8100  }
0x27d: {  	v14 =	vld [tilespmem:s21+$0xA0]  }
0x27e: {  	v15 =	vld [tilespmem:s21+$0x90]  }
0x27f: {  	v17 =	vld [tilespmem:s21+$0xB0]  }
0x280: {  	v18 =	vld [tilespmem:s21+$0x80];
	v7 =	vmax.f32 v0, v6;
	v8 =	vmax.f32 v10, v5  }
0x281: {  	v7 =	vmax.f32 v8, v7  }
0x282: {  	v8 =	vperm.xlane v7, v1;
	_ =	sdelay $0x1  }
0x283: {  	v11 =	vld [tilespmem:s20+$0x10];
	v9 =	vmax.f32 v7, v8  }
0x284: {  	s22 =	simm.s32 $0x8200;
	v24 =	vld [tilespmem:s21+$0x0];
	v13 =	vmax.f32 v18, v15;
	v8 =	vmax.f32 v14, v17;
	v12 =	vperm.xlane v9, v2  }
0x285: {  	v26 =	vld [tilespmem:s22+$0xA0];
	v13 =	vmax.f32 v13, v8  }
0x286: {  	v30 =	vld [tilespmem:s22+$0xB0];
	v19 =	vperm.xlane v13, v1;
	v16 =	vmax.f32 v9, v12  }
0x287: {  	v7 =	vld [tilespmem:s20+$0x30];
	v20 =	vperm.xlane v16, v3  }
0x288: {  	v9 =	vld [tilespmem:s20+$0x20];
	v13 =	vmax.f32 v13, v19  }
0x289: {  	v8 =	vld [tilespmem:s20+$0x0];
	v21 =	vperm.xlane v13, v2;
	v20 =	vmax.f32 v16, v20  }
0x28a: {  	v29 =	vld [tilespmem:s22+$0x90];
	v22 =	vperm.xlane v20, v4  }
0x28b: {  	v50 =	vld [tilespmem:s22+$0x30];
	v13 =	vmax.f32 v13, v21  }
0x28c: {  	v12 =	vld [tilespmem:s21+$0x30];
	v21 =	vperm.xlane v13, v3;
	v20 =	vmax.f32 v20, v22  }
0x28d: {  	v28 =	vmax.f32 v26, v30;
	v16 =	vld [tilespmem:s21+$0x20];
	v23 =	vmax.f32 v9, v7;
	v5 =	vsub.f32 v5, v20  }
0x28e: {  	v19 =	vld [tilespmem:s21+$0x10];
	v22 =	vmax.f32 v8, v11;
	v6 =	vsub.f32 v6, v20;
	v21 =	vmax.f32 v13, v21  }
0x28f: {  	v22 =	vmax.f32 v22, v23;
	v13 =	vld [tilespmem:s22+$0x80];
	v23 =	vperm.xlane v21, v4;
	v5 =	vmul.f32 $1.442695020e+00, v5  }
0x290: {  	v0 =	vsub.f32 v0, v20;
	v10 =	vsub.f32 v10, v20;
	v6 =	vmul.f32 $1.442695020e+00, v6  }
0x291: {  	s24 =	simm.s32 $0x0;
	s23 =	simm.s32 $0x10301;
	v25 =	vperm.xlane v22, v1;
	(erf) = vpow2.f32 v5;
	v5 =	vmax.f32 v21, v23  }
0x292: {  	s18 =	sand.u32 $0xFE, s24;
	v20 =	vld [tilespmem:s23+$0x0];
	v27 =	vmax.f32 v16, v12;
	(erf) = vpow2.f32 v6;
	v6 =	vsub.f32 v15, v5  }
0x293: {  	v0 =	vmul.f32 $1.442695020e+00, v0;
	v10 =	vmul.f32 $1.442695020e+00, v10;
	v21 =	vld [tilespmem:s18+$0x10300];
	[tilespmem:$0x1FFB0] =	vst v50;
	v17 =	vsub.f32 v17, v5  }
0x294: {  	v15 =	vmax.f32 v24, v19;
	v23 =	vld [tilespmem:s22+$0x10];
	v31 =	vmax.f32 v13, v29;
	v6 =	vmul.f32 $1.442695020e+00, v6  }
0x295: {  	v40 =	vld [tilespmem:s22+$0x0];
	(erf) = vpow2.f32 v10;
	v10 =	vmul.f32 $1.442695020e+00, v17;
	v17 =	vmax.f32 v31, v28  }
0x296: {  	v47 =	vld [tilespmem:s22+$0x20];
	v15 =	vmax.f32 v15, v27;
	(erf) = vpow2.f32 v6;
	v6 =	vperm.xlane v17, v1  }
0x297: {  	v27 =	vperm.xlane v15, v1;
	(erf) = vpow2.f32 v10  }
0x298: {  	(v2sf) =	vpush v20, $0x0;
	(erf) = vpow2.f32 v0;
	v0 =	vmax.f32 v17, v6  }
0x299: {  	v10 =	vmax.f32 v15, v27;
	v6 =	vmax.f32 v22, v25;
	v15 =	vperm.xlane v0, v2  }
0x29a: {  	s26 =	simm.s32 $0x10303;
	(v2sf) =	vpush v21, $0x0;
	v21 =	vperm.xlane v10, v2;
	v17 =	vperm.xlane v6, v2  }
0x29b: {  	v20 =	vld [tilespmem:s26+$0x0];
	v22 =	vmax.f32 v40, v23;
	v25 =	vmax.f32 v47, v50;
	v0 =	vmax.f32 v0, v15  }
0x29c: {  	v27 =	vpop (erf);
	v15 =	vmax.f32 v6, v17;
	v6 =	vmax.f32 v22, v25;
	v17 =	vperm.xlane v0, v3  }
0x29d: {  	s25 =	simm.s32 $0x2;
	v14 =	vsub.f32 v14, v5;
	v37 =	vmax.f32 v10, v21;
	v34 =	vpop (erf);
	v21 =	vperm.xlane v6, v1  }
0x29e: {  	s0 =	sand.u32 $0xFE, s25;
	v18 =	vsub.f32 v18, v5;
	v25 =	vpop (erf);
	v0 =	vmax.f32 v0, v17  }
0x29f: {  	s19 =	simm.s32 $0x8300;
	v51 =	vld [tilespmem:s0+$0x10300];
	v14 =	vmul.f32 $1.442695020e+00, v14;
	v21 =	vmax.f32 v6, v21;
	v5 =	vpop (erf);
	v22 =	vperm.xlane v0, v4  }
0x2a0: {  	v54 =	vld [tilespmem:s19+$0xA0];
	v42 =	vmul.f32 $1.442695020e+00, v18;
	(v2sf) =	vpush v20, $0x0;
	v20 =	vperm.xlane v21, v2;
	v6 =	vpop (erf)  }
0x2a1: {  	v39 =	vld [tilespmem:s19+$0x90];
	v53 =	vperm.xlane v15, v3;
	v44 =	vadd.f32 v27, v25;
	v28 =	vpop (erf);
	v0 =	vmax.f32 v0, v22  }
0x2a2: {  	v45 =	vld [tilespmem:s19+$0xB0];
	v31 =	vmax.f32 v21, v20;
	v20 =	vsub.f32 v29, v0;
	v21 =	vadd.f32 v34, v28  }
0x2a3: {  	(erf) = vpow2.f32 v42;
	v38 =	vperm.xlane v37, v3;
	v29 =	vsub.f32 v30, v0;
	v30 =	vld [tilespmem:s19+$0x80]  }
0x2a4: {  	v15 =	vmax.f32 v15, v53;
	v20 =	vmul.f32 $1.442695020e+00, v20;
	v21 =	vadd.f32 v21, v44  }
0x2a5: {  	v55 =	vperm.xlane v15, v4;
	v29 =	vmul.f32 $1.442695020e+00, v29  }
0x2a6: {  	(v2sf) =	vpush v51, $0x0;
	(erf) = vpow2.f32 v20;
	v20 =	vperm.xlane v21, v1  }
0x2a7: {  	v18 =	vld [tilespmem:s19+$0x0];
	v15 =	vmax.f32 v15, v55;
	v26 =	vsub.f32 v26, v0;
	(erf) = vpow2.f32 v29  }
0x2a8: {  	v10 =	vld [tilespmem:s19+$0x30];
	v29 =	vmax.f32 v30, v39;
	v20 =	vadd.f32 v21, v20;
	v21 =	vmax.f32 v54, v45  }
0x2a9: {  	v17 =	vld [tilespmem:s19+$0x10];
	v11 =	vsub.f32 v11, v15;
	v8 =	vsub.f32 v8, v15;
	v21 =	vmax.f32 v29, v21  }
0x2aa: {  	v22 =	vld [tilespmem:s19+$0x20];
	v9 =	vsub.f32 v9, v15;
	v29 =	vperm.xlane v20, v2;
	v58 =	vperm.xlane v21, v1  }
0x2ab: {  	v7 =	vsub.f32 v7, v15;
	v42 =	vmul.f32 $1.442695020e+00, v26;
	v11 =	vmul.f32 $1.442695020e+00, v11  }
0x2ac: {  	(erf) = vpow2.f32 v14;
	v14 =	vadd.f32 v20, v29;
	v20 =	vmax.f32 v21, v58  }
0x2ad: {  	s18 =	simm.s32 $0x10305;
	v0 =	vsub.f32 v13, v0;
	v8 =	vmul.f32 $1.442695020e+00, v8;
	v59 =	vperm.xlane v20, v2  }
0x2ae: {  	s20 =	simm.s32 $0x4;
	v52 =	vld [tilespmem:s18+$0x0];
	v56 =	vmax.f32 v18, v17;
	(erf) = vpow2.f32 v11;
	v11 =	vperm.xlane v14, v3  }
0x2af: {  	s0 =	sand.u32 $0xFE, s20;
	v9 =	vmul.f32 $1.442695020e+00, v9;
	v57 =	vmax.f32 v22, v10;
	v15 =	vmax.f32 v20, v59  }
0x2b0: {  	s21 =	simm.s32 $0x6;
	s22 =	simm.s32 $0x10307;
	(erf) = vpow2.f32 v8;
	v21 =	vld [tilespmem:s0+$0x10300];
	v32 =	vperm.xlane v15, v3;
	v11 =	vadd.f32 v14, v11  }
0x2b1: {  	v7 =	vmul.f32 $1.442695020e+00, v7;
	v26 =	vmax.f32 v56, v57;
	(erf) = vpow2.f32 v9;
	s0 =	sand.u32 $0xFE, s21;
	v20 =	vld [tilespmem:s22+$0x0]  }
0x2b2: {  	v29 =	vperm.xlane v26, v1;
	v13 =	vld [tilespmem:s0+$0x10300];
	v8 =	vperm.xlane v11, v4;
	v9 =	vmax.f32 v15, v32  }
0x2b3: {  	s24 =	simm.s32 $0x10309;
	(v2sf) =	vpush v52, $0x0;
	v49 =	vpop (erf);
	(erf) = vpow2.f32 v7;
	v7 =	vperm.xlane v9, v4  }
0x2b4: {  	s23 =	simm.s32 $0x8400;
	v61 =	vld [tilespmem:s24+$0x0];
	v37 =	vmax.f32 v37, v38;
	v41 =	vperm.xlane v31, v3;
	v60 =	vadd.f32 v5, v49  }
0x2b5: {  	v14 =	vmax.f32 v26, v29;
	(v2sf) =	vpush v21, $0x0;
	v21 =	vld [tilespmem:s23+$0x20];
	v11 =	vadd.f32 v11, v8  }
0x2b6: {  	v0 =	vmul.f32 $1.442695020e+00, v0;
	v15 =	vld [tilespmem:s23+$0x30];
	(v2sf) =	vpush v20, $0x0;
	v20 =	vperm.xlane v14, v2;
	v8 =	vpop (erf)  }
0x2b7: {  	(v2sf) =	vpush v13, $0x0;
	v13 =	vmax.f32 v9, v7;
	(erf) = vrcp.f32 v11;
	v7 =	vpop (erf)  }
0x2b8: {  	v44 =	vld [tilespmem:s23+$0x90];
	v29 =	vmax.f32 v14, v20;
	v14 =	vsub.f32 v39, v13;
	v62 =	vsub.f32 v54, v13;
	v9 =	vpop (erf)  }
0x2b9: {  	v26 =	vld [tilespmem:s23+$0x0];
	v30 =	vsub.f32 v30, v13;
	v13 =	vsub.f32 v45, v13;
	v45 =	vperm.xlane v37, v4;
	v11 =	vpop (erf)  }
0x2ba: {  	v32 =	vld [tilespmem:s23+$0xA0];
	(erf) = vpow2.f32 v0;
	v0 =	vmul.f32 $1.442695020e+00, v14;
	v14 =	vadd.f32 v6, v9;
	v43 =	vpop (erf)  }
0x2bb: {  	v20 =	vld [tilespmem:s23+$0x10];
	(v2sf) =	vpush v61, $0x0;
	v58 =	vmax.f32 v21, v15;
	v52 =	vmul.f32 $1.442695020e+00, v62;
	[tilespmem:$0x1FFC0] =	vst v43  }
0x2bc: {  	v63 =	vmul.f32 $1.442695020e+00, v13;
	v53 =	vmul.f32 $1.442695020e+00, v30;
	v33 =	vmax.f32 v37, v45;
	v46 =	vld [tilespmem:s23+$0xB0]  }
0x2bd: {  	v24 =	vsub.f32 v24, v33;
	(erf) = vpow2.f32 v0;
	v0 =	vadd.f32 v14, v60;
	v13 =	vpop (erf);
	v48 =	vld [tilespmem:s23+$0x80]  }
0x2be: {  	v19 =	vsub.f32 v19, v33;
	v16 =	vsub.f32 v16, v33;
	(erf) = vpow2.f32 v63;
	v14 =	vpop (erf)  }
0x2bf: {  	v30 =	vadd.f32 v11, v43;
	v50 =	vperm.xlane v0, v1;
	v51 =	vadd.f32 v14, v13  }
0x2c0: {  	v12 =	vsub.f32 v12, v33;
	v19 =	vmul.f32 $1.442695020e+00, v19;
	v24 =	vmul.f32 $1.442695020e+00, v24  }
0x2c1: {  	v16 =	vmul.f32 $1.442695020e+00, v16;
	v0 =	vadd.f32 v0, v50;
	v54 =	vpop (erf);
	v30 =	vadd.f32 v51, v30  }
0x2c2: {  	v51 =	vmul.f32 v54, v25;
	v25 =	vmax.f32 v32, v46;
	v59 =	vmax.f32 v48, v44  }
0x2c3: {  	v12 =	vmul.f32 $1.442695020e+00, v12;
	v60 =	vperm.xlane v0, v2;
	v25 =	vmax.f32 v59, v25  }
0x2c4: {  	s25 =	simm.s32 $0x8;
	v57 =	vmax.f32 v26, v20;
	v61 =	vperm.xlane v30, v1;
	v62 =	vperm.xlane v25, v1  }
0x2c5: {  	s0 =	sand.u32 $0xFE, s25;
	v35 =	vmax.f32 v57, v58;
	(erf) = vpow2.f32 v42;
	v0 =	vadd.f32 v0, v60  }
0x2c6: {  	v63 =	vperm.xlane v35, v1;
	v50 =	vld [tilespmem:s0+$0x10300];
	v30 =	vadd.f32 v30, v61;
	v25 =	vmax.f32 v25, v62  }
0x2c7: {  	v45 =	vperm.xlane v0, v3;
	v42 =	vperm.xlane v25, v2  }
0x2c8: {  	(erf) = vpow2.f32 v19;
	v43 =	vperm.xlane v30, v2  }
0x2c9: {  	v35 =	vmax.f32 v35, v63;
	v0 =	vadd.f32 v0, v45;
	v25 =	vmax.f32 v25, v42  }
0x2ca: {  	v19 =	vperm.xlane v35, v2;
	v38 =	vadd.f32 v30, v43;
	v59 =	vperm.xlane v25, v3  }
0x2cb: {  	(v2sf) =	vpush v50, $0x0;
	v50 =	vmul.f32 v54, v28;
	v61 =	vperm.xlane v0, v4  }
0x2cc: {  	v30 =	vpop (erf);
	(erf) = vpow2.f32 v24;
	v60 =	vperm.xlane v38, v3;
	v24 =	vmax.f32 v25, v59  }
0x2cd: {  	s26 =	simm.s32 $0x8500;
	(erf) = vpow2.f32 v16;
	v16 =	vpop (erf);
	v0 =	vadd.f32 v0, v61;
	v62 =	vperm.xlane v24, v4  }
0x2ce: {  	s28 =	simm.s32 $0x1030B;
	v39 =	vld [tilespmem:s26+$0xA0];
	v55 =	vadd.f32 v8, v30;
	(erf) = vpow2.f32 v12;
	v12 =	vpop (erf);
	v56 =	vadd.f32 v38, v60  }
0x2cf: {  	v57 =	vld [tilespmem:s28+$0x0];
	v38 =	vmax.f32 v35, v19;
	v19 =	vpop (erf);
	(erf) = vrcp.f32 v0;
	v24 =	vmax.f32 v24, v62  }
0x2d0: {  	v25 =	vld [tilespmem:s26+$0x30];
	v63 =	vperm.xlane v56, v4;
	v62 =	vadd.f32 v7, v19;
	v59 =	vsub.f32 v44, v24  }
0x2d1: {  	v35 =	vld [tilespmem:s26+$0x20];
	(erf) = vpow2.f32 v53;
	v32 =	vsub.f32 v32, v24;
	v0 =	vsub.f32 v48, v24  }
0x2d2: {  	v60 =	vsub.f32 v46, v24;
	v48 =	vld [tilespmem:s26+$0xB0];
	v53 =	vadd.f32 v62, v55;
	v55 =	vmul.f32 v54, v27  }
0x2d3: {  	v33 =	vld [tilespmem:s26+$0x10];
	v61 =	vmul.f32 $1.442695020e+00, v59;
	v42 =	vmul.f32 $1.442695020e+00, v32  }
0x2d4: {  	(v2sf) =	vpush v57, $0x0;
	v24 =	vpop (erf);
	v46 =	vmul.f32 $1.442695020e+00, v0;
	v0 =	vmul.f32 $1.442695020e+00, v60;
	v32 =	vld [tilespmem:s26+$0x0]  }
0x2d5: {  	v45 =	vld [tilespmem:s26+$0x90];
	v56 =	vadd.f32 v56, v63;
	v27 =	vpop (erf);
	v57 =	vperm.xlane v53, v1;
	(erf) = vpow2.f32 v61  }
0x2d6: {  	v44 =	vld [tilespmem:s26+$0x80];
	v28 =	vpop (erf);
	v59 =	vadd.f32 v24, v27;
	v61 =	vmax.f32 v35, v25;
	(erf) = vpow2.f32 v0  }
0x2d7: {  	s2 =	spop (v2sf);
	v0 =	vmax.f32 v31, v41;
	v31 =	vpop (erf);
	v53 =	vadd.f32 v53, v57;
	v62 =	vmax.f32 v39, v48  }
0x2d8: {  	s0 =	sshll.u32 s2, $0x9;
	v41 =	vperm.xlane v0, v4;
	v60 =	vadd.f32 v31, v28;
	(erf) = vrcp.f32 v56  }
0x2d9: {  	s0 =	sshra.s32 s0, $0x2;
	v56 =	vmul.f32 v54, v34;
	v63 =	vmax.f32 v32, v33;
	v34 =	vpop (erf);
	(erf) = vpow2.f32 v52  }
0x2da: {  	[tilespmem:s0+$0x10480] =	vst.add.f32.msk $0xffff, v51;
	v52 =	vperm.xlane v53, v2;
	v0 =	vmax.f32 v0, v41;
	v57 =	vadd.f32 v60, v59  }
0x2db: {  	v51 =	vld [tilespmem:$0x1FFB0];
	v58 =	vmul.f32 v34, v49;
	v54 =	vmax.f32 v63, v61;
	v63 =	vmax.f32 v44, v45  }
0x2dc: {  	v61 =	vmax.f32 v63, v62;
	v49 =	vsub.f32 v23, v0;
	v59 =	vperm.xlane v57, v1  }
0x2dd: {  	s30 =	simm.s32 $0xA;
	v43 =	vperm.xlane v61, v1  }
0x2de: {  	s23 =	sand.u32 $0xFE, s30;
	v52 =	vadd.f32 v53, v52;
	v53 =	vadd.f32 v57, v59;
	v57 =	vmul.f32 $1.442695020e+00, v49  }
0x2df: {  	s18 =	spop (v2sf);
	v62 =	vsub.f32 v40, v0;
	v43 =	vmax.f32 v61, v43;
	v61 =	vld [tilespmem:s23+$0x10300]  }
0x2e0: {  	s20 =	spop (v2sf);
	v59 =	vsub.f32 v47, v0;
	(erf) = vpow2.f32 v57;
	v57 =	vsub.f32 v51, v0;
	v0 =	vld [tilespmem:$0x1FFC0]  }
0x2e1: {  	s19 =	spop (v2sf);
	v63 =	vperm.xlane v54, v1;
	v41 =	vpop (erf)  }
0x2e2: {  	s25 =	spop (v2sf);
	v36 =	vperm.xlane v29, v3;
	v23 =	vpop (erf)  }
0x2e3: {  	s21 =	spop (v2sf);
	v37 =	vperm.xlane v38, v3;
	v63 =	vmax.f32 v54, v63;
	v54 =	vperm.xlane v43, v2;
	v40 =	vpop (erf)  }
0x2e4: {  	s31 =	simm.s32 $0x8600;
	s2 =	sshll.u32 s18, $0x9;
	s24 =	spop (v2sf);
	v51 =	vperm.xlane v53, v2;
	[tilespmem:s0+$0x104A0] =	vst.add.f32.msk $0xffff, v50;
	v50 =	vperm.xlane v63, v2;
	v47 =	vpop (erf);
	(v2sf) =	vpush v61, $0x0  }
0x2e5: {  	s18 =	sshll.u32 s20, $0x9;
	s22 =	sshll.u32 s21, $0x9;
	s26 =	spop (v2sf);
	v60 =	vmul.f32 v47, v0;
	v0 =	vmax.f32 v43, v54;
	v43 =	vperm.xlane v52, v3  }
0x2e6: {  	s21 =	sshll.u32 s24, $0x9;
	s29 =	spop (v2sf);
	s23 =	sshll.u32 s19, $0x9;
	[tilespmem:s0+$0x10490] =	vst.add.f32.msk $0xffff, v55;
	v55 =	vmul.f32 $1.442695020e+00, v59;
	v59 =	vmul.f32 $1.442695020e+00, v62;
	v54 =	vadd.f32 v53, v51  }
0x2e7: {  	s19 =	sshll.u32 s26, $0x9;
	s26 =	sshra.s32 s18, $0x2;
	[tilespmem:s0+$0x104B0] =	vst.add.f32.msk $0xffff, v56;
	s0 =	spop (v2sf);
	v51 =	vmax.f32 v63, v50;
	v53 =	vperm.xlane v0, v3;
	v56 =	vadd.f32 v52, v43  }
0x2e8: {  	s20 =	sshll.u32 s29, $0x9;
	s29 =	sshra.s32 s2, $0x2;
	v49 =	vadd.f32 v16, v41;
	[tilespmem:s26+$0x10480] =	vst.add.f32.msk $0xffff, v58;
	s24 =	spop (v2sf);
	v58 =	vmul.f32 $1.442695020e+00, v57;
	v50 =	vperm.xlane v51, v3  }
0x2e9: {  	s25 =	sshll.u32 s25, $0x9;
	s18 =	sshll.u32 s0, $0x9;
	s24 =	sshll.u32 s24, $0x9;
	[tilespmem:s29+$0x10480] =	vst.add.f32.msk $0xffff, v60;
	v61 =	vperm.xlane v54, v3;
	v57 =	vmax.f32 v0, v53;
	v43 =	vpop (erf);
	v60 =	vperm.xlane v56, v4  }
.LBB2_8:
0x2ea: {  	(erf) = vpow2.f32 v59;
	v0 =	vmul.f32 v47, v11;
	v11 =	vmovc v24;
	v52 =	vmovc v41;
	v41 =	vmov v7  }
0x2eb: {  	s30 =	sadd.s32 $0x2, s30;
	v53 =	vld [tilespmem:s31+$0x30];
	v7 =	vmovc v12;
	v12 =	vmovc v40;
	v40 =	vmov v9;
	v9 =	vmov v19;
	v19 =	vmov v43  }
0x2ec: {  	v59 =	vperm.xlane v57, v4;
	s2 =	sand.u32 $0xFE, s30;
	v43 =	vld [tilespmem:s31+$0xA0];
	p0 =	slt.u32 s30, $0xFE;
	(erf) = vpow2.f32 v55;
	v54 =	vadd.f32 v54, v61;
	v55 =	vmovc v29;
	v29 =	vmovc v38  }
0x2ed: {  	s28 =	sadd.s32 $0x2, s28;
	v60 =	vadd.f32 v56, v60;
	v61 =	vmul.f32 v47, v13;
	v24 =	vpop (erf);
	(erf) = vpow2.f32 v58;
	[tilespmem:s29+$0x10490] =	vst.add.f32.msk $0xffff, v0  }
0x2ee: {  	v47 =	vmul.f32 v47, v14;
	v13 =	vmovc v28;
	v57 =	vmax.f32 v57, v59;
	v56 =	vld [tilespmem:s28+$0x0];
	v58 =	vperm.xlane v54, v4  }
0x2ef: {  	v14 =	vmovc v31;
	v38 =	vmovc v51;
	v28 =	vsub.f32 v45, v57;
	v59 =	vsub.f32 v39, v57;
	v45 =	vld [tilespmem:s31+$0x90];
	(erf) = vrcp.f32 v60  }
0x2f0: {  	v31 =	vsub.f32 v44, v57;
	v44 =	vsub.f32 v48, v57;
	v0 =	vmovc v36;
	(erf) = vpow2.f32 v46;
	[tilespmem:s29+$0x104A0] =	vst.add.f32.msk $0xffff, v61  }
0x2f1: {  	v48 =	vadd.f32 v7, v19;
	v36 =	vmovc v37;
	v28 =	vmul.f32 $1.442695020e+00, v28;
	v51 =	vmul.f32 $1.442695020e+00, v59;
	[tilespmem:s29+$0x104B0] =	vst.add.f32.msk $0xffff, v47;
	v39 =	vmovc v43  }
0x2f2: {  	v37 =	vmovc v50;
	v46 =	vmul.f32 $1.442695020e+00, v31;
	v31 =	vmul.f32 $1.442695020e+00, v44;
	v47 =	vadd.f32 v54, v58;
	v43 =	vld [tilespmem:s31+$0x10]  }
0x2f3: {  	v49 =	vadd.f32 v48, v49;
	v54 =	vmul.f32 v34, v5;
	v5 =	vmovc v8;
	v8 =	vmovc v16;
	v50 =	vld [tilespmem:s31+$0x0];
	s0 =	spop (v2sf);
	(erf) = vpow2.f32 v28  }
0x2f4: {  	v40 =	vmul.f32 v34, v40;
	v0 =	vmax.f32 v55, v0;
	v62 =	vld [tilespmem:s31+$0x20];
	s0 =	sshll.u32 s0, $0x9;
	(erf) = vpow2.f32 v31;
	v63 =	vpop (erf)  }
0x2f5: {  	v55 =	vperm.xlane v0, v4;
	v58 =	vmul.f32 v34, v6;
	v48 =	vld [tilespmem:s31+$0xB0];
	v57 =	vadd.f32 v24, v63;
	v28 =	vpop (erf)  }
0x2f6: {  	v16 =	vmov v23;
	v59 =	vperm.xlane v49, v1;
	v44 =	vld [tilespmem:s31+$0x80];
	(v2sf) =	vpush v56, $0x0;
	v31 =	vpop (erf)  }
0x2f7: {  	v6 =	vmovc v41;
	v0 =	vmax.f32 v0, v55;
	v23 =	vadd.f32 v31, v28;
	[tilespmem:s26+$0x104A0] =	vst.add.f32.msk $0xffff, v40;
	(erf) = vrcp.f32 v47  }
0x2f8: {  	v56 =	vsub.f32 v18, v0;
	v47 =	vadd.f32 v49, v59;
	v40 =	vmax.f32 v50, v43;
	v34 =	vpop (erf);
	[tilespmem:s26+$0x10490] =	vst.add.f32.msk $0xffff, v54  }
0x2f9: {  	v55 =	vmax.f32 v62, v53;
	v41 =	vpop (erf);
	v49 =	vadd.f32 v23, v57;
	v59 =	vmul.f32 v34, v30;
	[tilespmem:s26+$0x104B0] =	vst.add.f32.msk $0xffff, v58  }
0x2fa: {  	v18 =	vmovc v26;
	s26 =	sshra.s32 s25, $0x2;
	s25 =	smov.u32 s21;
	s21 =	smov.u32 s20;
	v30 =	vmax.f32 v40, v55;
	v54 =	vld [tilespmem:s2+$0x10300];
	v40 =	vmax.f32 v39, v48;
	(erf) = vpow2.f32 v42;
	v42 =	vmovc v51  }
0x2fb: {  	s20 =	smov.u32 s24;
	v51 =	vperm.xlane v47, v2;
	v26 =	vmax.f32 v44, v45;
	v55 =	vperm.xlane v49, v1;
	[tilespmem:s26+$0x10480] =	vst.add.f32.msk $0xffff, v59  }
0x2fc: {  	v57 =	vperm.xlane v30, v1;
	v59 =	vsub.f32 v17, v0;
	v26 =	vmax.f32 v26, v40;
	v23 =	vpop (erf)  }
0x2fd: {  	v60 =	vadd.f32 v47, v51;
	v58 =	vperm.xlane v26, v1;
	v40 =	vpop (erf);
	v51 =	vadd.f32 v49, v55  }
0x2fe: {  	v22 =	vsub.f32 v22, v0;
	v17 =	vmovc v20;
	v20 =	vmovc v33;
	v49 =	vadd.f32 v16, v41;
	v59 =	vmul.f32 $1.442695020e+00, v59  }
0x2ff: {  	v33 =	vmovc v43;
	v30 =	vmax.f32 v30, v57;
	v26 =	vmax.f32 v26, v58;
	v55 =	vperm.xlane v51, v2  }
0x300: {  	v61 =	vperm.xlane v26, v2;
	(v2sf) =	vpush v54, $0x0;
	(erf) = vpow2.f32 v59;
	v47 =	vpop (erf)  }
0x301: {  	v0 =	vsub.f32 v10, v0;
	v10 =	vmovc v15;
	v54 =	vadd.f32 v51, v55;
	v27 =	vmul.f32 v47, v27  }
.Ltmp3:
0x302: {  	s29 =	sshra.s32 s23, $0x2;
	s23 =	smov.u32 s22;
	v15 =	vmovc v25;
	v51 =	vperm.xlane v30, v2;
	v57 =	vmax.f32 v26, v61;
	v61 =	vperm.xlane v60, v3;
	(pc) =	sbr.rel @p0 .LBB2_8-.Ltmp3, $4  }
0x303: {  	s22 =	smov.u32 s19;
	s19 =	smov.u32 s18;
	s18 =	smov.u32 s0;
	v25 =	vmov v53;
	v55 =	vmul.f32 $1.442695020e+00, v22;
	v58 =	vperm.xlane v57, v3;
	v43 =	vpop (erf);
	[tilespmem:s29+$0x10480] =	vst.add.f32.msk $0xffff, v27  }
0x304: {  	v59 =	vmul.f32 $1.442695020e+00, v56;
	v26 =	vmovc v32;
	v32 =	vmovc v50;
	v51 =	vmax.f32 v30, v51;
	v56 =	vadd.f32 v60, v61  }
0x305: {  	v22 =	vmovc v21;
	v21 =	vmovc v35;
	v50 =	vperm.xlane v51, v3;
	v57 =	vmax.f32 v57, v58;
	s0 =	spop (v2sf);
	v58 =	vmul.f32 $1.442695020e+00, v0  }
0x306: {  	s31 =	sadd.s32 $0x100, s31;
	v35 =	vmovc v62;
	v30 =	vmovc v52;
	v61 =	vperm.xlane v54, v3;
	v27 =	vmov v63;
	s24 =	sshll.u32 s0, $0x9;
	v60 =	vperm.xlane v56, v4  }
0x307: {  	(erf) = vpow2.f32 v59  }
0x308: {  	(erf) = vpow2.f32 v55  }
0x309: {  	(erf) = vpow2.f32 v58  }
0x30a: {  	v0 =	vperm.xlane v57, v4  }
0x30b: {  	v52 =	vadd.f32 v54, v61;
	v53 =	vadd.f32 v56, v60  }
0x30c: {  	v60 =	vadd.f32 v12, v43;
	v0 =	vmax.f32 v57, v0;
	v58 =	vmax.f32 v29, v36  }
0x30d: {  	v54 =	vperm.xlane v52, v4;
	v45 =	vsub.f32 v45, v0;
	v61 =	vperm.xlane v58, v4  }
0x30e: {  	(erf) = vrcp.f32 v53;
	v48 =	vsub.f32 v48, v0;
	v49 =	vadd.f32 v60, v49  }
0x30f: {  	v29 =	vpop (erf);
	(erf) = vpow2.f32 v46;
	v59 =	vmul.f32 $1.442695020e+00, v45;
	v53 =	vmax.f32 v58, v61  }
0x310: {  	v48 =	vmul.f32 $1.442695020e+00, v48;
	v52 =	vadd.f32 v52, v54;
	v17 =	vsub.f32 v17, v53;
	v46 =	vpop (erf)  }
0x311: {  	v63 =	vperm.xlane v49, v1;
	v18 =	vsub.f32 v18, v53;
	(erf) = vpow2.f32 v59;
	v36 =	vpop (erf)  }
0x312: {  	v22 =	vsub.f32 v22, v53;
	v17 =	vmul.f32 $1.442695020e+00, v17;
	(erf) = vpow2.f32 v48;
	v45 =	vpop (erf)  }
0x313: {  	v62 =	vadd.f32 v29, v46;
	(erf) = vrcp.f32 v52;
	v57 =	vadd.f32 v45, v36  }
0x314: {  	v10 =	vsub.f32 v10, v53;
	v18 =	vmul.f32 $1.442695020e+00, v18;
	(erf) = vpow2.f32 v42  }
0x315: {  	v59 =	vmul.f32 $1.442695020e+00, v22;
	(erf) = vpow2.f32 v17;
	v58 =	vadd.f32 v57, v62  }
0x316: {  	v10 =	vmul.f32 $1.442695020e+00, v10;
	(erf) = vpow2.f32 v18  }
0x317: {  	(erf) = vpow2.f32 v59;
	v48 =	vperm.xlane v58, v1  }
0x318: {  	v60 =	vadd.f32 v49, v63;
	v53 =	vpop (erf);
	(erf) = vpow2.f32 v10  }
0x319: {  	v22 =	vpop (erf);
	v42 =	vadd.f32 v58, v48  }
0x31a: {  	v49 =	vperm.xlane v60, v2;
	v17 =	vpop (erf)  }
0x31b: {  	v10 =	vpop (erf);
	v62 =	vperm.xlane v42, v2  }
0x31c: {  	v61 =	vadd.f32 v60, v49;
	v54 =	vpop (erf)  }
0x31d: {  	v18 =	vpop (erf);
	v63 =	vadd.f32 v42, v62  }
0x31e: {  	v59 =	vperm.xlane v61, v3;
	v42 =	vpop (erf)  }
0x31f: {  	v39 =	vsub.f32 v39, v0;
	v52 =	vpop (erf);
	v60 =	vperm.xlane v63, v3  }
0x320: {  	v57 =	vadd.f32 v23, v22;
	v55 =	vadd.f32 v61, v59;
	v48 =	vpop (erf)  }
0x321: {  	v59 =	vadd.f32 v40, v18;
	v49 =	vpop (erf);
	v56 =	vadd.f32 v63, v60  }
0x322: {  	v58 =	vperm.xlane v55, v4;
	v60 =	vadd.f32 v42, v52;
	v61 =	vadd.f32 v49, v48  }
0x323: {  	v0 =	vsub.f32 v44, v0;
	v57 =	vadd.f32 v59, v57  }
0x324: {  	v55 =	vadd.f32 v55, v58;
	v58 =	vadd.f32 v61, v60  }
0x325: {  	v37 =	vmax.f32 v38, v37;
	v0 =	vmul.f32 $1.442695020e+00, v0;
	v61 =	vperm.xlane v57, v1  }
0x326: {  	v62 =	vperm.xlane v37, v4;
	v63 =	vperm.xlane v58, v1  }
0x327: {  	(erf) = vrcp.f32 v55;
	v38 =	vadd.f32 v57, v61  }
0x328: {  	v37 =	vmax.f32 v37, v62;
	(erf) = vpow2.f32 v0;
	v61 =	vadd.f32 v58, v63  }
0x329: {  	v20 =	vsub.f32 v20, v37;
	v60 =	vperm.xlane v56, v4;
	v63 =	vperm.xlane v38, v2  }
0x32a: {  	v21 =	vsub.f32 v21, v37;
	v26 =	vsub.f32 v26, v37;
	v0 =	vperm.xlane v61, v2  }
0x32b: {  	v39 =	vmul.f32 $1.442695020e+00, v39;
	v62 =	vadd.f32 v56, v60;
	v38 =	vadd.f32 v38, v63  }
0x32c: {  	v20 =	vmul.f32 $1.442695020e+00, v20;
	v26 =	vmul.f32 $1.442695020e+00, v26;
	v0 =	vadd.f32 v61, v0  }
0x32d: {  	v15 =	vsub.f32 v15, v37;
	(erf) = vrcp.f32 v62;
	v58 =	vperm.xlane v38, v3  }
0x32e: {  	v60 =	vmax.f32 v51, v50;
	(erf) = vpow2.f32 v39;
	v59 =	vperm.xlane v0, v3  }
0x32f: {  	(erf) = vpow2.f32 v20;
	v61 =	vperm.xlane v60, v4;
	v20 =	vadd.f32 v38, v58  }
0x330: {  	v21 =	vmul.f32 $1.442695020e+00, v21;
	v15 =	vmul.f32 $1.442695020e+00, v15;
	v0 =	vadd.f32 v0, v59  }
0x331: {  	(erf) = vpow2.f32 v26;
	v37 =	vmax.f32 v60, v61;
	v62 =	vperm.xlane v20, v4  }
0x332: {  	(erf) = vpow2.f32 v21;
	v38 =	vsub.f32 v33, v37;
	v63 =	vperm.xlane v0, v4  }
0x333: {  	(erf) = vpow2.f32 v15;
	v39 =	vsub.f32 v32, v37;
	v20 =	vadd.f32 v20, v62  }
0x334: {  	v44 =	vsub.f32 v35, v37;
	v15 =	vmul.f32 $1.442695020e+00, v38;
	v0 =	vadd.f32 v0, v63  }
0x335: {  	v32 =	vpop (erf);
	v21 =	vmul.f32 $1.442695020e+00, v39;
	(erf) = vrcp.f32 v20  }
0x336: {  	v33 =	vpop (erf);
	v20 =	vmul.f32 $1.442695020e+00, v44;
	(erf) = vrcp.f32 v0;
	v0 =	vsub.f32 v25, v37  }
0x337: {  	v25 =	vpop (erf);
	(erf) = vpow2.f32 v15  }
0x338: {  	v15 =	vpop (erf);
	v0 =	vmul.f32 $1.442695020e+00, v0;
	(erf) = vpow2.f32 v21  }
0x339: {  	v21 =	vpop (erf);
	(erf) = vpow2.f32 v20  }
0x33a: {  	v20 =	vpop (erf);
	(erf) = vpow2.f32 v0;
	_ =	sdelay $0x1  }
0x33b: {  	v50 =	vadd.f32 v17, v33;
	v51 =	vadd.f32 v10, v15;
	v0 =	vpop (erf)  }
0x33c: {  	v11 =	vmul.f32 v47, v11;
	v55 =	vadd.f32 v21, v20;
	v37 =	vpop (erf)  }
0x33d: {  	v13 =	vmul.f32 v47, v13;
	v58 =	vadd.f32 v51, v50;
	v56 =	vadd.f32 v37, v0;
	v26 =	vpop (erf)  }
0x33e: {  	v5 =	vmul.f32 v34, v5;
	[tilespmem:s29+$0x10490] =	vst.add.f32.msk $0xffff, v11;
	v35 =	vpop (erf)  }
0x33f: {  	v9 =	vmul.f32 v34, v9;
	[tilespmem:s29+$0x104A0] =	vst.add.f32.msk $0xffff, v13;
	v60 =	vperm.xlane v58, v1;
	v59 =	vadd.f32 v56, v55;
	v38 =	vpop (erf)  }
0x340: {  	v6 =	vmul.f32 v34, v6;
	[tilespmem:s26+$0x10490] =	vst.add.f32.msk $0xffff, v5;
	v5 =	vmul.f32 v53, v30;
	v34 =	vpop (erf)  }
0x341: {  	[tilespmem:s26+$0x104A0] =	vst.add.f32.msk $0xffff, v9;
	v57 =	vmul.f32 v47, v14;
	v11 =	vadd.f32 v58, v60;
	v61 =	vperm.xlane v59, v1;
	v14 =	vpop (erf)  }
0x342: {  	s0 =	sshra.s32 s25, $0x2;
	[tilespmem:s26+$0x104B0] =	vst.add.f32.msk $0xffff, v6;
	v7 =	vmul.f32 v53, v7;
	v6 =	vmul.f32 v54, v27;
	v62 =	vadd.f32 v38, v34;
	v13 =	vpop (erf)  }
0x343: {  	s2 =	sshra.s32 s23, $0x2;
	[tilespmem:s0+$0x10480] =	vst.add.f32.msk $0xffff, v5;
	v5 =	vperm.xlane v11, v2;
	v9 =	vadd.f32 v59, v61;
	v63 =	vadd.f32 v13, v14  }
0x344: {  	v24 =	vmul.f32 v54, v24;
	[tilespmem:s2+$0x10480] =	vst.add.f32.msk $0xffff, v6;
	v6 =	vmul.f32 v54, v28  }
0x345: {  	[tilespmem:s0+$0x104B0] =	vst.add.f32.msk $0xffff, v7;
	v5 =	vadd.f32 v11, v5;
	v39 =	vperm.xlane v9, v2;
	v47 =	vadd.f32 v63, v62  }
0x346: {  	[tilespmem:s2+$0x104A0] =	vst.add.f32.msk $0xffff, v6;
	v6 =	vmul.f32 v53, v8;
	v44 =	vmul.f32 v54, v31  }
0x347: {  	[tilespmem:s2+$0x10490] =	vst.add.f32.msk $0xffff, v24;
	v51 =	vperm.xlane v5, v3;
	v9 =	vadd.f32 v9, v39;
	v54 =	vperm.xlane v47, v1  }
0x348: {  	[tilespmem:s0+$0x10490] =	vst.add.f32.msk $0xffff, v6;
	v6 =	vmul.f32 v32, v41;
	v7 =	vmul.f32 v25, v46  }
0x349: {  	s23 =	sshra.s32 s22, $0x2;
	[tilespmem:s29+$0x104B0] =	vst.add.f32.msk $0xffff, v57;
	v5 =	vadd.f32 v5, v51;
	v55 =	vperm.xlane v9, v3;
	v11 =	vadd.f32 v47, v54  }
0x34a: {  	s21 =	sshra.s32 s21, $0x2;
	[tilespmem:s23+$0x10480] =	vst.add.f32.msk $0xffff, v7;
	v7 =	vmul.f32 v25, v36  }
0x34b: {  	[tilespmem:s21+$0x10480] =	vst.add.f32.msk $0xffff, v6;
	v6 =	vperm.xlane v5, v4;
	v8 =	vadd.f32 v9, v55;
	v57 =	vperm.xlane v11, v2  }
0x34c: {  	v50 =	vmul.f32 v53, v19;
	[tilespmem:s23+$0x104A0] =	vst.add.f32.msk $0xffff, v7;
	v7 =	vmul.f32 v32, v16  }
0x34d: {  	[tilespmem:s2+$0x104B0] =	vst.add.f32.msk $0xffff, v44;
	v5 =	vadd.f32 v5, v6;
	v58 =	vperm.xlane v8, v4;
	v6 =	vadd.f32 v11, v57  }
0x34e: {  	[tilespmem:s21+$0x10490] =	vst.add.f32.msk $0xffff, v7;
	v60 =	vmul.f32 v32, v43;
	v7 =	vmul.f32 v26, v22  }
0x34f: {  	[tilespmem:s0+$0x104A0] =	vst.add.f32.msk $0xffff, v50;
	(erf) = vrcp.f32 v5;
	v8 =	vadd.f32 v8, v58;
	v5 =	vperm.xlane v6, v3  }
0x350: {  	s25 =	sshra.s32 s20, $0x2;
	v56 =	vmul.f32 v25, v29;
	[tilespmem:s21+$0x104A0] =	vst.add.f32.msk $0xffff, v60  }
0x351: {  	[tilespmem:s25+$0x10480] =	vst.add.f32.msk $0xffff, v7;
	(erf) = vrcp.f32 v8;
	v5 =	vadd.f32 v6, v5;
	v6 =	vmul.f32 v35, v52  }
0x352: {  	s26 =	sshra.s32 s19, $0x2;
	v7 =	vmul.f32 v35, v42;
	[tilespmem:s23+$0x10490] =	vst.add.f32.msk $0xffff, v56  }
0x353: {  	[tilespmem:s26+$0x10480] =	vst.add.f32.msk $0xffff, v6;
	v6 =	vmul.f32 v35, v48  }
0x354: {  	[tilespmem:s26+$0x10490] =	vst.add.f32.msk $0xffff, v7;
	v7 =	vmul.f32 v35, v49;
	v62 =	vperm.xlane v5, v4  }
0x355: {  	v59 =	vmul.f32 v25, v45;
	[tilespmem:s26+$0x104A0] =	vst.add.f32.msk $0xffff, v6;
	v6 =	vmul.f32 v26, v18  }
0x356: {  	v61 =	vmul.f32 v32, v12;
	[tilespmem:s26+$0x104B0] =	vst.add.f32.msk $0xffff, v7;
	v5 =	vadd.f32 v5, v62  }
0x357: {  	[tilespmem:s23+$0x104B0] =	vst.add.f32.msk $0xffff, v59  }
0x358: {  	v7 =	vmul.f32 v26, v23;
	[tilespmem:s21+$0x104B0] =	vst.add.f32.msk $0xffff, v61;
	(erf) = vrcp.f32 v5  }
0x359: {  	v5 =	vmul.f32 v26, v40;
	[tilespmem:s25+$0x104A0] =	vst.add.f32.msk $0xffff, v6;
	v6 =	vpop (erf)  }
0x35a: {  	[tilespmem:s25+$0x10490] =	vst.add.f32.msk $0xffff, v7;
	v7 =	vmul.f32 v6, v33;
	v63 =	vpop (erf)  }
0x35b: {  	s28 =	sshra.s32 s24, $0x2;
	[tilespmem:s25+$0x104B0] =	vst.add.f32.msk $0xffff, v5;
	v0 =	vmul.f32 v63, v0  }
0x35c: {  	s29 =	sshra.s32 s18, $0x2;
	v5 =	vmul.f32 v63, v20;
	[tilespmem:s28+$0x10480] =	vst.add.f32.msk $0xffff, v7  }
0x35d: {  	v7 =	vmul.f32 v63, v21;
	[tilespmem:s29+$0x104A0] =	vst.add.f32.msk $0xffff, v0;
	v0 =	vmul.f32 v6, v15  }
0x35e: {  	[tilespmem:s29+$0x10480] =	vst.add.f32.msk $0xffff, v5;
	v5 =	vmul.f32 v63, v37  }
0x35f: {  	[tilespmem:s29+$0x10490] =	vst.add.f32.msk $0xffff, v7  }
0x360: {  	[tilespmem:s29+$0x104B0] =	vst.add.f32.msk $0xffff, v5;
	v5 =	vmul.f32 v6, v17  }
0x361: {  	s30 =	spop (v2sf);
	v6 =	vmul.f32 v6, v10;
	[tilespmem:s28+$0x104A0] =	vst.add.f32.msk $0xffff, v0;
	v0 =	vpop (erf)  }
0x362: {  	s2 =	sshll.u32 s30, $0x9;
	[tilespmem:s28+$0x10490] =	vst.add.f32.msk $0xffff, v5;
	v5 =	vmul.f32 v0, v34  }
0x363: {  	s31 =	sshra.s32 s2, $0x2;
	[tilespmem:s28+$0x104B0] =	vst.add.f32.msk $0xffff, v6;
	v6 =	vmul.f32 v0, v38  }
0x364: {  	[tilespmem:s31+$0x10480] =	vst.add.f32.msk $0xffff, v5;
	v5 =	vmul.f32 v0, v14  }
0x365: {  	s17 =	sadd.s32 $0x1, s17;
	[tilespmem:s31+$0x10490] =	vst.add.f32.msk $0xffff, v6;
	v0 =	vmul.f32 v0, v13  }
0x366: {  	p0 =	sne.s32 s17, s9;
	[tilespmem:s31+$0x104A0] =	vst.add.f32.msk $0xffff, v5  }
.Ltmp4:
0x367: {  	[tilespmem:s31+$0x104B0] =	vst.add.f32.msk $0xffff, v0;
	(pc) =	sbr.rel @p0 .LBB2_1-.Ltmp4, $4  }
0x368: {  	[hbm4b:s8+s1] =	stream.linear.scatter [tilespmem:s15], [sflag:$0x4], $0x400, $0x38;
	[tilespmem:$0x10880] =	vst v63  }
0x369: {  	_ =	swait.ge [sflag:s16], $0x400  }
0x36a: {  	[sflag:s16] =	ssyncset.done $0x0  }
0x36b: {  	[sflag:s16] =	ssyncadd.s32 $0xFFFFFC00  }
0x36c: {  	_ =	sfence.sel $0x180000  }
0x36d: {  	[bflag:$0x0] =	sbarrier.arrive $0xFFFF  }
0x36e: {  	_ =	strace $0x90000047  }
0x36f: {  	s0 =	stileid.u32;
	[bflag:$0x2] =	sbarrier.arrive $0xFFFF  }
0x370: {  	p0 =	sne.s32 s0, $0x0;
	s0 =	rddreg [dreg:$0x2]  }
0x371: {  	s0 =	sadd.s32 @!p0 $0x100000, s0  }
0x372: {  	[sflag:s0] =	ssyncadd.tile.s32 @!p0 $0x1;
	_ =	shalt  }
.Lfunc_end2:
_tile_overlayer_lowered:
.L_overlay_start_2:
0x373: {  	(tag) =	ssettag $0x2  }
0x374: {  	s0 =	rddreg [dreg:$0x0];
	s2 =	stileid.u32  }
0x375: {  	s1 =	rddreg [dreg:$0x1];
	p0 =	sne.s32 s2, $0x0  }
0x376: {  	s3 =	rddreg [dreg:$0x2];
	[bflag:$0x3] =	sbarrier.arrive $0xFFFF;
	s2 =	simm.s32 @!p0 $0x1C04  }
0x377: {  	[timem:s3], [sflag:s2] =	dma.local @!p0 [hbm:s0], s1  }
0x378: {  	s0 =	simm.s32 @!p0 $0x4  }
0x379: {  	_ =	swait.ge @!p0 [sflag:s0], s1  }
0x37a: {  	s1 =	ssub.s32 @!p0 $0x0, s1;
	[sflag:s0] =	ssyncset.done @!p0 $0x0  }
0x37b: {  	[sflag:s0] =	ssyncadd.s32 @!p0 s1  }
0x37c: {  	[bflag:$0x3] =	sbarrier.arrive $0xFFFF  }
0x37d: {  	_ =	shalt  }

</sc_bundles>
